<compile_context>
chip_gen: v7x
topology: tpu7x:2x2x1
jax: 0.10.2.dev20260603
libtpu: 0.0.44.dev20260713+nightly
codegen_flags: <defaults>
</compile_context>

<pallas_src>
import functools

import jax
import jax.numpy as jnp
from jax import lax
from jax.experimental import pallas as pl
from jax.experimental.pallas import tpu as pltpu
from jax.experimental.pallas import tpu_sc as plsc

B = 1
T = 2048
D = 768
F = 3072
E = 8
K = 2

TILE = 256
NP = T * K
P = NP + E * TILE
NT = P // TILE


def _router_body(x_ref, wg_ref, logits_ref, probs_ref, w_ref, idx_ref,
                 dst_ref, te_ref):
    x = x_ref[...]
    wg = wg_ref[...]
    logits = jnp.dot(x, wg, preferred_element_type=jnp.float32)
    m = jnp.max(logits, axis=-1, keepdims=True)
    ex = jnp.exp(logits - m)
    probs = ex / jnp.sum(ex, axis=-1, keepdims=True)
    logits_ref[...] = logits
    probs_ref[...] = probs

    cols = jax.lax.broadcasted_iota(jnp.int32, (T, E), 1)
    m1 = jnp.max(probs, axis=-1, keepdims=True)
    i1 = jnp.min(jnp.where(probs == m1, cols, E), axis=-1, keepdims=True)
    masked = jnp.where(cols == i1, -jnp.inf, probs)
    m2 = jnp.max(masked, axis=-1, keepdims=True)
    i2 = jnp.min(jnp.where(masked == m2, cols, E), axis=-1, keepdims=True)
    w_ref[:, 0:1] = m1
    w_ref[:, 1:2] = m2
    idx_ref[:, 0:1] = i1
    idx_ref[:, 1:2] = i2

    oh0 = (cols == i1)
    oh1 = (cols == i2)
    oh01 = oh0.astype(jnp.int32) + oh1.astype(jnp.int32)
    c = oh01
    s = 1
    while s < T:
        c = c + jnp.concatenate(
            [jnp.zeros((s, E), jnp.int32), c[:T - s]], axis=0)
        s *= 2
    excl = c - oh01
    counts = c[T - 1:T, :]
    padded = ((counts + (TILE - 1)) // TILE) * TILE
    tri = (jax.lax.broadcasted_iota(jnp.int32, (E, E), 0)
           <= jax.lax.broadcasted_iota(jnp.int32, (E, E), 1))
    cum_pad = jnp.dot(padded.astype(jnp.float32), tri.astype(jnp.float32),
                      preferred_element_type=jnp.float32)
    cum_pad = cum_pad.astype(jnp.int32)
    pad_off = cum_pad - padded
    dst_ref[:, 0:1] = jnp.sum(
        jnp.where(oh0, excl + pad_off, 0), axis=1, keepdims=True)
    dst_ref[:, 1:2] = jnp.sum(
        jnp.where(oh1, excl + pad_off, 0), axis=1, keepdims=True)
    starts = jax.lax.broadcasted_iota(jnp.int32, (NT, 1), 0) * TILE
    te_ref[...] = jnp.sum(
        (starts >= cum_pad).astype(jnp.int32), axis=1, keepdims=True)


def _router(x_flat, Wg):
    return pl.pallas_call(
        _router_body,
        out_shape=(
            jax.ShapeDtypeStruct((T, E), jnp.float32),
            jax.ShapeDtypeStruct((T, E), jnp.float32),
            jax.ShapeDtypeStruct((T, K), jnp.float32),
            jax.ShapeDtypeStruct((T, K), jnp.int32),
            jax.ShapeDtypeStruct((T, K), jnp.int32),
            jax.ShapeDtypeStruct((NT, 1), jnp.int32),
        ),
    )(x_flat, Wg)


def _weight_copies(w1_hbm, w3_hbm, w2_hbm, w1b, w3b, w2b, sems, e, slot):
    return (
        pltpu.make_async_copy(w1_hbm.at[e], w1b.at[slot], sems.at[slot, 0]),
        pltpu.make_async_copy(w3_hbm.at[e], w3b.at[slot], sems.at[slot, 1]),
        pltpu.make_async_copy(w2_hbm.at[e], w2b.at[slot], sems.at[slot, 2]),
    )


def _ffn_body(te_ref, first_ref, slot_ref, nxt_ref,
              xd_ref, wp_ref, w1_hbm, w3_hbm, w2_hbm, ys_ref,
              w1b, w3b, w2b, sems):
    i = pl.program_id(0)
    s = slot_ref[i]

    @pl.when(i == 0)
    def _():
        for cp in _weight_copies(w1_hbm, w3_hbm, w2_hbm,
                                 w1b, w3b, w2b, sems, te_ref[0], 0):
            cp.start()

    @pl.when((first_ref[i] == 1) & (te_ref[i] < E))
    def _():
        @pl.when(nxt_ref[i] >= 0)
        def _():
            for cp in _weight_copies(w1_hbm, w3_hbm, w2_hbm,
                                     w1b, w3b, w2b, sems,
                                     nxt_ref[i], 1 - s):
                cp.start()

        for cp in _weight_copies(w1_hbm, w3_hbm, w2_hbm,
                                 w1b, w3b, w2b, sems, te_ref[i], s):
            cp.wait()

    @pl.when(te_ref[i] < E)
    def _():
        xb = xd_ref[...]
        a = jnp.dot(xb, w1b[s], preferred_element_type=jnp.float32)
        bb = jnp.dot(xb, w3b[s], preferred_element_type=jnp.float32)
        h = a * jax.nn.sigmoid(a) * bb
        y = jnp.dot(h, w2b[s], preferred_element_type=jnp.float32)
        ys_ref[...] = y * wp_ref[...]


def _expert_ffn(xd, w_of_pos, W1, W3, W2, tile_expert):
    te = tile_expert
    first = jnp.concatenate(
        [jnp.ones((1,), jnp.int32), (te[1:] != te[:-1]).astype(jnp.int32)])
    slot = (jnp.cumsum(first) - 1) % 2
    nxt = jnp.min(jnp.where(te[None, :] > te[:, None], te[None, :], E),
                  axis=1)
    nxt = jnp.where((nxt < E) & (te < E), nxt, -1)

    grid_spec = pltpu.PrefetchScalarGridSpec(
        num_scalar_prefetch=4,
        grid=(NT,),
        in_specs=[
            pl.BlockSpec((TILE, D), lambda i, *_: (i, 0)),
            pl.BlockSpec((TILE, 1), lambda i, *_: (i, 0)),
            pl.BlockSpec(memory_space=pl.ANY),
            pl.BlockSpec(memory_space=pl.ANY),
            pl.BlockSpec(memory_space=pl.ANY),
        ],
        out_specs=pl.BlockSpec((TILE, D), lambda i, *_: (i, 0)),
        scratch_shapes=[
            pltpu.VMEM((2, D, F), jnp.float32),
            pltpu.VMEM((2, D, F), jnp.float32),
            pltpu.VMEM((2, F, D), jnp.float32),
            pltpu.SemaphoreType.DMA((2, 3)),
        ],
    )
    return pl.pallas_call(
        _ffn_body,
        grid_spec=grid_spec,
        out_shape=jax.ShapeDtypeStruct((P, D), jnp.float32),
        compiler_params=pltpu.CompilerParams(
            vmem_limit_bytes=100 * 1024 * 1024),
    )(te, first, slot, nxt, xd, w_of_pos, W1, W3, W2)


NC = 2
NS = 16
NW = NC * NS
TPW = T // NW

_SC_MESH = plsc.VectorSubcoreMesh(core_axis_name="c", subcore_axis_name="s")


def _dispatch_body(dstT_hbm, wT_hbm, x_hbm, xd_hbm, wp_hbm,
                   idx0_v, idx1_v, w0_v, w1_v, rows_v, sems):
    wid = lax.axis_index("s") * NC + lax.axis_index("c")
    tbase = wid * TPW
    sl = pl.ds(tbase, TPW)
    cpx = pltpu.make_async_copy(x_hbm.at[sl], rows_v, sems.at[0])
    c0 = pltpu.make_async_copy(dstT_hbm.at[0, sl], idx0_v, sems.at[1])
    c1 = pltpu.make_async_copy(dstT_hbm.at[1, sl], idx1_v, sems.at[2])
    c2 = pltpu.make_async_copy(wT_hbm.at[0, sl], w0_v, sems.at[3])
    c3 = pltpu.make_async_copy(wT_hbm.at[1, sl], w1_v, sems.at[4])
    for cp in (cpx, c0, c1, c2, c3):
        cp.start()
    c0.wait()
    c1.wait()
    c2.wait()
    c3.wait()
    s0 = pltpu.make_async_copy(w0_v, wp_hbm.at[idx0_v], sems.at[1])
    s1 = pltpu.make_async_copy(w1_v, wp_hbm.at[idx1_v], sems.at[2])
    s0.start()
    s1.start()
    cpx.wait()
    s2 = pltpu.make_async_copy(rows_v, xd_hbm.at[idx0_v], sems.at[3])
    s3 = pltpu.make_async_copy(rows_v, xd_hbm.at[idx1_v], sems.at[4])
    s2.start()
    s3.start()
    for cp in (s0, s1, s2, s3):
        cp.wait()


@functools.partial(
    pl.kernel,
    out_type=(
        jax.ShapeDtypeStruct((P, D), jnp.float32),
        jax.ShapeDtypeStruct((P,), jnp.float32),
    ),
    mesh=_SC_MESH,
    scratch_types=[
        pltpu.VMEM((TPW,), jnp.int32),
        pltpu.VMEM((TPW,), jnp.int32),
        pltpu.VMEM((TPW,), jnp.float32),
        pltpu.VMEM((TPW,), jnp.float32),
        pltpu.VMEM((TPW, D), jnp.float32),
        pltpu.SemaphoreType.DMA((5,)),
    ],
)
def _sc_dispatch(dstT_hbm, wT_hbm, x_hbm, xd_hbm, wp_hbm, *rest):
    _dispatch_body(dstT_hbm, wT_hbm, x_hbm, xd_hbm, wp_hbm, *rest)


def _combine_body(ysw_hbm, dstT_hbm, out_hbm,
                  idx0_v, idx1_v, ga_v, gb_v, sem0, sem1):
    wid = lax.axis_index("s") * NC + lax.axis_index("c")
    tbase = wid * TPW
    pltpu.sync_copy(dstT_hbm.at[0, pl.ds(tbase, TPW)], idx0_v)
    pltpu.sync_copy(dstT_hbm.at[1, pl.ds(tbase, TPW)], idx1_v)
    cpa = pltpu.make_async_copy(ysw_hbm.at[idx0_v], ga_v, sem0)
    cpb = pltpu.make_async_copy(ysw_hbm.at[idx1_v], gb_v, sem1)
    cpa.start()
    cpb.start()
    cpa.wait()
    cpb.wait()

    def row(r, carry):
        for c in range(D // 16):
            sl = pl.ds(c * 16, 16)
            ga_v[r, sl] = ga_v[r, sl] + gb_v[r, sl]
        return carry

    lax.fori_loop(0, TPW, row, 0)
    pltpu.sync_copy(ga_v, out_hbm.at[pl.ds(tbase, TPW)])


@functools.partial(
    pl.kernel,
    out_type=jax.ShapeDtypeStruct((T, D), jnp.float32),
    mesh=_SC_MESH,
    scratch_types=[
        pltpu.VMEM((TPW,), jnp.int32),
        pltpu.VMEM((TPW,), jnp.int32),
        pltpu.VMEM((TPW, D), jnp.float32),
        pltpu.VMEM((TPW, D), jnp.float32),
        pltpu.SemaphoreType.DMA,
        pltpu.SemaphoreType.DMA,
    ],
)
def _sc_combine(ysw_hbm, dstT_hbm, out_hbm, *rest):
    _combine_body(ysw_hbm, dstT_hbm, out_hbm, *rest)


def kernel(x, Wg, W1, W3, W2):
    x_flat = x.reshape(T, D)
    logits, probs, topk_w, topk_idx, dst, te = _router(x_flat, Wg)

    dstT = dst.T
    wT = topk_w.T
    xd, w_of_pos = _sc_dispatch(dstT, wT, x_flat)
    ys = _expert_ffn(xd, w_of_pos.reshape(P, 1), W1, W3, W2,
                     te.reshape(NT))
    out = _sc_combine(ys, dstT)
    return out.reshape(B, T, D), probs, logits, topk_idx

# --- scband reference (transcript-rebuilt; emitter-appended) ---
"""Pipeline reference for scband-mo-elayer-15745350107277 (READ-ONLY COPY).

The authoritative reference and input builder live on the scoring server;
editing this copy changes nothing except your own understanding.
"""

import jax, jax.numpy as jnp
import numpy as np

B = 1
T = 2048
D = 768
F = 3072
E = 8
K = 2


def setup_inputs(seed: int = 0) -> dict:
    key = jax.random.key(seed)
    ks = jax.random.split(key, 5)
    x = jax.random.normal(ks[0], (B, T, D), dtype=jnp.float32)
    Wg = jax.random.normal(ks[1], (D, E), dtype=jnp.float32) * (D ** -0.5)
    W1 = jax.random.normal(ks[2], (E, D, F), dtype=jnp.float32) * (D ** -0.5)
    W3 = jax.random.normal(ks[3], (E, D, F), dtype=jnp.float32) * (D ** -0.5)
    W2 = jax.random.normal(ks[4], (E, F, D), dtype=jnp.float32) * (F ** -0.5)
    return {"x": x, "Wg": Wg, "W1": W1, "W3": W3, "W2": W2}


def reference(x, Wg, W1, W3, W2):
    B_, T_, D_ = x.shape
    x_flat = x.reshape(B_ * T_, D_)
    # TopKRouter: linear -> softmax -> top-k
    logits = x_flat @ Wg
    full_probs = jax.nn.softmax(logits, axis=-1)
    topk_w, topk_idx = jax.lax.top_k(full_probs, K)
    # Expert dispatch. Torch version gathers routed tokens per expert and
    # index_add's weighted outputs; mathematically identical to computing each
    # expert densely and masking with the per-token routing weight (weight is
    # 0 for tokens not routed to that expert).
    out = jnp.zeros_like(x_flat)
    for e in range(E):
        w_e = jnp.sum(jnp.where(topk_idx == e, topk_w, 0.0), axis=-1)  # [BT]
        h = jax.nn.silu(x_flat @ W1[e]) * (x_flat @ W3[e])  # SwiGLU expert
        y = h @ W2[e]
        out = out + y * w_e[:, None]
    # n_shared = 0: no shared experts
    return out.reshape(B_, T_, D_), full_probs, logits, topk_idx

if __name__ == "__main__":
    import jax
    _d = setup_inputs()
    print(jax.jit(kernel)(*tuple(_d.values())))

</pallas_src>

<mosaic_0001>
#map = affine_map<(d0, d1) -> (0, 0)>
module attributes {stable_mosaic.version = 14 : i64} {
  func.func @_sc_combine(%arg0: i32, %arg1: i32, %arg2: memref<6144x768xf32, #tpu.memory_space<hbm>>, %arg3: memref<2x2048xi32, #tpu.memory_space<hbm>>, %arg4: memref<2048x768xf32, #tpu.memory_space<hbm>>, %arg5: memref<64xi32, #tpu.memory_space<vmem>>, %arg6: memref<64xi32, #tpu.memory_space<vmem>>, %arg7: memref<64x768xf32, #tpu.memory_space<vmem>>, %arg8: memref<64x768xf32, #tpu.memory_space<vmem>>, %arg9: memref<!tpu.dma_semaphore, #tpu.memory_space<semaphore_mem>>, %arg10: memref<!tpu.dma_semaphore, #tpu.memory_space<semaphore_mem>>) attributes {dimension_semantics = [#tpu.dimension_semantics<core_parallel>, #tpu.dimension_semantics<subcore_parallel>], iteration_bounds = array<i64: 2, 16>, scalar_prefetch = 0 : i64, scratch_operands = 6 : i64, tpu.core_type = #tpu.core_type<sc_vector_subcore>, window_params = [{transform_indices = #map}, {transform_indices = #map}, {transform_indices = #map}]} {
    %mul3A = arith.constant 2 : i32
    %mul3A_0 = arith.muli %arg1, %mul3A : i32
    %add3A = arith.addi %mul3A_0, %arg0 : i32
    %mul3A_1 = arith.constant 64 : i32
    %mul3A_2 = arith.muli %add3A, %mul3A_1 : i32
    %run_scoped3A = arith.constant 0 : i32
    "tpu.region"() ({
      %run_scoped3A_19 = tpu.sem_alloc : memref<!tpu.dma_semaphore, #tpu.memory_space<semaphore_mem>>
      %dma_start3A_20 = tpu.memref_slice %arg3[%run_scoped3A, %mul3A_2] : memref<2x2048xi32, #tpu.memory_space<hbm>> -> memref<1x64xi32, #tpu.memory_space<hbm>>
      %dma_start3A_21 = tpu.memref_squeeze %dma_start3A_20 : memref<1x64xi32, #tpu.memory_space<hbm>> -> memref<64xi32, #tpu.memory_space<hbm>>
      %dma_start3A_22 = tpu.memref_slice %arg3[%run_scoped3A, %mul3A_2] : memref<2x2048xi32, #tpu.memory_space<hbm>> -> memref<1x64xi32, #tpu.memory_space<hbm>>
      %dma_start3A_23 = tpu.memref_squeeze %dma_start3A_22 : memref<1x64xi32, #tpu.memory_space<hbm>> -> memref<64xi32, #tpu.memory_space<hbm>>
      tpu.enqueue_dma source(%dma_start3A_23 : memref<64xi32, #tpu.memory_space<hbm>>) target(%arg5 : memref<64xi32, #tpu.memory_space<vmem>>) target_semaphore(%run_scoped3A_19 : memref<!tpu.dma_semaphore, #tpu.memory_space<semaphore_mem>>)
      %dma_wait3A_24 = tpu.memref_slice %arg3[%run_scoped3A, %mul3A_2] : memref<2x2048xi32, #tpu.memory_space<hbm>> -> memref<1x64xi32, #tpu.memory_space<hbm>>
      %dma_wait3A_25 = tpu.memref_squeeze %dma_wait3A_24 : memref<1x64xi32, #tpu.memory_space<hbm>> -> memref<64xi32, #tpu.memory_space<hbm>>
      %dma_wait3A_26 = tpu.memref_slice %arg3[%run_scoped3A, %mul3A_2] : memref<2x2048xi32, #tpu.memory_space<hbm>> -> memref<1x64xi32, #tpu.memory_space<hbm>>
      %dma_wait3A_27 = tpu.memref_squeeze %dma_wait3A_26 : memref<1x64xi32, #tpu.memory_space<hbm>> -> memref<64xi32, #tpu.memory_space<hbm>>
      tpu.wait_dma2 semaphore(%run_scoped3A_19 : memref<!tpu.dma_semaphore, #tpu.memory_space<semaphore_mem>>) src(%dma_wait3A_27 : memref<64xi32, #tpu.memory_space<hbm>>) dst(%arg5 : memref<64xi32, #tpu.memory_space<vmem>>)
      tpu.yield
    }) : () -> ()
    %run_scoped3A_3 = arith.constant 1 : i32
    "tpu.region"() ({
      %run_scoped3A_19 = tpu.sem_alloc : memref<!tpu.dma_semaphore, #tpu.memory_space<semaphore_mem>>
      %dma_start3A_20 = tpu.memref_slice %arg3[%run_scoped3A_3, %mul3A_2] : memref<2x2048xi32, #tpu.memory_space<hbm>> -> memref<1x64xi32, #tpu.memory_space<hbm>>
      %dma_start3A_21 = tpu.memref_squeeze %dma_start3A_20 : memref<1x64xi32, #tpu.memory_space<hbm>> -> memref<64xi32, #tpu.memory_space<hbm>>
      %dma_start3A_22 = tpu.memref_slice %arg3[%run_scoped3A_3, %mul3A_2] : memref<2x2048xi32, #tpu.memory_space<hbm>> -> memref<1x64xi32, #tpu.memory_space<hbm>>
      %dma_start3A_23 = tpu.memref_squeeze %dma_start3A_22 : memref<1x64xi32, #tpu.memory_space<hbm>> -> memref<64xi32, #tpu.memory_space<hbm>>
      tpu.enqueue_dma source(%dma_start3A_23 : memref<64xi32, #tpu.memory_space<hbm>>) target(%arg6 : memref<64xi32, #tpu.memory_space<vmem>>) target_semaphore(%run_scoped3A_19 : memref<!tpu.dma_semaphore, #tpu.memory_space<semaphore_mem>>)
      %dma_wait3A_24 = tpu.memref_slice %arg3[%run_scoped3A_3, %mul3A_2] : memref<2x2048xi32, #tpu.memory_space<hbm>> -> memref<1x64xi32, #tpu.memory_space<hbm>>
      %dma_wait3A_25 = tpu.memref_squeeze %dma_wait3A_24 : memref<1x64xi32, #tpu.memory_space<hbm>> -> memref<64xi32, #tpu.memory_space<hbm>>
      %dma_wait3A_26 = tpu.memref_slice %arg3[%run_scoped3A_3, %mul3A_2] : memref<2x2048xi32, #tpu.memory_space<hbm>> -> memref<1x64xi32, #tpu.memory_space<hbm>>
      %dma_wait3A_27 = tpu.memref_squeeze %dma_wait3A_26 : memref<1x64xi32, #tpu.memory_space<hbm>> -> memref<64xi32, #tpu.memory_space<hbm>>
      tpu.wait_dma2 semaphore(%run_scoped3A_19 : memref<!tpu.dma_semaphore, #tpu.memory_space<semaphore_mem>>) src(%dma_wait3A_27 : memref<64xi32, #tpu.memory_space<hbm>>) dst(%arg6 : memref<64xi32, #tpu.memory_space<vmem>>)
      tpu.yield
    }) : () -> ()
    %dma_start3A = arith.constant 0 : i32
    %dma_start3A_4 = arith.constant 0 : i32
    %dma_start3A_5 = tpu.memref_slice %arg2[%dma_start3A, %dma_start3A_4] : memref<6144x768xf32, #tpu.memory_space<hbm>> -> memref<6144x768xf32, #tpu.memory_space<hbm>>
    tpu.enqueue_indirect_dma source(%dma_start3A_5 : memref<6144x768xf32, #tpu.memory_space<hbm>>) target(%arg7 : memref<64x768xf32, #tpu.memory_space<vmem>>) offsets(%arg5 : memref<64xi32, #tpu.memory_space<vmem>>) semaphore(%arg9 : memref<!tpu.dma_semaphore, #tpu.memory_space<semaphore_mem>>)
    %dma_start3A_6 = arith.constant 0 : i32
    %dma_start3A_7 = arith.constant 0 : i32
    %dma_start3A_8 = tpu.memref_slice %arg2[%dma_start3A_6, %dma_start3A_7] : memref<6144x768xf32, #tpu.memory_space<hbm>> -> memref<6144x768xf32, #tpu.memory_space<hbm>>
    tpu.enqueue_indirect_dma source(%dma_start3A_8 : memref<6144x768xf32, #tpu.memory_space<hbm>>) target(%arg8 : memref<64x768xf32, #tpu.memory_space<vmem>>) offsets(%arg6 : memref<64xi32, #tpu.memory_space<vmem>>) semaphore(%arg10 : memref<!tpu.dma_semaphore, #tpu.memory_space<semaphore_mem>>)
    %dma_wait3A = arith.constant 0 : i32
    %dma_wait3A_9 = arith.constant 0 : i32
    %dma_wait3A_10 = tpu.memref_slice %arg2[%dma_wait3A, %dma_wait3A_9] : memref<6144x768xf32, #tpu.memory_space<hbm>> -> memref<6144x768xf32, #tpu.memory_space<hbm>>
    tpu.wait_indirect_dma semaphore(%arg9 : memref<!tpu.dma_semaphore, #tpu.memory_space<semaphore_mem>>) src(%dma_wait3A_10 : memref<6144x768xf32, #tpu.memory_space<hbm>>) dst(%arg7 : memref<64x768xf32, #tpu.memory_space<vmem>>)
    %dma_wait3A_11 = arith.constant 0 : i32
    %dma_wait3A_12 = arith.constant 0 : i32
    %dma_wait3A_13 = tpu.memref_slice %arg2[%dma_wait3A_11, %dma_wait3A_12] : memref<6144x768xf32, #tpu.memory_space<hbm>> -> memref<6144x768xf32, #tpu.memory_space<hbm>>
    tpu.wait_indirect_dma semaphore(%arg10 : memref<!tpu.dma_semaphore, #tpu.memory_space<semaphore_mem>>) src(%dma_wait3A_13 : memref<6144x768xf32, #tpu.memory_space<hbm>>) dst(%arg8 : memref<64x768xf32, #tpu.memory_space<vmem>>)
    %scan3A = arith.constant 0 : i32
    %scan3A_14 = arith.constant 0 : i32
    %scan3A_15 = arith.constant 64 : i32
    %scan3A_16 = arith.addi %scan3A_14, %scan3A_15 : i32
    %scan3A_17 = arith.constant 1 : i32
    scf.for %scan3A_19 = %scan3A_14 to %scan3A_16 step %scan3A_17  : i32 {
      %get3A = arith.index_cast %scan3A_19 : i32 to index
      %get3A_20 = arith.constant 0 : index
      %get3A_21 = tpu.vector_load %arg7[%get3A, %get3A_20] {strides = array<i32>} : memref<64x768xf32, #tpu.memory_space<vmem>>, vector<1x16xf32>,
      %get3A_22 = vector.shape_cast %get3A_21 : vector<1x16xf32> to vector<16xf32>
      %get3A_23 = arith.index_cast %scan3A_19 : i32 to index
      %get3A_24 = arith.constant 0 : index
      %get3A_25 = tpu.vector_load %arg8[%get3A_23, %get3A_24] {strides = array<i32>} : memref<64x768xf32, #tpu.memory_space<vmem>>, vector<1x16xf32>,
      %get3A_26 = vector.shape_cast %get3A_25 : vector<1x16xf32> to vector<16xf32>
      %add3A_27 = arith.addf %get3A_22, %get3A_26 : vector<16xf32>
      %swap3A = arith.index_cast %scan3A_19 : i32 to index
      %swap3A_28 = arith.constant 0 : index
      %swap3A_29 = tpu.vector_load %arg7[%swap3A, %swap3A_28] {strides = array<i32>} : memref<64x768xf32, #tpu.memory_space<vmem>>, vector<1x16xf32>,
      %swap3A_30 = vector.shape_cast %swap3A_29 : vector<1x16xf32> to vector<16xf32>
      %swap3A_31 = vector.shape_cast %add3A_27 : vector<16xf32> to vector<1x16xf32>
      tpu.vector_store %arg7[%swap3A, %swap3A_28], %swap3A_31 {strides = array<i32>} : memref<64x768xf32, #tpu.memory_space<vmem>>, vector<1x16xf32>,
      %get3A_32 = arith.index_cast %scan3A_19 : i32 to index
      %get3A_33 = arith.constant 16 : index
      %get3A_34 = tpu.vector_load %arg7[%get3A_32, %get3A_33] {strides = array<i32>} : memref<64x768xf32, #tpu.memory_space<vmem>>, vector<1x16xf32>,
      %get3A_35 = vector.shape_cast %get3A_34 : vector<1x16xf32> to vector<16xf32>
      %get3A_36 = arith.index_cast %scan3A_19 : i32 to index
      %get3A_37 = arith.constant 16 : index
      %get3A_38 = tpu.vector_load %arg8[%get3A_36, %get3A_37] {strides = array<i32>} : memref<64x768xf32, #tpu.memory_space<vmem>>, vector<1x16xf32>,
      %get3A_39 = vector.shape_cast %get3A_38 : vector<1x16xf32> to vector<16xf32>
      %add3A_40 = arith.addf %get3A_35, %get3A_39 : vector<16xf32>
      %swap3A_41 = arith.index_cast %scan3A_19 : i32 to index
      %swap3A_42 = arith.constant 16 : index
      %swap3A_43 = tpu.vector_load %arg7[%swap3A_41, %swap3A_42] {strides = array<i32>} : memref<64x768xf32, #tpu.memory_space<vmem>>, vector<1x16xf32>,
      %swap3A_44 = vector.shape_cast %swap3A_43 : vector<1x16xf32> to vector<16xf32>
      %swap3A_45 = vector.shape_cast %add3A_40 : vector<16xf32> to vector<1x16xf32>
      tpu.vector_store %arg7[%swap3A_41, %swap3A_42], %swap3A_45 {strides = array<i32>} : memref<64x768xf32, #tpu.memory_space<vmem>>, vector<1x16xf32>,
      %get3A_46 = arith.index_cast %scan3A_19 : i32 to index
      %get3A_47 = arith.constant 32 : index
      %get3A_48 = tpu.vector_load %arg7[%get3A_46, %get3A_47] {strides = array<i32>} : memref<64x768xf32, #tpu.memory_space<vmem>>, vector<1x16xf32>,
      %get3A_49 = vector.shape_cast %get3A_48 : vector<1x16xf32> to vector<16xf32>
      %get3A_50 = arith.index_cast %scan3A_19 : i32 to index
      %get3A_51 = arith.constant 32 : index
      %get3A_52 = tpu.vector_load %arg8[%get3A_50, %get3A_51] {strides = array<i32>} : memref<64x768xf32, #tpu.memory_space<vmem>>, vector<1x16xf32>,
      %get3A_53 = vector.shape_cast %get3A_52 : vector<1x16xf32> to vector<16xf32>
      %add3A_54 = arith.addf %get3A_49, %get3A_53 : vector<16xf32>
      %swap3A_55 = arith.index_cast %scan3A_19 : i32 to index
      %swap3A_56 = arith.constant 32 : index
      %swap3A_57 = tpu.vector_load %arg7[%swap3A_55, %swap3A_56] {strides = array<i32>} : memref<64x768xf32, #tpu.memory_space<vmem>>, vector<1x16xf32>,
      %swap3A_58 = vector.shape_cast %swap3A_57 : vector<1x16xf32> to vector<16xf32>
      %swap3A_59 = vector.shape_cast %add3A_54 : vector<16xf32> to vector<1x16xf32>
      tpu.vector_store %arg7[%swap3A_55, %swap3A_56], %swap3A_59 {strides = array<i32>} : memref<64x768xf32, #tpu.memory_space<vmem>>, vector<1x16xf32>,
      %get3A_60 = arith.index_cast %scan3A_19 : i32 to index
      %get3A_61 = arith.constant 48 : index
      %get3A_62 = tpu.vector_load %arg7[%get3A_60, %get3A_61] {strides = array<i32>} : memref<64x768xf32, #tpu.memory_space<vmem>>, vector<1x16xf32>,
      %get3A_63 = vector.shape_cast %get3A_62 : vector<1x16xf32> to vector<16xf32>
      %get3A_64 = arith.index_cast %scan3A_19 : i32 to index
      %get3A_65 = arith.constant 48 : index
      %get3A_66 = tpu.vector_load %arg8[%get3A_64, %get3A_65] {strides = array<i32>} : memref<64x768xf32, #tpu.memory_space<vmem>>, vector<1x16xf32>,
      %get3A_67 = vector.shape_cast %get3A_66 : vector<1x16xf32> to vector<16xf32>
      %add3A_68 = arith.addf %get3A_63, %get3A_67 : vector<16xf32>
      %swap3A_69 = arith.index_cast %scan3A_19 : i32 to index
      %swap3A_70 = arith.constant 48 : index
      %swap3A_71 = tpu.vector_load %arg7[%swap3A_69, %swap3A_70] {strides = array<i32>} : memref<64x768xf32, #tpu.memory_space<vmem>>, vector<1x16xf32>,
      %swap3A_72 = vector.shape_cast %swap3A_71 : vector<1x16xf32> to vector<16xf32>
      %swap3A_73 = vector.shape_cast %add3A_68 : vector<16xf32> to vector<1x16xf32>
      tpu.vector_store %arg7[%swap3A_69, %swap3A_70], %swap3A_73 {strides = array<i32>} : memref<64x768xf32, #tpu.memory_space<vmem>>, vector<1x16xf32>,
      %get3A_74 = arith.index_cast %scan3A_19 : i32 to index
      %get3A_75 = arith.constant 64 : index
      %get3A_76 = tpu.vector_load %arg7[%get3A_74, %get3A_75] {strides = array<i32>} : memref<64x768xf32, #tpu.memory_space<vmem>>, vector<1x16xf32>,
      %get3A_77 = vector.shape_cast %get3A_76 : vector<1x16xf32> to vector<16xf32>
      %get3A_78 = arith.index_cast %scan3A_19 : i32 to index
      %get3A_79 = arith.constant 64 : index
      %get3A_80 = tpu.vector_load %arg8[%get3A_78, %get3A_79] {strides = array<i32>} : memref<64x768xf32, #tpu.memory_space<vmem>>, vector<1x16xf32>,
      %get3A_81 = vector.shape_cast %get3A_80 : vector<1x16xf32> to vector<16xf32>
      %add3A_82 = arith.addf %get3A_77, %get3A_81 : vector<16xf32>
      %swap3A_83 = arith.index_cast %scan3A_19 : i32 to index
      %swap3A_84 = arith.constant 64 : index
      %swap3A_85 = tpu.vector_load %arg7[%swap3A_83, %swap3A_84] {strides = array<i32>} : memref<64x768xf32, #tpu.memory_space<vmem>>, vector<1x16xf32>,
      %swap3A_86 = vector.shape_cast %swap3A_85 : vector<1x16xf32> to vector<16xf32>
      %swap3A_87 = vector.shape_cast %add3A_82 : vector<16xf32> to vector<1x16xf32>
      tpu.vector_store %arg7[%swap3A_83, %swap3A_84], %swap3A_87 {strides = array<i32>} : memref<64x768xf32, #tpu.memory_space<vmem>>, vector<1x16xf32>,
      %get3A_88 = arith.index_cast %scan3A_19 : i32 to index
      %get3A_89 = arith.constant 80 : index
      %get3A_90 = tpu.vector_load %arg7[%get3A_88, %get3A_89] {strides = array<i32>} : memref<64x768xf32, #tpu.memory_space<vmem>>, vector<1x16xf32>,
      %get3A_91 = vector.shape_cast %get3A_90 : vector<1x16xf32> to vector<16xf32>
      %get3A_92 = arith.index_cast %scan3A_19 : i32 to index
      %get3A_93 = arith.constant 80 : index
      %get3A_94 = tpu.vector_load %arg8[%get3A_92, %get3A_93] {strides = array<i32>} : memref<64x768xf32, #tpu.memory_space<vmem>>, vector<1x16xf32>,
      %get3A_95 = vector.shape_cast %get3A_94 : vector<1x16xf32> to vector<16xf32>
      %add3A_96 = arith.addf %get3A_91, %get3A_95 : vector<16xf32>
      %swap3A_97 = arith.index_cast %scan3A_19 : i32 to index
      %swap3A_98 = arith.constant 80 : index
      %swap3A_99 = tpu.vector_load %arg7[%swap3A_97, %swap3A_98] {strides = array<i32>} : memref<64x768xf32, #tpu.memory_space<vmem>>, vector<1x16xf32>,
      %swap3A_100 = vector.shape_cast %swap3A_99 : vector<1x16xf32> to vector<16xf32>
      %swap3A_101 = vector.shape_cast %add3A_96 : vector<16xf32> to vector<1x16xf32>
      tpu.vector_store %arg7[%swap3A_97, %swap3A_98], %swap3A_101 {strides = array<i32>} : memref<64x768xf32, #tpu.memory_space<vmem>>, vector<1x16xf32>,
      %get3A_102 = arith.index_cast %scan3A_19 : i32 to index
      %get3A_103 = arith.constant 96 : index
      %get3A_104 = tpu.vector_load %arg7[%get3A_102, %get3A_103] {strides = array<i32>} : memref<64x768xf32, #tpu.memory_space<vmem>>, vector<1x16xf32>,
      %get3A_105 = vector.shape_cast %get3A_104 : vector<1x16xf32> to vector<16xf32>
      %get3A_106 = arith.index_cast %scan3A_19 : i32 to index
      %get3A_107 = arith.constant 96 : index
      %get3A_108 = tpu.vector_load %arg8[%get3A_106, %get3A_107] {strides = array<i32>} : memref<64x768xf32, #tpu.memory_space<vmem>>, vector<1x16xf32>,
      %get3A_109 = vector.shape_cast %get3A_108 : vector<1x16xf32> to vector<16xf32>
      %add3A_110 = arith.addf %get3A_105, %get3A_109 : vector<16xf32>
      %swap3A_111 = arith.index_cast %scan3A_19 : i32 to index
      %swap3A_112 = arith.constant 96 : index
      %swap3A_113 = tpu.vector_load %arg7[%swap3A_111, %swap3A_112] {strides = array<i32>} : memref<64x768xf32, #tpu.memory_space<vmem>>, vector<1x16xf32>,
      %swap3A_114 = vector.shape_cast %swap3A_113 : vector<1x16xf32> to vector<16xf32>
      %swap3A_115 = vector.shape_cast %add3A_110 : vector<16xf32> to vector<1x16xf32>
      tpu.vector_store %arg7[%swap3A_111, %swap3A_112], %swap3A_115 {strides = array<i32>} : memref<64x768xf32, #tpu.memory_space<vmem>>, vector<1x16xf32>,
      %get3A_116 = arith.index_cast %scan3A_19 : i32 to index
      %get3A_117 = arith.constant 112 : index
      %get3A_118 = tpu.vector_load %arg7[%get3A_116, %get3A_117] {strides = array<i32>} : memref<64x768xf32, #tpu.memory_space<vmem>>, vector<1x16xf32>,
      %get3A_119 = vector.shape_cast %get3A_118 : vector<1x16xf32> to vector<16xf32>
      %get3A_120 = arith.index_cast %scan3A_19 : i32 to index
      %get3A_121 = arith.constant 112 : index
      %get3A_122 = tpu.vector_load %arg8[%get3A_120, %get3A_121] {strides = array<i32>} : memref<64x768xf32, #tpu.memory_space<vmem>>, vector<1x16xf32>,
      %get3A_123 = vector.shape_cast %get3A_122 : vector<1x16xf32> to vector<16xf32>
      %add3A_124 = arith.addf %get3A_119, %get3A_123 : vector<16xf32>
      %swap3A_125 = arith.index_cast %scan3A_19 : i32 to index
      %swap3A_126 = arith.constant 112 : index
      %swap3A_127 = tpu.vector_load %arg7[%swap3A_125, %swap3A_126] {strides = array<i32>} : memref<64x768xf32, #tpu.memory_space<vmem>>, vector<1x16xf32>,
      %swap3A_128 = vector.shape_cast %swap3A_127 : vector<1x16xf32> to vector<16xf32>
      %swap3A_129 = vector.shape_cast %add3A_124 : vector<16xf32> to vector<1x16xf32>
      tpu.vector_store %arg7[%swap3A_125, %swap3A_126], %swap3A_129 {strides = array<i32>} : memref<64x768xf32, #tpu.memory_space<vmem>>, vector<1x16xf32>,
      %get3A_130 = arith.index_cast %scan3A_19 : i32 to index
      %get3A_131 = arith.constant 128 : index
      %get3A_132 = tpu.vector_load %arg7[%get3A_130, %get3A_131] {strides = array<i32>} : memref<64x768xf32, #tpu.memory_space<vmem>>, vector<1x16xf32>,
      %get3A_133 = vector.shape_cast %get3A_132 : vector<1x16xf32> to vector<16xf32>
      %get3A_134 = arith.index_cast %scan3A_19 : i32 to index
      %get3A_135 = arith.constant 128 : index
      %get3A_136 = tpu.vector_load %arg8[%get3A_134, %get3A_135] {strides = array<i32>} : memref<64x768xf32, #tpu.memory_space<vmem>>, vector<1x16xf32>,
      %get3A_137 = vector.shape_cast %get3A_136 : vector<1x16xf32> to vector<16xf32>
      %add3A_138 = arith.addf %get3A_133, %get3A_137 : vector<16xf32>
      %swap3A_139 = arith.index_cast %scan3A_19 : i32 to index
      %swap3A_140 = arith.constant 128 : index
      %swap3A_141 = tpu.vector_load %arg7[%swap3A_139, %swap3A_140] {strides = array<i32>} : memref<64x768xf32, #tpu.memory_space<vmem>>, vector<1x16xf32>,
      %swap3A_142 = vector.shape_cast %swap3A_141 : vector<1x16xf32> to vector<16xf32>
      %swap3A_143 = vector.shape_cast %add3A_138 : vector<16xf32> to vector<1x16xf32>
      tpu.vector_store %arg7[%swap3A_139, %swap3A_140], %swap3A_143 {strides = array<i32>} : memref<64x768xf32, #tpu.memory_space<vmem>>, vector<1x16xf32>,
      %get3A_144 = arith.index_cast %scan3A_19 : i32 to index
      %get3A_145 = arith.constant 144 : index
      %get3A_146 = tpu.vector_load %arg7[%get3A_144, %get3A_145] {strides = array<i32>} : memref<64x768xf32, #tpu.memory_space<vmem>>, vector<1x16xf32>,
      %get3A_147 = vector.shape_cast %get3A_146 : vector<1x16xf32> to vector<16xf32>
      %get3A_148 = arith.index_cast %scan3A_19 : i32 to index
      %get3A_149 = arith.constant 144 : index
      %get3A_150 = tpu.vector_load %arg8[%get3A_148, %get3A_149] {strides = array<i32>} : memref<64x768xf32, #tpu.memory_space<vmem>>, vector<1x16xf32>,
      %get3A_151 = vector.shape_cast %get3A_150 : vector<1x16xf32> to vector<16xf32>
      %add3A_152 = arith.addf %get3A_147, %get3A_151 : vector<16xf32>
      %swap3A_153 = arith.index_cast %scan3A_19 : i32 to index
      %swap3A_154 = arith.constant 144 : index
      %swap3A_155 = tpu.vector_load %arg7[%swap3A_153, %swap3A_154] {strides = array<i32>} : memref<64x768xf32, #tpu.memory_space<vmem>>, vector<1x16xf32>,
      %swap3A_156 = vector.shape_cast %swap3A_155 : vector<1x16xf32> to vector<16xf32>
      %swap3A_157 = vector.shape_cast %add3A_152 : vector<16xf32> to vector<1x16xf32>
      tpu.vector_store %arg7[%swap3A_153, %swap3A_154], %swap3A_157 {strides = array<i32>} : memref<64x768xf32, #tpu.memory_space<vmem>>, vector<1x16xf32>,
      %get3A_158 = arith.index_cast %scan3A_19 : i32 to index
      %get3A_159 = arith.constant 160 : index
      %get3A_160 = tpu.vector_load %arg7[%get3A_158, %get3A_159] {strides = array<i32>} : memref<64x768xf32, #tpu.memory_space<vmem>>, vector<1x16xf32>,
      %get3A_161 = vector.shape_cast %get3A_160 : vector<1x16xf32> to vector<16xf32>
      %get3A_162 = arith.index_cast %scan3A_19 : i32 to index
      %get3A_163 = arith.constant 160 : index
      %get3A_164 = tpu.vector_load %arg8[%get3A_162, %get3A_163] {strides = array<i32>} : memref<64x768xf32, #tpu.memory_space<vmem>>, vector<1x16xf32>,
      %get3A_165 = vector.shape_cast %get3A_164 : vector<1x16xf32> to vector<16xf32>
      %add3A_166 = arith.addf %get3A_161, %get3A_165 : vector<16xf32>
      %swap3A_167 = arith.index_cast %scan3A_19 : i32 to index
      %swap3A_168 = arith.constant 160 : index
      %swap3A_169 = tpu.vector_load %arg7[%swap3A_167, %swap3A_168] {strides = array<i32>} : memref<64x768xf32, #tpu.memory_space<vmem>>, vector<1x16xf32>,
      %swap3A_170 = vector.shape_cast %swap3A_169 : vector<1x16xf32> to vector<16xf32>
      %swap3A_171 = vector.shape_cast %add3A_166 : vector<16xf32> to vector<1x16xf32>
      tpu.vector_store %arg7[%swap3A_167, %swap3A_168], %swap3A_171 {strides = array<i32>} : memref<64x768xf32, #tpu.memory_space<vmem>>, vector<1x16xf32>,
      %get3A_172 = arith.index_cast %scan3A_19 : i32 to index
      %get3A_173 = arith.constant 176 : index
      %get3A_174 = tpu.vector_load %arg7[%get3A_172, %get3A_173] {strides = array<i32>} : memref<64x768xf32, #tpu.memory_space<vmem>>, vector<1x16xf32>,
      %get3A_175 = vector.shape_cast %get3A_174 : vector<1x16xf32> to vector<16xf32>
      %get3A_176 = arith.index_cast %scan3A_19 : i32 to index
      %get3A_177 = arith.constant 176 : index
      %get3A_178 = tpu.vector_load %arg8[%get3A_176, %get3A_177] {strides = array<i32>} : memref<64x768xf32, #tpu.memory_space<vmem>>, vector<1x16xf32>,
      %get3A_179 = vector.shape_cast %get3A_178 : vector<1x16xf32> to vector<16xf32>
      %add3A_180 = arith.addf %get3A_175, %get3A_179 : vector<16xf32>
      %swap3A_181 = arith.index_cast %scan3A_19 : i32 to index
      %swap3A_182 = arith.constant 176 : index
      %swap3A_183 = tpu.vector_load %arg7[%swap3A_181, %swap3A_182] {strides = array<i32>} : memref<64x768xf32, #tpu.memory_space<vmem>>, vector<1x16xf32>,
      %swap3A_184 = vector.shape_cast %swap3A_183 : vector<1x16xf32> to vector<16xf32>
      %swap3A_185 = vector.shape_cast %add3A_180 : vector<16xf32> to vector<1x16xf32>
      tpu.vector_store %arg7[%swap3A_181, %swap3A_182], %swap3A_185 {strides = array<i32>} : memref<64x768xf32, #tpu.memory_space<vmem>>, vector<1x16xf32>,
      %get3A_186 = arith.index_cast %scan3A_19 : i32 to index
      %get3A_187 = arith.constant 192 : index
      %get3A_188 = tpu.vector_load %arg7[%get3A_186, %get3A_187] {strides = array<i32>} : memref<64x768xf32, #tpu.memory_space<vmem>>, vector<1x16xf32>,
      %get3A_189 = vector.shape_cast %get3A_188 : vector<1x16xf32> to vector<16xf32>
      %get3A_190 = arith.index_cast %scan3A_19 : i32 to index
      %get3A_191 = arith.constant 192 : index
      %get3A_192 = tpu.vector_load %arg8[%get3A_190, %get3A_191] {strides = array<i32>} : memref<64x768xf32, #tpu.memory_space<vmem>>, vector<1x16xf32>,
      %get3A_193 = vector.shape_cast %get3A_192 : vector<1x16xf32> to vector<16xf32>
      %add3A_194 = arith.addf %get3A_189, %get3A_193 : vector<16xf32>
      %swap3A_195 = arith.index_cast %scan3A_19 : i32 to index
      %swap3A_196 = arith.constant 192 : index
      %swap3A_197 = tpu.vector_load %arg7[%swap3A_195, %swap3A_196] {strides = array<i32>} : memref<64x768xf32, #tpu.memory_space<vmem>>, vector<1x16xf32>,
      %swap3A_198 = vector.shape_cast %swap3A_197 : vector<1x16xf32> to vector<16xf32>
      %swap3A_199 = vector.shape_cast %add3A_194 : vector<16xf32> to vector<1x16xf32>
      tpu.vector_store %arg7[%swap3A_195, %swap3A_196], %swap3A_199 {strides = array<i32>} : memref<64x768xf32, #tpu.memory_space<vmem>>, vector<1x16xf32>,
      %get3A_200 = arith.index_cast %scan3A_19 : i32 to index
      %get3A_201 = arith.constant 208 : index
      %get3A_202 = tpu.vector_load %arg7[%get3A_200, %get3A_201] {strides = array<i32>} : memref<64x768xf32, #tpu.memory_space<vmem>>, vector<1x16xf32>,
      %get3A_203 = vector.shape_cast %get3A_202 : vector<1x16xf32> to vector<16xf32>
      %get3A_204 = arith.index_cast %scan3A_19 : i32 to index
      %get3A_205 = arith.constant 208 : index
      %get3A_206 = tpu.vector_load %arg8[%get3A_204, %get3A_205] {strides = array<i32>} : memref<64x768xf32, #tpu.memory_space<vmem>>, vector<1x16xf32>,
      %get3A_207 = vector.shape_cast %get3A_206 : vector<1x16xf32> to vector<16xf32>
      %add3A_208 = arith.addf %get3A_203, %get3A_207 : vector<16xf32>
      %swap3A_209 = arith.index_cast %scan3A_19 : i32 to index
      %swap3A_210 = arith.constant 208 : index
      %swap3A_211 = tpu.vector_load %arg7[%swap3A_209, %swap3A_210] {strides = array<i32>} : memref<64x768xf32, #tpu.memory_space<vmem>>, vector<1x16xf32>,
      %swap3A_212 = vector.shape_cast %swap3A_211 : vector<1x16xf32> to vector<16xf32>
      %swap3A_213 = vector.shape_cast %add3A_208 : vector<16xf32> to vector<1x16xf32>
      tpu.vector_store %arg7[%swap3A_209, %swap3A_210], %swap3A_213 {strides = array<i32>} : memref<64x768xf32, #tpu.memory_space<vmem>>, vector<1x16xf32>,
      %get3A_214 = arith.index_cast %scan3A_19 : i32 to index
      %get3A_215 = arith.constant 224 : index
      %get3A_216 = tpu.vector_load %arg7[%get3A_214, %get3A_215] {strides = array<i32>} : memref<64x768xf32, #tpu.memory_space<vmem>>, vector<1x16xf32>,
      %get3A_217 = vector.shape_cast %get3A_216 : vector<1x16xf32> to vector<16xf32>
      %get3A_218 = arith.index_cast %scan3A_19 : i32 to index
      %get3A_219 = arith.constant 224 : index
      %get3A_220 = tpu.vector_load %arg8[%get3A_218, %get3A_219] {strides = array<i32>} : memref<64x768xf32, #tpu.memory_space<vmem>>, vector<1x16xf32>,
      %get3A_221 = vector.shape_cast %get3A_220 : vector<1x16xf32> to vector<16xf32>
      %add3A_222 = arith.addf %get3A_217, %get3A_221 : vector<16xf32>
      %swap3A_223 = arith.index_cast %scan3A_19 : i32 to index
      %swap3A_224 = arith.constant 224 : index
      %swap3A_225 = tpu.vector_load %arg7[%swap3A_223, %swap3A_224] {strides = array<i32>} : memref<64x768xf32, #tpu.memory_space<vmem>>, vector<1x16xf32>,
      %swap3A_226 = vector.shape_cast %swap3A_225 : vector<1x16xf32> to vector<16xf32>
      %swap3A_227 = vector.shape_cast %add3A_222 : vector<16xf32> to vector<1x16xf32>
      tpu.vector_store %arg7[%swap3A_223, %swap3A_224], %swap3A_227 {strides = array<i32>} : memref<64x768xf32, #tpu.memory_space<vmem>>, vector<1x16xf32>,
      %get3A_228 = arith.index_cast %scan3A_19 : i32 to index
      %get3A_229 = arith.constant 240 : index
      %get3A_230 = tpu.vector_load %arg7[%get3A_228, %get3A_229] {strides = array<i32>} : memref<64x768xf32, #tpu.memory_space<vmem>>, vector<1x16xf32>,
      %get3A_231 = vector.shape_cast %get3A_230 : vector<1x16xf32> to vector<16xf32>
      %get3A_232 = arith.index_cast %scan3A_19 : i32 to index
      %get3A_233 = arith.constant 240 : index
      %get3A_234 = tpu.vector_load %arg8[%get3A_232, %get3A_233] {strides = array<i32>} : memref<64x768xf32, #tpu.memory_space<vmem>>, vector<1x16xf32>,
      %get3A_235 = vector.shape_cast %get3A_234 : vector<1x16xf32> to vector<16xf32>
      %add3A_236 = arith.addf %get3A_231, %get3A_235 : vector<16xf32>
      %swap3A_237 = arith.index_cast %scan3A_19 : i32 to index
      %swap3A_238 = arith.constant 240 : index
      %swap3A_239 = tpu.vector_load %arg7[%swap3A_237, %swap3A_238] {strides = array<i32>} : memref<64x768xf32, #tpu.memory_space<vmem>>, vector<1x16xf32>,
      %swap3A_240 = vector.shape_cast %swap3A_239 : vector<1x16xf32> to vector<16xf32>
      %swap3A_241 = vector.shape_cast %add3A_236 : vector<16xf32> to vector<1x16xf32>
      tpu.vector_store %arg7[%swap3A_237, %swap3A_238], %swap3A_241 {strides = array<i32>} : memref<64x768xf32, #tpu.memory_space<vmem>>, vector<1x16xf32>,
      %get3A_242 = arith.index_cast %scan3A_19 : i32 to index
      %get3A_243 = arith.constant 256 : index
      %get3A_244 = tpu.vector_load %arg7[%get3A_242, %get3A_243] {strides = array<i32>} : memref<64x768xf32, #tpu.memory_space<vmem>>, vector<1x16xf32>,
      %get3A_245 = vector.shape_cast %get3A_244 : vector<1x16xf32> to vector<16xf32>
      %get3A_246 = arith.index_cast %scan3A_19 : i32 to index
      %get3A_247 = arith.constant 256 : index
      %get3A_248 = tpu.vector_load %arg8[%get3A_246, %get3A_247] {strides = array<i32>} : memref<64x768xf32, #tpu.memory_space<vmem>>, vector<1x16xf32>,
      %get3A_249 = vector.shape_cast %get3A_248 : vector<1x16xf32> to vector<16xf32>
      %add3A_250 = arith.addf %get3A_245, %get3A_249 : vector<16xf32>
      %swap3A_251 = arith.index_cast %scan3A_19 : i32 to index
      %swap3A_252 = arith.constant 256 : index
      %swap3A_253 = tpu.vector_load %arg7[%swap3A_251, %swap3A_252] {strides = array<i32>} : memref<64x768xf32, #tpu.memory_space<vmem>>, vector<1x16xf32>,
      %swap3A_254 = vector.shape_cast %swap3A_253 : vector<1x16xf32> to vector<16xf32>
      %swap3A_255 = vector.shape_cast %add3A_250 : vector<16xf32> to vector<1x16xf32>
      tpu.vector_store %arg7[%swap3A_251, %swap3A_252], %swap3A_255 {strides = array<i32>} : memref<64x768xf32, #tpu.memory_space<vmem>>, vector<1x16xf32>,
      %get3A_256 = arith.index_cast %scan3A_19 : i32 to index
      %get3A_257 = arith.constant 272 : index
      %get3A_258 = tpu.vector_load %arg7[%get3A_256, %get3A_257] {strides = array<i32>} : memref<64x768xf32, #tpu.memory_space<vmem>>, vector<1x16xf32>,
      %get3A_259 = vector.shape_cast %get3A_258 : vector<1x16xf32> to vector<16xf32>
      %get3A_260 = arith.index_cast %scan3A_19 : i32 to index
      %get3A_261 = arith.constant 272 : index
      %get3A_262 = tpu.vector_load %arg8[%get3A_260, %get3A_261] {strides = array<i32>} : memref<64x768xf32, #tpu.memory_space<vmem>>, vector<1x16xf32>,
      %get3A_263 = vector.shape_cast %get3A_262 : vector<1x16xf32> to vector<16xf32>
      %add3A_264 = arith.addf %get3A_259, %get3A_263 : vector<16xf32>
      %swap3A_265 = arith.index_cast %scan3A_19 : i32 to index
      %swap3A_266 = arith.constant 272 : index
      %swap3A_267 = tpu.vector_load %arg7[%swap3A_265, %swap3A_266] {strides = array<i32>} : memref<64x768xf32, #tpu.memory_space<vmem>>, vector<1x16xf32>,
      %swap3A_268 = vector.shape_cast %swap3A_267 : vector<1x16xf32> to vector<16xf32>
      %swap3A_269 = vector.shape_cast %add3A_264 : vector<16xf32> to vector<1x16xf32>
      tpu.vector_store %arg7[%swap3A_265, %swap3A_266], %swap3A_269 {strides = array<i32>} : memref<64x768xf32, #tpu.memory_space<vmem>>, vector<1x16xf32>,
      %get3A_270 = arith.index_cast %scan3A_19 : i32 to index
      %get3A_271 = arith.constant 288 : index
      %get3A_272 = tpu.vector_load %arg7[%get3A_270, %get3A_271] {strides = array<i32>} : memref<64x768xf32, #tpu.memory_space<vmem>>, vector<1x16xf32>,
      %get3A_273 = vector.shape_cast %get3A_272 : vector<1x16xf32> to vector<16xf32>
      %get3A_274 = arith.index_cast %scan3A_19 : i32 to index
      %get3A_275 = arith.constant 288 : index
      %get3A_276 = tpu.vector_load %arg8[%get3A_274, %get3A_275] {strides = array<i32>} : memref<64x768xf32, #tpu.memory_space<vmem>>, vector<1x16xf32>,
      %get3A_277 = vector.shape_cast %get3A_276 : vector<1x16xf32> to vector<16xf32>
      %add3A_278 = arith.addf %get3A_273, %get3A_277 : vector<16xf32>
      %swap3A_279 = arith.index_cast %scan3A_19 : i32 to index
      %swap3A_280 = arith.constant 288 : index
      %swap3A_281 = tpu.vector_load %arg7[%swap3A_279, %swap3A_280] {strides = array<i32>} : memref<64x768xf32, #tpu.memory_space<vmem>>, vector<1x16xf32>,
      %swap3A_282 = vector.shape_cast %swap3A_281 : vector<1x16xf32> to vector<16xf32>
      %swap3A_283 = vector.shape_cast %add3A_278 : vector<16xf32> to vector<1x16xf32>
      tpu.vector_store %arg7[%swap3A_279, %swap3A_280], %swap3A_283 {strides = array<i32>} : memref<64x768xf32, #tpu.memory_space<vmem>>, vector<1x16xf32>,
      %get3A_284 = arith.index_cast %scan3A_19 : i32 to index
      %get3A_285 = arith.constant 304 : index
      %get3A_286 = tpu.vector_load %arg7[%get3A_284, %get3A_285] {strides = array<i32>} : memref<64x768xf32, #tpu.memory_space<vmem>>, vector<1x16xf32>,
      %get3A_287 = vector.shape_cast %get3A_286 : vector<1x16xf32> to vector<16xf32>
      %get3A_288 = arith.index_cast %scan3A_19 : i32 to index
      %get3A_289 = arith.constant 304 : index
      %get3A_290 = tpu.vector_load %arg8[%get3A_288, %get3A_289] {strides = array<i32>} : memref<64x768xf32, #tpu.memory_space<vmem>>, vector<1x16xf32>,
      %get3A_291 = vector.shape_cast %get3A_290 : vector<1x16xf32> to vector<16xf32>
      %add3A_292 = arith.addf %get3A_287, %get3A_291 : vector<16xf32>
      %swap3A_293 = arith.index_cast %scan3A_19 : i32 to index
      %swap3A_294 = arith.constant 304 : index
      %swap3A_295 = tpu.vector_load %arg7[%swap3A_293, %swap3A_294] {strides = array<i32>} : memref<64x768xf32, #tpu.memory_space<vmem>>, vector<1x16xf32>,
      %swap3A_296 = vector.shape_cast %swap3A_295 : vector<1x16xf32> to vector<16xf32>
      %swap3A_297 = vector.shape_cast %add3A_292 : vector<16xf32> to vector<1x16xf32>
      tpu.vector_store %arg7[%swap3A_293, %swap3A_294], %swap3A_297 {strides = array<i32>} : memref<64x768xf32, #tpu.memory_space<vmem>>, vector<1x16xf32>,
      %get3A_298 = arith.index_cast %scan3A_19 : i32 to index
      %get3A_299 = arith.constant 320 : index
      %get3A_300 = tpu.vector_load %arg7[%get3A_298, %get3A_299] {strides = array<i32>} : memref<64x768xf32, #tpu.memory_space<vmem>>, vector<1x16xf32>,
      %get3A_301 = vector.shape_cast %get3A_300 : vector<1x16xf32> to vector<16xf32>
      %get3A_302 = arith.index_cast %scan3A_19 : i32 to index
      %get3A_303 = arith.constant 320 : index
      %get3A_304 = tpu.vector_load %arg8[%get3A_302, %get3A_303] {strides = array<i32>} : memref<64x768xf32, #tpu.memory_space<vmem>>, vector<1x16xf32>,
      %get3A_305 = vector.shape_cast %get3A_304 : vector<1x16xf32> to vector<16xf32>
      %add3A_306 = arith.addf %get3A_301, %get3A_305 : vector<16xf32>
      %swap3A_307 = arith.index_cast %scan3A_19 : i32 to index
      %swap3A_308 = arith.constant 320 : index
      %swap3A_309 = tpu.vector_load %arg7[%swap3A_307, %swap3A_308] {strides = array<i32>} : memref<64x768xf32, #tpu.memory_space<vmem>>, vector<1x16xf32>,
      %swap3A_310 = vector.shape_cast %swap3A_309 : vector<1x16xf32> to vector<16xf32>
      %swap3A_311 = vector.shape_cast %add3A_306 : vector<16xf32> to vector<1x16xf32>
      tpu.vector_store %arg7[%swap3A_307, %swap3A_308], %swap3A_311 {strides = array<i32>} : memref<64x768xf32, #tpu.memory_space<vmem>>, vector<1x16xf32>,
      %get3A_312 = arith.index_cast %scan3A_19 : i32 to index
      %get3A_313 = arith.constant 336 : index
      %get3A_314 = tpu.vector_load %arg7[%get3A_312, %get3A_313] {strides = array<i32>} : memref<64x768xf32, #tpu.memory_space<vmem>>, vector<1x16xf32>,
      %get3A_315 = vector.shape_cast %get3A_314 : vector<1x16xf32> to vector<16xf32>
      %get3A_316 = arith.index_cast %scan3A_19 : i32 to index
      %get3A_317 = arith.constant 336 : index
      %get3A_318 = tpu.vector_load %arg8[%get3A_316, %get3A_317] {strides = array<i32>} : memref<64x768xf32, #tpu.memory_space<vmem>>, vector<1x16xf32>,
      %get3A_319 = vector.shape_cast %get3A_318 : vector<1x16xf32> to vector<16xf32>
      %add3A_320 = arith.addf %get3A_315, %get3A_319 : vector<16xf32>
      %swap3A_321 = arith.index_cast %scan3A_19 : i32 to index
      %swap3A_322 = arith.constant 336 : index
      %swap3A_323 = tpu.vector_load %arg7[%swap3A_321, %swap3A_322] {strides = array<i32>} : memref<64x768xf32, #tpu.memory_space<vmem>>, vector<1x16xf32>,
      %swap3A_324 = vector.shape_cast %swap3A_323 : vector<1x16xf32> to vector<16xf32>
      %swap3A_325 = vector.shape_cast %add3A_320 : vector<16xf32> to vector<1x16xf32>
      tpu.vector_store %arg7[%swap3A_321, %swap3A_322], %swap3A_325 {strides = array<i32>} : memref<64x768xf32, #tpu.memory_space<vmem>>, vector<1x16xf32>,
      %get3A_326 = arith.index_cast %scan3A_19 : i32 to index
      %get3A_327 = arith.constant 352 : index
      %get3A_328 = tpu.vector_load %arg7[%get3A_326, %get3A_327] {strides = array<i32>} : memref<64x768xf32, #tpu.memory_space<vmem>>, vector<1x16xf32>,
      %get3A_329 = vector.shape_cast %get3A_328 : vector<1x16xf32> to vector<16xf32>
      %get3A_330 = arith.index_cast %scan3A_19 : i32 to index
      %get3A_331 = arith.constant 352 : index
      %get3A_332 = tpu.vector_load %arg8[%get3A_330, %get3A_331] {strides = array<i32>} : memref<64x768xf32, #tpu.memory_space<vmem>>, vector<1x16xf32>,
      %get3A_333 = vector.shape_cast %get3A_332 : vector<1x16xf32> to vector<16xf32>
      %add3A_334 = arith.addf %get3A_329, %get3A_333 : vector<16xf32>
      %swap3A_335 = arith.index_cast %scan3A_19 : i32 to index
      %swap3A_336 = arith.constant 352 : index
      %swap3A_337 = tpu.vector_load %arg7[%swap3A_335, %swap3A_336] {strides = array<i32>} : memref<64x768xf32, #tpu.memory_space<vmem>>, vector<1x16xf32>,
      %swap3A_338 = vector.shape_cast %swap3A_337 : vector<1x16xf32> to vector<16xf32>
      %swap3A_339 = vector.shape_cast %add3A_334 : vector<16xf32> to vector<1x16xf32>
      tpu.vector_store %arg7[%swap3A_335, %swap3A_336], %swap3A_339 {strides = array<i32>} : memref<64x768xf32, #tpu.memory_space<vmem>>, vector<1x16xf32>,
      %get3A_340 = arith.index_cast %scan3A_19 : i32 to index
      %get3A_341 = arith.constant 368 : index
      %get3A_342 = tpu.vector_load %arg7[%get3A_340, %get3A_341] {strides = array<i32>} : memref<64x768xf32, #tpu.memory_space<vmem>>, vector<1x16xf32>,
      %get3A_343 = vector.shape_cast %get3A_342 : vector<1x16xf32> to vector<16xf32>
      %get3A_344 = arith.index_cast %scan3A_19 : i32 to index
      %get3A_345 = arith.constant 368 : index
      %get3A_346 = tpu.vector_load %arg8[%get3A_344, %get3A_345] {strides = array<i32>} : memref<64x768xf32, #tpu.memory_space<vmem>>, vector<1x16xf32>,
      %get3A_347 = vector.shape_cast %get3A_346 : vector<1x16xf32> to vector<16xf32>
      %add3A_348 = arith.addf %get3A_343, %get3A_347 : vector<16xf32>
      %swap3A_349 = arith.index_cast %scan3A_19 : i32 to index
      %swap3A_350 = arith.constant 368 : index
      %swap3A_351 = tpu.vector_load %arg7[%swap3A_349, %swap3A_350] {strides = array<i32>} : memref<64x768xf32, #tpu.memory_space<vmem>>, vector<1x16xf32>,
      %swap3A_352 = vector.shape_cast %swap3A_351 : vector<1x16xf32> to vector<16xf32>
      %swap3A_353 = vector.shape_cast %add3A_348 : vector<16xf32> to vector<1x16xf32>
      tpu.vector_store %arg7[%swap3A_349, %swap3A_350], %swap3A_353 {strides = array<i32>} : memref<64x768xf32, #tpu.memory_space<vmem>>, vector<1x16xf32>,
      %get3A_354 = arith.index_cast %scan3A_19 : i32 to index
      %get3A_355 = arith.constant 384 : index
      %get3A_356 = tpu.vector_load %arg7[%get3A_354, %get3A_355] {strides = array<i32>} : memref<64x768xf32, #tpu.memory_space<vmem>>, vector<1x16xf32>,
      %get3A_357 = vector.shape_cast %get3A_356 : vector<1x16xf32> to vector<16xf32>
      %get3A_358 = arith.index_cast %scan3A_19 : i32 to index
      %get3A_359 = arith.constant 384 : index
      %get3A_360 = tpu.vector_load %arg8[%get3A_358, %get3A_359] {strides = array<i32>} : memref<64x768xf32, #tpu.memory_space<vmem>>, vector<1x16xf32>,
      %get3A_361 = vector.shape_cast %get3A_360 : vector<1x16xf32> to vector<16xf32>
      %add3A_362 = arith.addf %get3A_357, %get3A_361 : vector<16xf32>
      %swap3A_363 = arith.index_cast %scan3A_19 : i32 to index
      %swap3A_364 = arith.constant 384 : index
      %swap3A_365 = tpu.vector_load %arg7[%swap3A_363, %swap3A_364] {strides = array<i32>} : memref<64x768xf32, #tpu.memory_space<vmem>>, vector<1x16xf32>,
      %swap3A_366 = vector.shape_cast %swap3A_365 : vector<1x16xf32> to vector<16xf32>
      %swap3A_367 = vector.shape_cast %add3A_362 : vector<16xf32> to vector<1x16xf32>
      tpu.vector_store %arg7[%swap3A_363, %swap3A_364], %swap3A_367 {strides = array<i32>} : memref<64x768xf32, #tpu.memory_space<vmem>>, vector<1x16xf32>,
      %get3A_368 = arith.index_cast %scan3A_19 : i32 to index
      %get3A_369 = arith.constant 400 : index
      %get3A_370 = tpu.vector_load %arg7[%get3A_368, %get3A_369] {strides = array<i32>} : memref<64x768xf32, #tpu.memory_space<vmem>>, vector<1x16xf32>,
      %get3A_371 = vector.shape_cast %get3A_370 : vector<1x16xf32> to vector<16xf32>
      %get3A_372 = arith.index_cast %scan3A_19 : i32 to index
      %get3A_373 = arith.constant 400 : index
      %get3A_374 = tpu.vector_load %arg8[%get3A_372, %get3A_373] {strides = array<i32>} : memref<64x768xf32, #tpu.memory_space<vmem>>, vector<1x16xf32>,
      %get3A_375 = vector.shape_cast %get3A_374 : vector<1x16xf32> to vector<16xf32>
      %add3A_376 = arith.addf %get3A_371, %get3A_375 : vector<16xf32>
      %swap3A_377 = arith.index_cast %scan3A_19 : i32 to index
      %swap3A_378 = arith.constant 400 : index
      %swap3A_379 = tpu.vector_load %arg7[%swap3A_377, %swap3A_378] {strides = array<i32>} : memref<64x768xf32, #tpu.memory_space<vmem>>, vector<1x16xf32>,
      %swap3A_380 = vector.shape_cast %swap3A_379 : vector<1x16xf32> to vector<16xf32>
      %swap3A_381 = vector.shape_cast %add3A_376 : vector<16xf32> to vector<1x16xf32>
      tpu.vector_store %arg7[%swap3A_377, %swap3A_378], %swap3A_381 {strides = array<i32>} : memref<64x768xf32, #tpu.memory_space<vmem>>, vector<1x16xf32>,
      %get3A_382 = arith.index_cast %scan3A_19 : i32 to index
      %get3A_383 = arith.constant 416 : index
      %get3A_384 = tpu.vector_load %arg7[%get3A_382, %get3A_383] {strides = array<i32>} : memref<64x768xf32, #tpu.memory_space<vmem>>, vector<1x16xf32>,
      %get3A_385 = vector.shape_cast %get3A_384 : vector<1x16xf32> to vector<16xf32>
      %get3A_386 = arith.index_cast %scan3A_19 : i32 to index
      %get3A_387 = arith.constant 416 : index
      %get3A_388 = tpu.vector_load %arg8[%get3A_386, %get3A_387] {strides = array<i32>} : memref<64x768xf32, #tpu.memory_space<vmem>>, vector<1x16xf32>,
      %get3A_389 = vector.shape_cast %get3A_388 : vector<1x16xf32> to vector<16xf32>
      %add3A_390 = arith.addf %get3A_385, %get3A_389 : vector<16xf32>
      %swap3A_391 = arith.index_cast %scan3A_19 : i32 to index
      %swap3A_392 = arith.constant 416 : index
      %swap3A_393 = tpu.vector_load %arg7[%swap3A_391, %swap3A_392] {strides = array<i32>} : memref<64x768xf32, #tpu.memory_space<vmem>>, vector<1x16xf32>,
      %swap3A_394 = vector.shape_cast %swap3A_393 : vector<1x16xf32> to vector<16xf32>
      %swap3A_395 = vector.shape_cast %add3A_390 : vector<16xf32> to vector<1x16xf32>
      tpu.vector_store %arg7[%swap3A_391, %swap3A_392], %swap3A_395 {strides = array<i32>} : memref<64x768xf32, #tpu.memory_space<vmem>>, vector<1x16xf32>,
      %get3A_396 = arith.index_cast %scan3A_19 : i32 to index
      %get3A_397 = arith.constant 432 : index
      %get3A_398 = tpu.vector_load %arg7[%get3A_396, %get3A_397] {strides = array<i32>} : memref<64x768xf32, #tpu.memory_space<vmem>>, vector<1x16xf32>,
      %get3A_399 = vector.shape_cast %get3A_398 : vector<1x16xf32> to vector<16xf32>
      %get3A_400 = arith.index_cast %scan3A_19 : i32 to index
      %get3A_401 = arith.constant 432 : index
      %get3A_402 = tpu.vector_load %arg8[%get3A_400, %get3A_401] {strides = array<i32>} : memref<64x768xf32, #tpu.memory_space<vmem>>, vector<1x16xf32>,
      %get3A_403 = vector.shape_cast %get3A_402 : vector<1x16xf32> to vector<16xf32>
      %add3A_404 = arith.addf %get3A_399, %get3A_403 : vector<16xf32>
      %swap3A_405 = arith.index_cast %scan3A_19 : i32 to index
      %swap3A_406 = arith.constant 432 : index
      %swap3A_407 = tpu.vector_load %arg7[%swap3A_405, %swap3A_406] {strides = array<i32>} : memref<64x768xf32, #tpu.memory_space<vmem>>, vector<1x16xf32>,
      %swap3A_408 = vector.shape_cast %swap3A_407 : vector<1x16xf32> to vector<16xf32>
      %swap3A_409 = vector.shape_cast %add3A_404 : vector<16xf32> to vector<1x16xf32>
      tpu.vector_store %arg7[%swap3A_405, %swap3A_406], %swap3A_409 {strides = array<i32>} : memref<64x768xf32, #tpu.memory_space<vmem>>, vector<1x16xf32>,
      %get3A_410 = arith.index_cast %scan3A_19 : i32 to index
      %get3A_411 = arith.constant 448 : index
      %get3A_412 = tpu.vector_load %arg7[%get3A_410, %get3A_411] {strides = array<i32>} : memref<64x768xf32, #tpu.memory_space<vmem>>, vector<1x16xf32>,
      %get3A_413 = vector.shape_cast %get3A_412 : vector<1x16xf32> to vector<16xf32>
      %get3A_414 = arith.index_cast %scan3A_19 : i32 to index
      %get3A_415 = arith.constant 448 : index
      %get3A_416 = tpu.vector_load %arg8[%get3A_414, %get3A_415] {strides = array<i32>} : memref<64x768xf32, #tpu.memory_space<vmem>>, vector<1x16xf32>,
      %get3A_417 = vector.shape_cast %get3A_416 : vector<1x16xf32> to vector<16xf32>
      %add3A_418 = arith.addf %get3A_413, %get3A_417 : vector<16xf32>
      %swap3A_419 = arith.index_cast %scan3A_19 : i32 to index
      %swap3A_420 = arith.constant 448 : index
      %swap3A_421 = tpu.vector_load %arg7[%swap3A_419, %swap3A_420] {strides = array<i32>} : memref<64x768xf32, #tpu.memory_space<vmem>>, vector<1x16xf32>,
      %swap3A_422 = vector.shape_cast %swap3A_421 : vector<1x16xf32> to vector<16xf32>
      %swap3A_423 = vector.shape_cast %add3A_418 : vector<16xf32> to vector<1x16xf32>
      tpu.vector_store %arg7[%swap3A_419, %swap3A_420], %swap3A_423 {strides = array<i32>} : memref<64x768xf32, #tpu.memory_space<vmem>>, vector<1x16xf32>,
      %get3A_424 = arith.index_cast %scan3A_19 : i32 to index
      %get3A_425 = arith.constant 464 : index
      %get3A_426 = tpu.vector_load %arg7[%get3A_424, %get3A_425] {strides = array<i32>} : memref<64x768xf32, #tpu.memory_space<vmem>>, vector<1x16xf32>,
      %get3A_427 = vector.shape_cast %get3A_426 : vector<1x16xf32> to vector<16xf32>
      %get3A_428 = arith.index_cast %scan3A_19 : i32 to index
      %get3A_429 = arith.constant 464 : index
      %get3A_430 = tpu.vector_load %arg8[%get3A_428, %get3A_429] {strides = array<i32>} : memref<64x768xf32, #tpu.memory_space<vmem>>, vector<1x16xf32>,
      %get3A_431 = vector.shape_cast %get3A_430 : vector<1x16xf32> to vector<16xf32>
      %add3A_432 = arith.addf %get3A_427, %get3A_431 : vector<16xf32>
      %swap3A_433 = arith.index_cast %scan3A_19 : i32 to index
      %swap3A_434 = arith.constant 464 : index
      %swap3A_435 = tpu.vector_load %arg7[%swap3A_433, %swap3A_434] {strides = array<i32>} : memref<64x768xf32, #tpu.memory_space<vmem>>, vector<1x16xf32>,
      %swap3A_436 = vector.shape_cast %swap3A_435 : vector<1x16xf32> to vector<16xf32>
      %swap3A_437 = vector.shape_cast %add3A_432 : vector<16xf32> to vector<1x16xf32>
      tpu.vector_store %arg7[%swap3A_433, %swap3A_434], %swap3A_437 {strides = array<i32>} : memref<64x768xf32, #tpu.memory_space<vmem>>, vector<1x16xf32>,
      %get3A_438 = arith.index_cast %scan3A_19 : i32 to index
      %get3A_439 = arith.constant 480 : index
      %get3A_440 = tpu.vector_load %arg7[%get3A_438, %get3A_439] {strides = array<i32>} : memref<64x768xf32, #tpu.memory_space<vmem>>, vector<1x16xf32>,
      %get3A_441 = vector.shape_cast %get3A_440 : vector<1x16xf32> to vector<16xf32>
      %get3A_442 = arith.index_cast %scan3A_19 : i32 to index
      %get3A_443 = arith.constant 480 : index
      %get3A_444 = tpu.vector_load %arg8[%get3A_442, %get3A_443] {strides = array<i32>} : memref<64x768xf32, #tpu.memory_space<vmem>>, vector<1x16xf32>,
      %get3A_445 = vector.shape_cast %get3A_444 : vector<1x16xf32> to vector<16xf32>
      %add3A_446 = arith.addf %get3A_441, %get3A_445 : vector<16xf32>
      %swap3A_447 = arith.index_cast %scan3A_19 : i32 to index
      %swap3A_448 = arith.constant 480 : index
      %swap3A_449 = tpu.vector_load %arg7[%swap3A_447, %swap3A_448] {strides = array<i32>} : memref<64x768xf32, #tpu.memory_space<vmem>>, vector<1x16xf32>,
      %swap3A_450 = vector.shape_cast %swap3A_449 : vector<1x16xf32> to vector<16xf32>
      %swap3A_451 = vector.shape_cast %add3A_446 : vector<16xf32> to vector<1x16xf32>
      tpu.vector_store %arg7[%swap3A_447, %swap3A_448], %swap3A_451 {strides = array<i32>} : memref<64x768xf32, #tpu.memory_space<vmem>>, vector<1x16xf32>,
      %get3A_452 = arith.index_cast %scan3A_19 : i32 to index
      %get3A_453 = arith.constant 496 : index
      %get3A_454 = tpu.vector_load %arg7[%get3A_452, %get3A_453] {strides = array<i32>} : memref<64x768xf32, #tpu.memory_space<vmem>>, vector<1x16xf32>,
      %get3A_455 = vector.shape_cast %get3A_454 : vector<1x16xf32> to vector<16xf32>
      %get3A_456 = arith.index_cast %scan3A_19 : i32 to index
      %get3A_457 = arith.constant 496 : index
      %get3A_458 = tpu.vector_load %arg8[%get3A_456, %get3A_457] {strides = array<i32>} : memref<64x768xf32, #tpu.memory_space<vmem>>, vector<1x16xf32>,
      %get3A_459 = vector.shape_cast %get3A_458 : vector<1x16xf32> to vector<16xf32>
      %add3A_460 = arith.addf %get3A_455, %get3A_459 : vector<16xf32>
      %swap3A_461 = arith.index_cast %scan3A_19 : i32 to index
      %swap3A_462 = arith.constant 496 : index
      %swap3A_463 = tpu.vector_load %arg7[%swap3A_461, %swap3A_462] {strides = array<i32>} : memref<64x768xf32, #tpu.memory_space<vmem>>, vector<1x16xf32>,
      %swap3A_464 = vector.shape_cast %swap3A_463 : vector<1x16xf32> to vector<16xf32>
      %swap3A_465 = vector.shape_cast %add3A_460 : vector<16xf32> to vector<1x16xf32>
      tpu.vector_store %arg7[%swap3A_461, %swap3A_462], %swap3A_465 {strides = array<i32>} : memref<64x768xf32, #tpu.memory_space<vmem>>, vector<1x16xf32>,
      %get3A_466 = arith.index_cast %scan3A_19 : i32 to index
      %get3A_467 = arith.constant 512 : index
      %get3A_468 = tpu.vector_load %arg7[%get3A_466, %get3A_467] {strides = array<i32>} : memref<64x768xf32, #tpu.memory_space<vmem>>, vector<1x16xf32>,
      %get3A_469 = vector.shape_cast %get3A_468 : vector<1x16xf32> to vector<16xf32>
      %get3A_470 = arith.index_cast %scan3A_19 : i32 to index
      %get3A_471 = arith.constant 512 : index
      %get3A_472 = tpu.vector_load %arg8[%get3A_470, %get3A_471] {strides = array<i32>} : memref<64x768xf32, #tpu.memory_space<vmem>>, vector<1x16xf32>,
      %get3A_473 = vector.shape_cast %get3A_472 : vector<1x16xf32> to vector<16xf32>
      %add3A_474 = arith.addf %get3A_469, %get3A_473 : vector<16xf32>
      %swap3A_475 = arith.index_cast %scan3A_19 : i32 to index
      %swap3A_476 = arith.constant 512 : index
      %swap3A_477 = tpu.vector_load %arg7[%swap3A_475, %swap3A_476] {strides = array<i32>} : memref<64x768xf32, #tpu.memory_space<vmem>>, vector<1x16xf32>,
      %swap3A_478 = vector.shape_cast %swap3A_477 : vector<1x16xf32> to vector<16xf32>
      %swap3A_479 = vector.shape_cast %add3A_474 : vector<16xf32> to vector<1x16xf32>
      tpu.vector_store %arg7[%swap3A_475, %swap3A_476], %swap3A_479 {strides = array<i32>} : memref<64x768xf32, #tpu.memory_space<vmem>>, vector<1x16xf32>,
      %get3A_480 = arith.index_cast %scan3A_19 : i32 to index
      %get3A_481 = arith.constant 528 : index
      %get3A_482 = tpu.vector_load %arg7[%get3A_480, %get3A_481] {strides = array<i32>} : memref<64x768xf32, #tpu.memory_space<vmem>>, vector<1x16xf32>,
      %get3A_483 = vector.shape_cast %get3A_482 : vector<1x16xf32> to vector<16xf32>
      %get3A_484 = arith.index_cast %scan3A_19 : i32 to index
      %get3A_485 = arith.constant 528 : index
      %get3A_486 = tpu.vector_load %arg8[%get3A_484, %get3A_485] {strides = array<i32>} : memref<64x768xf32, #tpu.memory_space<vmem>>, vector<1x16xf32>,
      %get3A_487 = vector.shape_cast %get3A_486 : vector<1x16xf32> to vector<16xf32>
      %add3A_488 = arith.addf %get3A_483, %get3A_487 : vector<16xf32>
      %swap3A_489 = arith.index_cast %scan3A_19 : i32 to index
      %swap3A_490 = arith.constant 528 : index
      %swap3A_491 = tpu.vector_load %arg7[%swap3A_489, %swap3A_490] {strides = array<i32>} : memref<64x768xf32, #tpu.memory_space<vmem>>, vector<1x16xf32>,
      %swap3A_492 = vector.shape_cast %swap3A_491 : vector<1x16xf32> to vector<16xf32>
      %swap3A_493 = vector.shape_cast %add3A_488 : vector<16xf32> to vector<1x16xf32>
      tpu.vector_store %arg7[%swap3A_489, %swap3A_490], %swap3A_493 {strides = array<i32>} : memref<64x768xf32, #tpu.memory_space<vmem>>, vector<1x16xf32>,
      %get3A_494 = arith.index_cast %scan3A_19 : i32 to index
      %get3A_495 = arith.constant 544 : index
      %get3A_496 = tpu.vector_load %arg7[%get3A_494, %get3A_495] {strides = array<i32>} : memref<64x768xf32, #tpu.memory_space<vmem>>, vector<1x16xf32>,
      %get3A_497 = vector.shape_cast %get3A_496 : vector<1x16xf32> to vector<16xf32>
      %get3A_498 = arith.index_cast %scan3A_19 : i32 to index
      %get3A_499 = arith.constant 544 : index
      %get3A_500 = tpu.vector_load %arg8[%get3A_498, %get3A_499] {strides = array<i32>} : memref<64x768xf32, #tpu.memory_space<vmem>>, vector<1x16xf32>,
      %get3A_501 = vector.shape_cast %get3A_500 : vector<1x16xf32> to vector<16xf32>
      %add3A_502 = arith.addf %get3A_497, %get3A_501 : vector<16xf32>
      %swap3A_503 = arith.index_cast %scan3A_19 : i32 to index
      %swap3A_504 = arith.constant 544 : index
      %swap3A_505 = tpu.vector_load %arg7[%swap3A_503, %swap3A_504] {strides = array<i32>} : memref<64x768xf32, #tpu.memory_space<vmem>>, vector<1x16xf32>,
      %swap3A_506 = vector.shape_cast %swap3A_505 : vector<1x16xf32> to vector<16xf32>
      %swap3A_507 = vector.shape_cast %add3A_502 : vector<16xf32> to vector<1x16xf32>
      tpu.vector_store %arg7[%swap3A_503, %swap3A_504], %swap3A_507 {strides = array<i32>} : memref<64x768xf32, #tpu.memory_space<vmem>>, vector<1x16xf32>,
      %get3A_508 = arith.index_cast %scan3A_19 : i32 to index
      %get3A_509 = arith.constant 560 : index
      %get3A_510 = tpu.vector_load %arg7[%get3A_508, %get3A_509] {strides = array<i32>} : memref<64x768xf32, #tpu.memory_space<vmem>>, vector<1x16xf32>,
      %get3A_511 = vector.shape_cast %get3A_510 : vector<1x16xf32> to vector<16xf32>
      %get3A_512 = arith.index_cast %scan3A_19 : i32 to index
      %get3A_513 = arith.constant 560 : index
      %get3A_514 = tpu.vector_load %arg8[%get3A_512, %get3A_513] {strides = array<i32>} : memref<64x768xf32, #tpu.memory_space<vmem>>, vector<1x16xf32>,
      %get3A_515 = vector.shape_cast %get3A_514 : vector<1x16xf32> to vector<16xf32>
      %add3A_516 = arith.addf %get3A_511, %get3A_515 : vector<16xf32>
      %swap3A_517 = arith.index_cast %scan3A_19 : i32 to index
      %swap3A_518 = arith.constant 560 : index
      %swap3A_519 = tpu.vector_load %arg7[%swap3A_517, %swap3A_518] {strides = array<i32>} : memref<64x768xf32, #tpu.memory_space<vmem>>, vector<1x16xf32>,
      %swap3A_520 = vector.shape_cast %swap3A_519 : vector<1x16xf32> to vector<16xf32>
      %swap3A_521 = vector.shape_cast %add3A_516 : vector<16xf32> to vector<1x16xf32>
      tpu.vector_store %arg7[%swap3A_517, %swap3A_518], %swap3A_521 {strides = array<i32>} : memref<64x768xf32, #tpu.memory_space<vmem>>, vector<1x16xf32>,
      %get3A_522 = arith.index_cast %scan3A_19 : i32 to index
      %get3A_523 = arith.constant 576 : index
      %get3A_524 = tpu.vector_load %arg7[%get3A_522, %get3A_523] {strides = array<i32>} : memref<64x768xf32, #tpu.memory_space<vmem>>, vector<1x16xf32>,
      %get3A_525 = vector.shape_cast %get3A_524 : vector<1x16xf32> to vector<16xf32>
      %get3A_526 = arith.index_cast %scan3A_19 : i32 to index
      %get3A_527 = arith.constant 576 : index
      %get3A_528 = tpu.vector_load %arg8[%get3A_526, %get3A_527] {strides = array<i32>} : memref<64x768xf32, #tpu.memory_space<vmem>>, vector<1x16xf32>,
      %get3A_529 = vector.shape_cast %get3A_528 : vector<1x16xf32> to vector<16xf32>
      %add3A_530 = arith.addf %get3A_525, %get3A_529 : vector<16xf32>
      %swap3A_531 = arith.index_cast %scan3A_19 : i32 to index
      %swap3A_532 = arith.constant 576 : index
      %swap3A_533 = tpu.vector_load %arg7[%swap3A_531, %swap3A_532] {strides = array<i32>} : memref<64x768xf32, #tpu.memory_space<vmem>>, vector<1x16xf32>,
      %swap3A_534 = vector.shape_cast %swap3A_533 : vector<1x16xf32> to vector<16xf32>
      %swap3A_535 = vector.shape_cast %add3A_530 : vector<16xf32> to vector<1x16xf32>
      tpu.vector_store %arg7[%swap3A_531, %swap3A_532], %swap3A_535 {strides = array<i32>} : memref<64x768xf32, #tpu.memory_space<vmem>>, vector<1x16xf32>,
      %get3A_536 = arith.index_cast %scan3A_19 : i32 to index
      %get3A_537 = arith.constant 592 : index
      %get3A_538 = tpu.vector_load %arg7[%get3A_536, %get3A_537] {strides = array<i32>} : memref<64x768xf32, #tpu.memory_space<vmem>>, vector<1x16xf32>,
      %get3A_539 = vector.shape_cast %get3A_538 : vector<1x16xf32> to vector<16xf32>
      %get3A_540 = arith.index_cast %scan3A_19 : i32 to index
      %get3A_541 = arith.constant 592 : index
      %get3A_542 = tpu.vector_load %arg8[%get3A_540, %get3A_541] {strides = array<i32>} : memref<64x768xf32, #tpu.memory_space<vmem>>, vector<1x16xf32>,
      %get3A_543 = vector.shape_cast %get3A_542 : vector<1x16xf32> to vector<16xf32>
      %add3A_544 = arith.addf %get3A_539, %get3A_543 : vector<16xf32>
      %swap3A_545 = arith.index_cast %scan3A_19 : i32 to index
      %swap3A_546 = arith.constant 592 : index
      %swap3A_547 = tpu.vector_load %arg7[%swap3A_545, %swap3A_546] {strides = array<i32>} : memref<64x768xf32, #tpu.memory_space<vmem>>, vector<1x16xf32>,
      %swap3A_548 = vector.shape_cast %swap3A_547 : vector<1x16xf32> to vector<16xf32>
      %swap3A_549 = vector.shape_cast %add3A_544 : vector<16xf32> to vector<1x16xf32>
      tpu.vector_store %arg7[%swap3A_545, %swap3A_546], %swap3A_549 {strides = array<i32>} : memref<64x768xf32, #tpu.memory_space<vmem>>, vector<1x16xf32>,
      %get3A_550 = arith.index_cast %scan3A_19 : i32 to index
      %get3A_551 = arith.constant 608 : index
      %get3A_552 = tpu.vector_load %arg7[%get3A_550, %get3A_551] {strides = array<i32>} : memref<64x768xf32, #tpu.memory_space<vmem>>, vector<1x16xf32>,
      %get3A_553 = vector.shape_cast %get3A_552 : vector<1x16xf32> to vector<16xf32>
      %get3A_554 = arith.index_cast %scan3A_19 : i32 to index
      %get3A_555 = arith.constant 608 : index
      %get3A_556 = tpu.vector_load %arg8[%get3A_554, %get3A_555] {strides = array<i32>} : memref<64x768xf32, #tpu.memory_space<vmem>>, vector<1x16xf32>,
      %get3A_557 = vector.shape_cast %get3A_556 : vector<1x16xf32> to vector<16xf32>
      %add3A_558 = arith.addf %get3A_553, %get3A_557 : vector<16xf32>
      %swap3A_559 = arith.index_cast %scan3A_19 : i32 to index
      %swap3A_560 = arith.constant 608 : index
      %swap3A_561 = tpu.vector_load %arg7[%swap3A_559, %swap3A_560] {strides = array<i32>} : memref<64x768xf32, #tpu.memory_space<vmem>>, vector<1x16xf32>,
      %swap3A_562 = vector.shape_cast %swap3A_561 : vector<1x16xf32> to vector<16xf32>
      %swap3A_563 = vector.shape_cast %add3A_558 : vector<16xf32> to vector<1x16xf32>
      tpu.vector_store %arg7[%swap3A_559, %swap3A_560], %swap3A_563 {strides = array<i32>} : memref<64x768xf32, #tpu.memory_space<vmem>>, vector<1x16xf32>,
      %get3A_564 = arith.index_cast %scan3A_19 : i32 to index
      %get3A_565 = arith.constant 624 : index
      %get3A_566 = tpu.vector_load %arg7[%get3A_564, %get3A_565] {strides = array<i32>} : memref<64x768xf32, #tpu.memory_space<vmem>>, vector<1x16xf32>,
      %get3A_567 = vector.shape_cast %get3A_566 : vector<1x16xf32> to vector<16xf32>
      %get3A_568 = arith.index_cast %scan3A_19 : i32 to index
      %get3A_569 = arith.constant 624 : index
      %get3A_570 = tpu.vector_load %arg8[%get3A_568, %get3A_569] {strides = array<i32>} : memref<64x768xf32, #tpu.memory_space<vmem>>, vector<1x16xf32>,
      %get3A_571 = vector.shape_cast %get3A_570 : vector<1x16xf32> to vector<16xf32>
      %add3A_572 = arith.addf %get3A_567, %get3A_571 : vector<16xf32>
      %swap3A_573 = arith.index_cast %scan3A_19 : i32 to index
      %swap3A_574 = arith.constant 624 : index
      %swap3A_575 = tpu.vector_load %arg7[%swap3A_573, %swap3A_574] {strides = array<i32>} : memref<64x768xf32, #tpu.memory_space<vmem>>, vector<1x16xf32>,
      %swap3A_576 = vector.shape_cast %swap3A_575 : vector<1x16xf32> to vector<16xf32>
      %swap3A_577 = vector.shape_cast %add3A_572 : vector<16xf32> to vector<1x16xf32>
      tpu.vector_store %arg7[%swap3A_573, %swap3A_574], %swap3A_577 {strides = array<i32>} : memref<64x768xf32, #tpu.memory_space<vmem>>, vector<1x16xf32>,
      %get3A_578 = arith.index_cast %scan3A_19 : i32 to index
      %get3A_579 = arith.constant 640 : index
      %get3A_580 = tpu.vector_load %arg7[%get3A_578, %get3A_579] {strides = array<i32>} : memref<64x768xf32, #tpu.memory_space<vmem>>, vector<1x16xf32>,
      %get3A_581 = vector.shape_cast %get3A_580 : vector<1x16xf32> to vector<16xf32>
      %get3A_582 = arith.index_cast %scan3A_19 : i32 to index
      %get3A_583 = arith.constant 640 : index
      %get3A_584 = tpu.vector_load %arg8[%get3A_582, %get3A_583] {strides = array<i32>} : memref<64x768xf32, #tpu.memory_space<vmem>>, vector<1x16xf32>,
      %get3A_585 = vector.shape_cast %get3A_584 : vector<1x16xf32> to vector<16xf32>
      %add3A_586 = arith.addf %get3A_581, %get3A_585 : vector<16xf32>
      %swap3A_587 = arith.index_cast %scan3A_19 : i32 to index
      %swap3A_588 = arith.constant 640 : index
      %swap3A_589 = tpu.vector_load %arg7[%swap3A_587, %swap3A_588] {strides = array<i32>} : memref<64x768xf32, #tpu.memory_space<vmem>>, vector<1x16xf32>,
      %swap3A_590 = vector.shape_cast %swap3A_589 : vector<1x16xf32> to vector<16xf32>
      %swap3A_591 = vector.shape_cast %add3A_586 : vector<16xf32> to vector<1x16xf32>
      tpu.vector_store %arg7[%swap3A_587, %swap3A_588], %swap3A_591 {strides = array<i32>} : memref<64x768xf32, #tpu.memory_space<vmem>>, vector<1x16xf32>,
      %get3A_592 = arith.index_cast %scan3A_19 : i32 to index
      %get3A_593 = arith.constant 656 : index
      %get3A_594 = tpu.vector_load %arg7[%get3A_592, %get3A_593] {strides = array<i32>} : memref<64x768xf32, #tpu.memory_space<vmem>>, vector<1x16xf32>,
      %get3A_595 = vector.shape_cast %get3A_594 : vector<1x16xf32> to vector<16xf32>
      %get3A_596 = arith.index_cast %scan3A_19 : i32 to index
      %get3A_597 = arith.constant 656 : index
      %get3A_598 = tpu.vector_load %arg8[%get3A_596, %get3A_597] {strides = array<i32>} : memref<64x768xf32, #tpu.memory_space<vmem>>, vector<1x16xf32>,
      %get3A_599 = vector.shape_cast %get3A_598 : vector<1x16xf32> to vector<16xf32>
      %add3A_600 = arith.addf %get3A_595, %get3A_599 : vector<16xf32>
      %swap3A_601 = arith.index_cast %scan3A_19 : i32 to index
      %swap3A_602 = arith.constant 656 : index
      %swap3A_603 = tpu.vector_load %arg7[%swap3A_601, %swap3A_602] {strides = array<i32>} : memref<64x768xf32, #tpu.memory_space<vmem>>, vector<1x16xf32>,
      %swap3A_604 = vector.shape_cast %swap3A_603 : vector<1x16xf32> to vector<16xf32>
      %swap3A_605 = vector.shape_cast %add3A_600 : vector<16xf32> to vector<1x16xf32>
      tpu.vector_store %arg7[%swap3A_601, %swap3A_602], %swap3A_605 {strides = array<i32>} : memref<64x768xf32, #tpu.memory_space<vmem>>, vector<1x16xf32>,
      %get3A_606 = arith.index_cast %scan3A_19 : i32 to index
      %get3A_607 = arith.constant 672 : index
      %get3A_608 = tpu.vector_load %arg7[%get3A_606, %get3A_607] {strides = array<i32>} : memref<64x768xf32, #tpu.memory_space<vmem>>, vector<1x16xf32>,
      %get3A_609 = vector.shape_cast %get3A_608 : vector<1x16xf32> to vector<16xf32>
      %get3A_610 = arith.index_cast %scan3A_19 : i32 to index
      %get3A_611 = arith.constant 672 : index
      %get3A_612 = tpu.vector_load %arg8[%get3A_610, %get3A_611] {strides = array<i32>} : memref<64x768xf32, #tpu.memory_space<vmem>>, vector<1x16xf32>,
      %get3A_613 = vector.shape_cast %get3A_612 : vector<1x16xf32> to vector<16xf32>
      %add3A_614 = arith.addf %get3A_609, %get3A_613 : vector<16xf32>
      %swap3A_615 = arith.index_cast %scan3A_19 : i32 to index
      %swap3A_616 = arith.constant 672 : index
      %swap3A_617 = tpu.vector_load %arg7[%swap3A_615, %swap3A_616] {strides = array<i32>} : memref<64x768xf32, #tpu.memory_space<vmem>>, vector<1x16xf32>,
      %swap3A_618 = vector.shape_cast %swap3A_617 : vector<1x16xf32> to vector<16xf32>
      %swap3A_619 = vector.shape_cast %add3A_614 : vector<16xf32> to vector<1x16xf32>
      tpu.vector_store %arg7[%swap3A_615, %swap3A_616], %swap3A_619 {strides = array<i32>} : memref<64x768xf32, #tpu.memory_space<vmem>>, vector<1x16xf32>,
      %get3A_620 = arith.index_cast %scan3A_19 : i32 to index
      %get3A_621 = arith.constant 688 : index
      %get3A_622 = tpu.vector_load %arg7[%get3A_620, %get3A_621] {strides = array<i32>} : memref<64x768xf32, #tpu.memory_space<vmem>>, vector<1x16xf32>,
      %get3A_623 = vector.shape_cast %get3A_622 : vector<1x16xf32> to vector<16xf32>
      %get3A_624 = arith.index_cast %scan3A_19 : i32 to index
      %get3A_625 = arith.constant 688 : index
      %get3A_626 = tpu.vector_load %arg8[%get3A_624, %get3A_625] {strides = array<i32>} : memref<64x768xf32, #tpu.memory_space<vmem>>, vector<1x16xf32>,
      %get3A_627 = vector.shape_cast %get3A_626 : vector<1x16xf32> to vector<16xf32>
      %add3A_628 = arith.addf %get3A_623, %get3A_627 : vector<16xf32>
      %swap3A_629 = arith.index_cast %scan3A_19 : i32 to index
      %swap3A_630 = arith.constant 688 : index
      %swap3A_631 = tpu.vector_load %arg7[%swap3A_629, %swap3A_630] {strides = array<i32>} : memref<64x768xf32, #tpu.memory_space<vmem>>, vector<1x16xf32>,
      %swap3A_632 = vector.shape_cast %swap3A_631 : vector<1x16xf32> to vector<16xf32>
      %swap3A_633 = vector.shape_cast %add3A_628 : vector<16xf32> to vector<1x16xf32>
      tpu.vector_store %arg7[%swap3A_629, %swap3A_630], %swap3A_633 {strides = array<i32>} : memref<64x768xf32, #tpu.memory_space<vmem>>, vector<1x16xf32>,
      %get3A_634 = arith.index_cast %scan3A_19 : i32 to index
      %get3A_635 = arith.constant 704 : index
      %get3A_636 = tpu.vector_load %arg7[%get3A_634, %get3A_635] {strides = array<i32>} : memref<64x768xf32, #tpu.memory_space<vmem>>, vector<1x16xf32>,
      %get3A_637 = vector.shape_cast %get3A_636 : vector<1x16xf32> to vector<16xf32>
      %get3A_638 = arith.index_cast %scan3A_19 : i32 to index
      %get3A_639 = arith.constant 704 : index
      %get3A_640 = tpu.vector_load %arg8[%get3A_638, %get3A_639] {strides = array<i32>} : memref<64x768xf32, #tpu.memory_space<vmem>>, vector<1x16xf32>,
      %get3A_641 = vector.shape_cast %get3A_640 : vector<1x16xf32> to vector<16xf32>
      %add3A_642 = arith.addf %get3A_637, %get3A_641 : vector<16xf32>
      %swap3A_643 = arith.index_cast %scan3A_19 : i32 to index
      %swap3A_644 = arith.constant 704 : index
      %swap3A_645 = tpu.vector_load %arg7[%swap3A_643, %swap3A_644] {strides = array<i32>} : memref<64x768xf32, #tpu.memory_space<vmem>>, vector<1x16xf32>,
      %swap3A_646 = vector.shape_cast %swap3A_645 : vector<1x16xf32> to vector<16xf32>
      %swap3A_647 = vector.shape_cast %add3A_642 : vector<16xf32> to vector<1x16xf32>
      tpu.vector_store %arg7[%swap3A_643, %swap3A_644], %swap3A_647 {strides = array<i32>} : memref<64x768xf32, #tpu.memory_space<vmem>>, vector<1x16xf32>,
      %get3A_648 = arith.index_cast %scan3A_19 : i32 to index
      %get3A_649 = arith.constant 720 : index
      %get3A_650 = tpu.vector_load %arg7[%get3A_648, %get3A_649] {strides = array<i32>} : memref<64x768xf32, #tpu.memory_space<vmem>>, vector<1x16xf32>,
      %get3A_651 = vector.shape_cast %get3A_650 : vector<1x16xf32> to vector<16xf32>
      %get3A_652 = arith.index_cast %scan3A_19 : i32 to index
      %get3A_653 = arith.constant 720 : index
      %get3A_654 = tpu.vector_load %arg8[%get3A_652, %get3A_653] {strides = array<i32>} : memref<64x768xf32, #tpu.memory_space<vmem>>, vector<1x16xf32>,
      %get3A_655 = vector.shape_cast %get3A_654 : vector<1x16xf32> to vector<16xf32>
      %add3A_656 = arith.addf %get3A_651, %get3A_655 : vector<16xf32>
      %swap3A_657 = arith.index_cast %scan3A_19 : i32 to index
      %swap3A_658 = arith.constant 720 : index
      %swap3A_659 = tpu.vector_load %arg7[%swap3A_657, %swap3A_658] {strides = array<i32>} : memref<64x768xf32, #tpu.memory_space<vmem>>, vector<1x16xf32>,
      %swap3A_660 = vector.shape_cast %swap3A_659 : vector<1x16xf32> to vector<16xf32>
      %swap3A_661 = vector.shape_cast %add3A_656 : vector<16xf32> to vector<1x16xf32>
      tpu.vector_store %arg7[%swap3A_657, %swap3A_658], %swap3A_661 {strides = array<i32>} : memref<64x768xf32, #tpu.memory_space<vmem>>, vector<1x16xf32>,
      %get3A_662 = arith.index_cast %scan3A_19 : i32 to index
      %get3A_663 = arith.constant 736 : index
      %get3A_664 = tpu.vector_load %arg7[%get3A_662, %get3A_663] {strides = array<i32>} : memref<64x768xf32, #tpu.memory_space<vmem>>, vector<1x16xf32>,
      %get3A_665 = vector.shape_cast %get3A_664 : vector<1x16xf32> to vector<16xf32>
      %get3A_666 = arith.index_cast %scan3A_19 : i32 to index
      %get3A_667 = arith.constant 736 : index
      %get3A_668 = tpu.vector_load %arg8[%get3A_666, %get3A_667] {strides = array<i32>} : memref<64x768xf32, #tpu.memory_space<vmem>>, vector<1x16xf32>,
      %get3A_669 = vector.shape_cast %get3A_668 : vector<1x16xf32> to vector<16xf32>
      %add3A_670 = arith.addf %get3A_665, %get3A_669 : vector<16xf32>
      %swap3A_671 = arith.index_cast %scan3A_19 : i32 to index
      %swap3A_672 = arith.constant 736 : index
      %swap3A_673 = tpu.vector_load %arg7[%swap3A_671, %swap3A_672] {strides = array<i32>} : memref<64x768xf32, #tpu.memory_space<vmem>>, vector<1x16xf32>,
      %swap3A_674 = vector.shape_cast %swap3A_673 : vector<1x16xf32> to vector<16xf32>
      %swap3A_675 = vector.shape_cast %add3A_670 : vector<16xf32> to vector<1x16xf32>
      tpu.vector_store %arg7[%swap3A_671, %swap3A_672], %swap3A_675 {strides = array<i32>} : memref<64x768xf32, #tpu.memory_space<vmem>>, vector<1x16xf32>,
      %get3A_676 = arith.index_cast %scan3A_19 : i32 to index
      %get3A_677 = arith.constant 752 : index
      %get3A_678 = tpu.vector_load %arg7[%get3A_676, %get3A_677] {strides = array<i32>} : memref<64x768xf32, #tpu.memory_space<vmem>>, vector<1x16xf32>,
      %get3A_679 = vector.shape_cast %get3A_678 : vector<1x16xf32> to vector<16xf32>
      %get3A_680 = arith.index_cast %scan3A_19 : i32 to index
      %get3A_681 = arith.constant 752 : index
      %get3A_682 = tpu.vector_load %arg8[%get3A_680, %get3A_681] {strides = array<i32>} : memref<64x768xf32, #tpu.memory_space<vmem>>, vector<1x16xf32>,
      %get3A_683 = vector.shape_cast %get3A_682 : vector<1x16xf32> to vector<16xf32>
      %add3A_684 = arith.addf %get3A_679, %get3A_683 : vector<16xf32>
      %swap3A_685 = arith.index_cast %scan3A_19 : i32 to index
      %swap3A_686 = arith.constant 752 : index
      %swap3A_687 = tpu.vector_load %arg7[%swap3A_685, %swap3A_686] {strides = array<i32>} : memref<64x768xf32, #tpu.memory_space<vmem>>, vector<1x16xf32>,
      %swap3A_688 = vector.shape_cast %swap3A_687 : vector<1x16xf32> to vector<16xf32>
      %swap3A_689 = vector.shape_cast %add3A_684 : vector<16xf32> to vector<1x16xf32>
      tpu.vector_store %arg7[%swap3A_685, %swap3A_686], %swap3A_689 {strides = array<i32>} : memref<64x768xf32, #tpu.memory_space<vmem>>, vector<1x16xf32>,
    }
    %scan3A_18 = arith.constant 64 : i32
    "tpu.region"() ({
      %run_scoped3A_19 = tpu.sem_alloc : memref<!tpu.dma_semaphore, #tpu.memory_space<semaphore_mem>>
      %dma_start3A_20 = arith.constant 0 : i32
      %dma_start3A_21 = tpu.memref_slice %arg4[%mul3A_2, %dma_start3A_20] : memref<2048x768xf32, #tpu.memory_space<hbm>> -> memref<64x768xf32, #tpu.memory_space<hbm>>
      %dma_start3A_22 = arith.constant 0 : i32
      %dma_start3A_23 = tpu.memref_slice %arg4[%mul3A_2, %dma_start3A_22] : memref<2048x768xf32, #tpu.memory_space<hbm>> -> memref<64x768xf32, #tpu.memory_space<hbm>>
      tpu.enqueue_dma source(%arg7 : memref<64x768xf32, #tpu.memory_space<vmem>>) target(%dma_start3A_23 : memref<64x768xf32, #tpu.memory_space<hbm>>) target_semaphore(%run_scoped3A_19 : memref<!tpu.dma_semaphore, #tpu.memory_space<semaphore_mem>>)
      %dma_wait3A_24 = arith.constant 0 : i32
      %dma_wait3A_25 = tpu.memref_slice %arg4[%mul3A_2, %dma_wait3A_24] : memref<2048x768xf32, #tpu.memory_space<hbm>> -> memref<64x768xf32, #tpu.memory_space<hbm>>
      %dma_wait3A_26 = arith.constant 0 : i32
      %dma_wait3A_27 = tpu.memref_slice %arg4[%mul3A_2, %dma_wait3A_26] : memref<2048x768xf32, #tpu.memory_space<hbm>> -> memref<64x768xf32, #tpu.memory_space<hbm>>
      tpu.wait_dma2 semaphore(%run_scoped3A_19 : memref<!tpu.dma_semaphore, #tpu.memory_space<semaphore_mem>>) src(%arg7 : memref<64x768xf32, #tpu.memory_space<vmem>>) dst(%dma_wait3A_27 : memref<64x768xf32, #tpu.memory_space<hbm>>)
      tpu.yield
    }) : () -> ()
    return
  }
}

#map = affine_map<(d0, d1) -> (0, 0)>
#map1 = affine_map<(d0, d1) -> (0)>
module attributes {stable_mosaic.version = 14 : i64} {
  func.func @_sc_dispatch(%arg0: i32, %arg1: i32, %arg2: memref<2x2048xi32, #tpu.memory_space<hbm>>, %arg3: memref<2x2048xf32, #tpu.memory_space<hbm>>, %arg4: memref<2048x768xf32, #tpu.memory_space<hbm>>, %arg5: memref<6144x768xf32, #tpu.memory_space<hbm>>, %arg6: memref<6144xf32, #tpu.memory_space<hbm>>, %arg7: memref<64xi32, #tpu.memory_space<vmem>>, %arg8: memref<64xi32, #tpu.memory_space<vmem>>, %arg9: memref<64xf32, #tpu.memory_space<vmem>>, %arg10: memref<64xf32, #tpu.memory_space<vmem>>, %arg11: memref<64x768xf32, #tpu.memory_space<vmem>>, %arg12: memref<5x!tpu.dma_semaphore, #tpu.memory_space<semaphore_mem>>) attributes {dimension_semantics = [#tpu.dimension_semantics<core_parallel>, #tpu.dimension_semantics<subcore_parallel>], iteration_bounds = array<i64: 2, 16>, scalar_prefetch = 0 : i64, scratch_operands = 6 : i64, tpu.core_type = #tpu.core_type<sc_vector_subcore>, window_params = [{transform_indices = #map}, {transform_indices = #map}, {transform_indices = #map}, {transform_indices = #map}, {transform_indices = #map1}]} {
    %mul3A = arith.constant 2 : i32
    %mul3A_0 = arith.muli %arg1, %mul3A : i32
    %add3A = arith.addi %mul3A_0, %arg0 : i32
    %mul3A_1 = arith.constant 64 : i32
    %mul3A_2 = arith.muli %add3A, %mul3A_1 : i32
    %dma_start3A = arith.constant 0 : i32
    %dma_start3A_3 = arith.constant 0 : i32
    %dma_start3A_4 = tpu.memref_slice %arg4[%mul3A_2, %dma_start3A_3] : memref<2048x768xf32, #tpu.memory_space<hbm>> -> memref<64x768xf32, #tpu.memory_space<hbm>>
    %dma_start3A_5 = tpu.memref_slice %arg12[%dma_start3A] : memref<5x!tpu.dma_semaphore, #tpu.memory_space<semaphore_mem>> -> memref<1x!tpu.dma_semaphore, #tpu.memory_space<semaphore_mem>>
    %dma_start3A_6 = tpu.memref_squeeze %dma_start3A_5 : memref<1x!tpu.dma_semaphore, #tpu.memory_space<semaphore_mem>> -> memref<!tpu.dma_semaphore, #tpu.memory_space<semaphore_mem>>
    %dma_start3A_7 = arith.constant 0 : i32
    %dma_start3A_8 = tpu.memref_slice %arg4[%mul3A_2, %dma_start3A_7] : memref<2048x768xf32, #tpu.memory_space<hbm>> -> memref<64x768xf32, #tpu.memory_space<hbm>>
    tpu.enqueue_dma source(%dma_start3A_8 : memref<64x768xf32, #tpu.memory_space<hbm>>) target(%arg11 : memref<64x768xf32, #tpu.memory_space<vmem>>) target_semaphore(%dma_start3A_6 : memref<!tpu.dma_semaphore, #tpu.memory_space<semaphore_mem>>)
    %dma_start3A_9 = arith.constant 0 : i32
    %dma_start3A_10 = arith.constant 1 : i32
    %dma_start3A_11 = tpu.memref_slice %arg2[%dma_start3A_9, %mul3A_2] : memref<2x2048xi32, #tpu.memory_space<hbm>> -> memref<1x64xi32, #tpu.memory_space<hbm>>
    %dma_start3A_12 = tpu.memref_squeeze %dma_start3A_11 : memref<1x64xi32, #tpu.memory_space<hbm>> -> memref<64xi32, #tpu.memory_space<hbm>>
    %dma_start3A_13 = tpu.memref_slice %arg12[%dma_start3A_10] : memref<5x!tpu.dma_semaphore, #tpu.memory_space<semaphore_mem>> -> memref<1x!tpu.dma_semaphore, #tpu.memory_space<semaphore_mem>>
    %dma_start3A_14 = tpu.memref_squeeze %dma_start3A_13 : memref<1x!tpu.dma_semaphore, #tpu.memory_space<semaphore_mem>> -> memref<!tpu.dma_semaphore, #tpu.memory_space<semaphore_mem>>
    %dma_start3A_15 = tpu.memref_slice %arg2[%dma_start3A_9, %mul3A_2] : memref<2x2048xi32, #tpu.memory_space<hbm>> -> memref<1x64xi32, #tpu.memory_space<hbm>>
    %dma_start3A_16 = tpu.memref_squeeze %dma_start3A_15 : memref<1x64xi32, #tpu.memory_space<hbm>> -> memref<64xi32, #tpu.memory_space<hbm>>
    tpu.enqueue_dma source(%dma_start3A_16 : memref<64xi32, #tpu.memory_space<hbm>>) target(%arg7 : memref<64xi32, #tpu.memory_space<vmem>>) target_semaphore(%dma_start3A_14 : memref<!tpu.dma_semaphore, #tpu.memory_space<semaphore_mem>>)
    %dma_start3A_17 = arith.constant 1 : i32
    %dma_start3A_18 = arith.constant 2 : i32
    %dma_start3A_19 = tpu.memref_slice %arg2[%dma_start3A_17, %mul3A_2] : memref<2x2048xi32, #tpu.memory_space<hbm>> -> memref<1x64xi32, #tpu.memory_space<hbm>>
    %dma_start3A_20 = tpu.memref_squeeze %dma_start3A_19 : memref<1x64xi32, #tpu.memory_space<hbm>> -> memref<64xi32, #tpu.memory_space<hbm>>
    %dma_start3A_21 = tpu.memref_slice %arg12[%dma_start3A_18] : memref<5x!tpu.dma_semaphore, #tpu.memory_space<semaphore_mem>> -> memref<1x!tpu.dma_semaphore, #tpu.memory_space<semaphore_mem>>
    %dma_start3A_22 = tpu.memref_squeeze %dma_start3A_21 : memref<1x!tpu.dma_semaphore, #tpu.memory_space<semaphore_mem>> -> memref<!tpu.dma_semaphore, #tpu.memory_space<semaphore_mem>>
    %dma_start3A_23 = tpu.memref_slice %arg2[%dma_start3A_17, %mul3A_2] : memref<2x2048xi32, #tpu.memory_space<hbm>> -> memref<1x64xi32, #tpu.memory_space<hbm>>
    %dma_start3A_24 = tpu.memref_squeeze %dma_start3A_23 : memref<1x64xi32, #tpu.memory_space<hbm>> -> memref<64xi32, #tpu.memory_space<hbm>>
    tpu.enqueue_dma source(%dma_start3A_24 : memref<64xi32, #tpu.memory_space<hbm>>) target(%arg8 : memref<64xi32, #tpu.memory_space<vmem>>) target_semaphore(%dma_start3A_22 : memref<!tpu.dma_semaphore, #tpu.memory_space<semaphore_mem>>)
    %dma_start3A_25 = arith.constant 0 : i32
    %dma_start3A_26 = arith.constant 3 : i32
    %dma_start3A_27 = tpu.memref_slice %arg3[%dma_start3A_25, %mul3A_2] : memref<2x2048xf32, #tpu.memory_space<hbm>> -> memref<1x64xf32, #tpu.memory_space<hbm>>
    %dma_start3A_28 = tpu.memref_squeeze %dma_start3A_27 : memref<1x64xf32, #tpu.memory_space<hbm>> -> memref<64xf32, #tpu.memory_space<hbm>>
    %dma_start3A_29 = tpu.memref_slice %arg12[%dma_start3A_26] : memref<5x!tpu.dma_semaphore, #tpu.memory_space<semaphore_mem>> -> memref<1x!tpu.dma_semaphore, #tpu.memory_space<semaphore_mem>>
    %dma_start3A_30 = tpu.memref_squeeze %dma_start3A_29 : memref<1x!tpu.dma_semaphore, #tpu.memory_space<semaphore_mem>> -> memref<!tpu.dma_semaphore, #tpu.memory_space<semaphore_mem>>
    %dma_start3A_31 = tpu.memref_slice %arg3[%dma_start3A_25, %mul3A_2] : memref<2x2048xf32, #tpu.memory_space<hbm>> -> memref<1x64xf32, #tpu.memory_space<hbm>>
    %dma_start3A_32 = tpu.memref_squeeze %dma_start3A_31 : memref<1x64xf32, #tpu.memory_space<hbm>> -> memref<64xf32, #tpu.memory_space<hbm>>
    tpu.enqueue_dma source(%dma_start3A_32 : memref<64xf32, #tpu.memory_space<hbm>>) target(%arg9 : memref<64xf32, #tpu.memory_space<vmem>>) target_semaphore(%dma_start3A_30 : memref<!tpu.dma_semaphore, #tpu.memory_space<semaphore_mem>>)
    %dma_start3A_33 = arith.constant 1 : i32
    %dma_start3A_34 = arith.constant 4 : i32
    %dma_start3A_35 = tpu.memref_slice %arg3[%dma_start3A_33, %mul3A_2] : memref<2x2048xf32, #tpu.memory_space<hbm>> -> memref<1x64xf32, #tpu.memory_space<hbm>>
    %dma_start3A_36 = tpu.memref_squeeze %dma_start3A_35 : memref<1x64xf32, #tpu.memory_space<hbm>> -> memref<64xf32, #tpu.memory_space<hbm>>
    %dma_start3A_37 = tpu.memref_slice %arg12[%dma_start3A_34] : memref<5x!tpu.dma_semaphore, #tpu.memory_space<semaphore_mem>> -> memref<1x!tpu.dma_semaphore, #tpu.memory_space<semaphore_mem>>
    %dma_start3A_38 = tpu.memref_squeeze %dma_start3A_37 : memref<1x!tpu.dma_semaphore, #tpu.memory_space<semaphore_mem>> -> memref<!tpu.dma_semaphore, #tpu.memory_space<semaphore_mem>>
    %dma_start3A_39 = tpu.memref_slice %arg3[%dma_start3A_33, %mul3A_2] : memref<2x2048xf32, #tpu.memory_space<hbm>> -> memref<1x64xf32, #tpu.memory_space<hbm>>
    %dma_start3A_40 = tpu.memref_squeeze %dma_start3A_39 : memref<1x64xf32, #tpu.memory_space<hbm>> -> memref<64xf32, #tpu.memory_space<hbm>>
    tpu.enqueue_dma source(%dma_start3A_40 : memref<64xf32, #tpu.memory_space<hbm>>) target(%arg10 : memref<64xf32, #tpu.memory_space<vmem>>) target_semaphore(%dma_start3A_38 : memref<!tpu.dma_semaphore, #tpu.memory_space<semaphore_mem>>)
    %dma_wait3A = arith.constant 0 : i32
    %dma_wait3A_41 = arith.constant 1 : i32
    %dma_wait3A_42 = tpu.memref_slice %arg2[%dma_wait3A, %mul3A_2] : memref<2x2048xi32, #tpu.memory_space<hbm>> -> memref<1x64xi32, #tpu.memory_space<hbm>>
    %dma_wait3A_43 = tpu.memref_squeeze %dma_wait3A_42 : memref<1x64xi32, #tpu.memory_space<hbm>> -> memref<64xi32, #tpu.memory_space<hbm>>
    %dma_wait3A_44 = tpu.memref_slice %arg12[%dma_wait3A_41] : memref<5x!tpu.dma_semaphore, #tpu.memory_space<semaphore_mem>> -> memref<1x!tpu.dma_semaphore, #tpu.memory_space<semaphore_mem>>
    %dma_wait3A_45 = tpu.memref_squeeze %dma_wait3A_44 : memref<1x!tpu.dma_semaphore, #tpu.memory_space<semaphore_mem>> -> memref<!tpu.dma_semaphore, #tpu.memory_space<semaphore_mem>>
    %dma_wait3A_46 = tpu.memref_slice %arg2[%dma_wait3A, %mul3A_2] : memref<2x2048xi32, #tpu.memory_space<hbm>> -> memref<1x64xi32, #tpu.memory_space<hbm>>
    %dma_wait3A_47 = tpu.memref_squeeze %dma_wait3A_46 : memref<1x64xi32, #tpu.memory_space<hbm>> -> memref<64xi32, #tpu.memory_space<hbm>>
    tpu.wait_dma2 semaphore(%dma_wait3A_45 : memref<!tpu.dma_semaphore, #tpu.memory_space<semaphore_mem>>) src(%dma_wait3A_47 : memref<64xi32, #tpu.memory_space<hbm>>) dst(%arg7 : memref<64xi32, #tpu.memory_space<vmem>>)
    %dma_wait3A_48 = arith.constant 1 : i32
    %dma_wait3A_49 = arith.constant 2 : i32
    %dma_wait3A_50 = tpu.memref_slice %arg2[%dma_wait3A_48, %mul3A_2] : memref<2x2048xi32, #tpu.memory_space<hbm>> -> memref<1x64xi32, #tpu.memory_space<hbm>>
    %dma_wait3A_51 = tpu.memref_squeeze %dma_wait3A_50 : memref<1x64xi32, #tpu.memory_space<hbm>> -> memref<64xi32, #tpu.memory_space<hbm>>
    %dma_wait3A_52 = tpu.memref_slice %arg12[%dma_wait3A_49] : memref<5x!tpu.dma_semaphore, #tpu.memory_space<semaphore_mem>> -> memref<1x!tpu.dma_semaphore, #tpu.memory_space<semaphore_mem>>
    %dma_wait3A_53 = tpu.memref_squeeze %dma_wait3A_52 : memref<1x!tpu.dma_semaphore, #tpu.memory_space<semaphore_mem>> -> memref<!tpu.dma_semaphore, #tpu.memory_space<semaphore_mem>>
    %dma_wait3A_54 = tpu.memref_slice %arg2[%dma_wait3A_48, %mul3A_2] : memref<2x2048xi32, #tpu.memory_space<hbm>> -> memref<1x64xi32, #tpu.memory_space<hbm>>
    %dma_wait3A_55 = tpu.memref_squeeze %dma_wait3A_54 : memref<1x64xi32, #tpu.memory_space<hbm>> -> memref<64xi32, #tpu.memory_space<hbm>>
    tpu.wait_dma2 semaphore(%dma_wait3A_53 : memref<!tpu.dma_semaphore, #tpu.memory_space<semaphore_mem>>) src(%dma_wait3A_55 : memref<64xi32, #tpu.memory_space<hbm>>) dst(%arg8 : memref<64xi32, #tpu.memory_space<vmem>>)
    %dma_wait3A_56 = arith.constant 0 : i32
    %dma_wait3A_57 = arith.constant 3 : i32
    %dma_wait3A_58 = tpu.memref_slice %arg3[%dma_wait3A_56, %mul3A_2] : memref<2x2048xf32, #tpu.memory_space<hbm>> -> memref<1x64xf32, #tpu.memory_space<hbm>>
    %dma_wait3A_59 = tpu.memref_squeeze %dma_wait3A_58 : memref<1x64xf32, #tpu.memory_space<hbm>> -> memref<64xf32, #tpu.memory_space<hbm>>
    %dma_wait3A_60 = tpu.memref_slice %arg12[%dma_wait3A_57] : memref<5x!tpu.dma_semaphore, #tpu.memory_space<semaphore_mem>> -> memref<1x!tpu.dma_semaphore, #tpu.memory_space<semaphore_mem>>
    %dma_wait3A_61 = tpu.memref_squeeze %dma_wait3A_60 : memref<1x!tpu.dma_semaphore, #tpu.memory_space<semaphore_mem>> -> memref<!tpu.dma_semaphore, #tpu.memory_space<semaphore_mem>>
    %dma_wait3A_62 = tpu.memref_slice %arg3[%dma_wait3A_56, %mul3A_2] : memref<2x2048xf32, #tpu.memory_space<hbm>> -> memref<1x64xf32, #tpu.memory_space<hbm>>
    %dma_wait3A_63 = tpu.memref_squeeze %dma_wait3A_62 : memref<1x64xf32, #tpu.memory_space<hbm>> -> memref<64xf32, #tpu.memory_space<hbm>>
    tpu.wait_dma2 semaphore(%dma_wait3A_61 : memref<!tpu.dma_semaphore, #tpu.memory_space<semaphore_mem>>) src(%dma_wait3A_63 : memref<64xf32, #tpu.memory_space<hbm>>) dst(%arg9 : memref<64xf32, #tpu.memory_space<vmem>>)
    %dma_wait3A_64 = arith.constant 1 : i32
    %dma_wait3A_65 = arith.constant 4 : i32
    %dma_wait3A_66 = tpu.memref_slice %arg3[%dma_wait3A_64, %mul3A_2] : memref<2x2048xf32, #tpu.memory_space<hbm>> -> memref<1x64xf32, #tpu.memory_space<hbm>>
    %dma_wait3A_67 = tpu.memref_squeeze %dma_wait3A_66 : memref<1x64xf32, #tpu.memory_space<hbm>> -> memref<64xf32, #tpu.memory_space<hbm>>
    %dma_wait3A_68 = tpu.memref_slice %arg12[%dma_wait3A_65] : memref<5x!tpu.dma_semaphore, #tpu.memory_space<semaphore_mem>> -> memref<1x!tpu.dma_semaphore, #tpu.memory_space<semaphore_mem>>
    %dma_wait3A_69 = tpu.memref_squeeze %dma_wait3A_68 : memref<1x!tpu.dma_semaphore, #tpu.memory_space<semaphore_mem>> -> memref<!tpu.dma_semaphore, #tpu.memory_space<semaphore_mem>>
    %dma_wait3A_70 = tpu.memref_slice %arg3[%dma_wait3A_64, %mul3A_2] : memref<2x2048xf32, #tpu.memory_space<hbm>> -> memref<1x64xf32, #tpu.memory_space<hbm>>
    %dma_wait3A_71 = tpu.memref_squeeze %dma_wait3A_70 : memref<1x64xf32, #tpu.memory_space<hbm>> -> memref<64xf32, #tpu.memory_space<hbm>>
    tpu.wait_dma2 semaphore(%dma_wait3A_69 : memref<!tpu.dma_semaphore, #tpu.memory_space<semaphore_mem>>) src(%dma_wait3A_71 : memref<64xf32, #tpu.memory_space<hbm>>) dst(%arg10 : memref<64xf32, #tpu.memory_space<vmem>>)
    %dma_start3A_72 = arith.constant 1 : i32
    %dma_start3A_73 = arith.constant 0 : i32
    %dma_start3A_74 = tpu.memref_slice %arg6[%dma_start3A_73] : memref<6144xf32, #tpu.memory_space<hbm>> -> memref<6144xf32, #tpu.memory_space<hbm>>
    %dma_start3A_75 = tpu.memref_slice %arg12[%dma_start3A_72] : memref<5x!tpu.dma_semaphore, #tpu.memory_space<semaphore_mem>> -> memref<1x!tpu.dma_semaphore, #tpu.memory_space<semaphore_mem>>
    %dma_start3A_76 = tpu.memref_squeeze %dma_start3A_75 : memref<1x!tpu.dma_semaphore, #tpu.memory_space<semaphore_mem>> -> memref<!tpu.dma_semaphore, #tpu.memory_space<semaphore_mem>>
    tpu.enqueue_indirect_dma source(%arg9 : memref<64xf32, #tpu.memory_space<vmem>>) target(%dma_start3A_74 : memref<6144xf32, #tpu.memory_space<hbm>>) offsets(%arg7 : memref<64xi32, #tpu.memory_space<vmem>>) semaphore(%dma_start3A_76 : memref<!tpu.dma_semaphore, #tpu.memory_space<semaphore_mem>>)
    %dma_start3A_77 = arith.constant 2 : i32
    %dma_start3A_78 = arith.constant 0 : i32
    %dma_start3A_79 = tpu.memref_slice %arg6[%dma_start3A_78] : memref<6144xf32, #tpu.memory_space<hbm>> -> memref<6144xf32, #tpu.memory_space<hbm>>
    %dma_start3A_80 = tpu.memref_slice %arg12[%dma_start3A_77] : memref<5x!tpu.dma_semaphore, #tpu.memory_space<semaphore_mem>> -> memref<1x!tpu.dma_semaphore, #tpu.memory_space<semaphore_mem>>
    %dma_start3A_81 = tpu.memref_squeeze %dma_start3A_80 : memref<1x!tpu.dma_semaphore, #tpu.memory_space<semaphore_mem>> -> memref<!tpu.dma_semaphore, #tpu.memory_space<semaphore_mem>>
    tpu.enqueue_indirect_dma source(%arg10 : memref<64xf32, #tpu.memory_space<vmem>>) target(%dma_start3A_79 : memref<6144xf32, #tpu.memory_space<hbm>>) offsets(%arg8 : memref<64xi32, #tpu.memory_space<vmem>>) semaphore(%dma_start3A_81 : memref<!tpu.dma_semaphore, #tpu.memory_space<semaphore_mem>>)
    %dma_wait3A_82 = arith.constant 0 : i32
    %dma_wait3A_83 = arith.constant 0 : i32
    %dma_wait3A_84 = tpu.memref_slice %arg4[%mul3A_2, %dma_wait3A_83] : memref<2048x768xf32, #tpu.memory_space<hbm>> -> memref<64x768xf32, #tpu.memory_space<hbm>>
    %dma_wait3A_85 = tpu.memref_slice %arg12[%dma_wait3A_82] : memref<5x!tpu.dma_semaphore, #tpu.memory_space<semaphore_mem>> -> memref<1x!tpu.dma_semaphore, #tpu.memory_space<semaphore_mem>>
    %dma_wait3A_86 = tpu.memref_squeeze %dma_wait3A_85 : memref<1x!tpu.dma_semaphore, #tpu.memory_space<semaphore_mem>> -> memref<!tpu.dma_semaphore, #tpu.memory_space<semaphore_mem>>
    %dma_wait3A_87 = arith.constant 0 : i32
    %dma_wait3A_88 = tpu.memref_slice %arg4[%mul3A_2, %dma_wait3A_87] : memref<2048x768xf32, #tpu.memory_space<hbm>> -> memref<64x768xf32, #tpu.memory_space<hbm>>
    tpu.wait_dma2 semaphore(%dma_wait3A_86 : memref<!tpu.dma_semaphore, #tpu.memory_space<semaphore_mem>>) src(%dma_wait3A_88 : memref<64x768xf32, #tpu.memory_space<hbm>>) dst(%arg11 : memref<64x768xf32, #tpu.memory_space<vmem>>)
    %dma_start3A_89 = arith.constant 3 : i32
    %dma_start3A_90 = arith.constant 0 : i32
    %dma_start3A_91 = arith.constant 0 : i32
    %dma_start3A_92 = tpu.memref_slice %arg5[%dma_start3A_90, %dma_start3A_91] : memref<6144x768xf32, #tpu.memory_space<hbm>> -> memref<6144x768xf32, #tpu.memory_space<hbm>>
    %dma_start3A_93 = tpu.memref_slice %arg12[%dma_start3A_89] : memref<5x!tpu.dma_semaphore, #tpu.memory_space<semaphore_mem>> -> memref<1x!tpu.dma_semaphore, #tpu.memory_space<semaphore_mem>>
    %dma_start3A_94 = tpu.memref_squeeze %dma_start3A_93 : memref<1x!tpu.dma_semaphore, #tpu.memory_space<semaphore_mem>> -> memref<!tpu.dma_semaphore, #tpu.memory_space<semaphore_mem>>
    tpu.enqueue_indirect_dma source(%arg11 : memref<64x768xf32, #tpu.memory_space<vmem>>) target(%dma_start3A_92 : memref<6144x768xf32, #tpu.memory_space<hbm>>) offsets(%arg7 : memref<64xi32, #tpu.memory_space<vmem>>) semaphore(%dma_start3A_94 : memref<!tpu.dma_semaphore, #tpu.memory_space<semaphore_mem>>)
    %dma_start3A_95 = arith.constant 4 : i32
    %dma_start3A_96 = arith.constant 0 : i32
    %dma_start3A_97 = arith.constant 0 : i32
    %dma_start3A_98 = tpu.memref_slice %arg5[%dma_start3A_96, %dma_start3A_97] : memref<6144x768xf32, #tpu.memory_space<hbm>> -> memref<6144x768xf32, #tpu.memory_space<hbm>>
    %dma_start3A_99 = tpu.memref_slice %arg12[%dma_start3A_95] : memref<5x!tpu.dma_semaphore, #tpu.memory_space<semaphore_mem>> -> memref<1x!tpu.dma_semaphore, #tpu.memory_space<semaphore_mem>>
    %dma_start3A_100 = tpu.memref_squeeze %dma_start3A_99 : memref<1x!tpu.dma_semaphore, #tpu.memory_space<semaphore_mem>> -> memref<!tpu.dma_semaphore, #tpu.memory_space<semaphore_mem>>
    tpu.enqueue_indirect_dma source(%arg11 : memref<64x768xf32, #tpu.memory_space<vmem>>) target(%dma_start3A_98 : memref<6144x768xf32, #tpu.memory_space<hbm>>) offsets(%arg8 : memref<64xi32, #tpu.memory_space<vmem>>) semaphore(%dma_start3A_100 : memref<!tpu.dma_semaphore, #tpu.memory_space<semaphore_mem>>)
    %dma_wait3A_101 = arith.constant 1 : i32
    %dma_wait3A_102 = arith.constant 0 : i32
    %dma_wait3A_103 = tpu.memref_slice %arg6[%dma_wait3A_102] : memref<6144xf32, #tpu.memory_space<hbm>> -> memref<6144xf32, #tpu.memory_space<hbm>>
    %dma_wait3A_104 = tpu.memref_slice %arg12[%dma_wait3A_101] : memref<5x!tpu.dma_semaphore, #tpu.memory_space<semaphore_mem>> -> memref<1x!tpu.dma_semaphore, #tpu.memory_space<semaphore_mem>>
    %dma_wait3A_105 = tpu.memref_squeeze %dma_wait3A_104 : memref<1x!tpu.dma_semaphore, #tpu.memory_space<semaphore_mem>> -> memref<!tpu.dma_semaphore, #tpu.memory_space<semaphore_mem>>
    tpu.wait_indirect_dma semaphore(%dma_wait3A_105 : memref<!tpu.dma_semaphore, #tpu.memory_space<semaphore_mem>>) src(%arg9 : memref<64xf32, #tpu.memory_space<vmem>>) dst(%dma_wait3A_103 : memref<6144xf32, #tpu.memory_space<hbm>>)
    %dma_wait3A_106 = arith.constant 2 : i32
    %dma_wait3A_107 = arith.constant 0 : i32
    %dma_wait3A_108 = tpu.memref_slice %arg6[%dma_wait3A_107] : memref<6144xf32, #tpu.memory_space<hbm>> -> memref<6144xf32, #tpu.memory_space<hbm>>
    %dma_wait3A_109 = tpu.memref_slice %arg12[%dma_wait3A_106] : memref<5x!tpu.dma_semaphore, #tpu.memory_space<semaphore_mem>> -> memref<1x!tpu.dma_semaphore, #tpu.memory_space<semaphore_mem>>
    %dma_wait3A_110 = tpu.memref_squeeze %dma_wait3A_109 : memref<1x!tpu.dma_semaphore, #tpu.memory_space<semaphore_mem>> -> memref<!tpu.dma_semaphore, #tpu.memory_space<semaphore_mem>>
    tpu.wait_indirect_dma semaphore(%dma_wait3A_110 : memref<!tpu.dma_semaphore, #tpu.memory_space<semaphore_mem>>) src(%arg10 : memref<64xf32, #tpu.memory_space<vmem>>) dst(%dma_wait3A_108 : memref<6144xf32, #tpu.memory_space<hbm>>)
    %dma_wait3A_111 = arith.constant 3 : i32
    %dma_wait3A_112 = arith.constant 0 : i32
    %dma_wait3A_113 = arith.constant 0 : i32
    %dma_wait3A_114 = tpu.memref_slice %arg5[%dma_wait3A_112, %dma_wait3A_113] : memref<6144x768xf32, #tpu.memory_space<hbm>> -> memref<6144x768xf32, #tpu.memory_space<hbm>>
    %dma_wait3A_115 = tpu.memref_slice %arg12[%dma_wait3A_111] : memref<5x!tpu.dma_semaphore, #tpu.memory_space<semaphore_mem>> -> memref<1x!tpu.dma_semaphore, #tpu.memory_space<semaphore_mem>>
    %dma_wait3A_116 = tpu.memref_squeeze %dma_wait3A_115 : memref<1x!tpu.dma_semaphore, #tpu.memory_space<semaphore_mem>> -> memref<!tpu.dma_semaphore, #tpu.memory_space<semaphore_mem>>
    tpu.wait_indirect_dma semaphore(%dma_wait3A_116 : memref<!tpu.dma_semaphore, #tpu.memory_space<semaphore_mem>>) src(%arg11 : memref<64x768xf32, #tpu.memory_space<vmem>>) dst(%dma_wait3A_114 : memref<6144x768xf32, #tpu.memory_space<hbm>>)
    %dma_wait3A_117 = arith.constant 4 : i32
    %dma_wait3A_118 = arith.constant 0 : i32
    %dma_wait3A_119 = arith.constant 0 : i32
    %dma_wait3A_120 = tpu.memref_slice %arg5[%dma_wait3A_118, %dma_wait3A_119] : memref<6144x768xf32, #tpu.memory_space<hbm>> -> memref<6144x768xf32, #tpu.memory_space<hbm>>
    %dma_wait3A_121 = tpu.memref_slice %arg12[%dma_wait3A_117] : memref<5x!tpu.dma_semaphore, #tpu.memory_space<semaphore_mem>> -> memref<1x!tpu.dma_semaphore, #tpu.memory_space<semaphore_mem>>
    %dma_wait3A_122 = tpu.memref_squeeze %dma_wait3A_121 : memref<1x!tpu.dma_semaphore, #tpu.memory_space<semaphore_mem>> -> memref<!tpu.dma_semaphore, #tpu.memory_space<semaphore_mem>>
    tpu.wait_indirect_dma semaphore(%dma_wait3A_122 : memref<!tpu.dma_semaphore, #tpu.memory_space<semaphore_mem>>) src(%arg11 : memref<64x768xf32, #tpu.memory_space<vmem>>) dst(%dma_wait3A_120 : memref<6144x768xf32, #tpu.memory_space<hbm>>)
    return
  }
}

module attributes {stable_mosaic.version = 14 : i64} {
  func.func @_router_body(%arg0: memref<2048x768xf32, #tpu.memory_space<vmem>>, %arg1: memref<768x8xf32, #tpu.memory_space<vmem>>, %arg2: memref<2048x8xf32, #tpu.memory_space<vmem>>, %arg3: memref<2048x8xf32, #tpu.memory_space<vmem>>, %arg4: memref<2048x2xf32, #tpu.memory_space<vmem>>, %arg5: memref<2048x2xi32, #tpu.memory_space<vmem>>, %arg6: memref<2048x2xi32, #tpu.memory_space<vmem>>, %arg7: memref<24x1xi32, #tpu.memory_space<vmem>>) attributes {dimension_semantics = [], scalar_prefetch = 0 : i64, scratch_operands = 0 : i64, tpu.core_type = #tpu.core_type<tc>} {
    %get3A = arith.constant 0 : index
    %get3A_0 = arith.constant 0 : index
    %get3A_1 = vector.load %arg0[%get3A, %get3A_0] : memref<2048x768xf32, #tpu.memory_space<vmem>>, vector<2048x768xf32>
    %get3A_2 = arith.constant 0 : index
    %get3A_3 = arith.constant 0 : index
    %get3A_4 = vector.load %arg1[%get3A_2, %get3A_3] : memref<768x8xf32, #tpu.memory_space<vmem>>, vector<768x8xf32>
    %dot_general3A = arith.constant dense<0.000000e+00> : vector<2048x8xf32>
    %dot_general3A_5 = tpu.matmul %get3A_1, %get3A_4, %dot_general3A {dimension_numbers = #tpu.dot_dimension_numbers<[1], [0], [0], [1], [0, 0, 1, 1], [], []>, transpose_lhs_hint = false} : vector<2048x768xf32>, vector<768x8xf32>, vector<2048x8xf32> -> vector<2048x8xf32>
    %reduce_max3A = arith.constant dense<0xFF800000> : vector<2048xf32>
    %reduce_max3A_6 = vector.multi_reduction <maximumf>, %dot_general3A_5, %reduce_max3A [1] : vector<2048x8xf32> to vector<2048xf32>
    %broadcast_in_dim3A = vector.shape_cast %reduce_max3A_6 : vector<2048xf32> to vector<2048x1xf32>
    %sub3A = vector.broadcast %broadcast_in_dim3A : vector<2048x1xf32> to vector<2048x8xf32>
    %sub3A_7 = arith.subf %dot_general3A_5, %sub3A : vector<2048x8xf32>
    %exp3A = math.exp %sub3A_7 : vector<2048x8xf32>
    %reduce_sum3A = arith.constant dense<0.000000e+00> : vector<2048xf32>
    %reduce_sum3A_8 = vector.multi_reduction <add>, %exp3A, %reduce_sum3A [1] : vector<2048x8xf32> to vector<2048xf32>
    %broadcast_in_dim3A_9 = vector.shape_cast %reduce_sum3A_8 : vector<2048xf32> to vector<2048x1xf32>
    %div3A = vector.broadcast %broadcast_in_dim3A_9 : vector<2048x1xf32> to vector<2048x8xf32>
    %div3A_10 = arith.divf %exp3A, %div3A : vector<2048x8xf32>
    %swap3A = arith.constant 0 : index
    %swap3A_11 = arith.constant 0 : index
    %swap3A_12 = vector.load %arg2[%swap3A, %swap3A_11] : memref<2048x8xf32, #tpu.memory_space<vmem>>, vector<2048x8xf32>
    tpu.vector_store %arg2[%swap3A, %swap3A_11], %dot_general3A_5 {strides = array<i32>} : memref<2048x8xf32, #tpu.memory_space<vmem>>, vector<2048x8xf32>,
    %swap3A_13 = arith.constant 0 : index
    %swap3A_14 = arith.constant 0 : index
    %swap3A_15 = vector.load %arg3[%swap3A_13, %swap3A_14] : memref<2048x8xf32, #tpu.memory_space<vmem>>, vector<2048x8xf32>
    tpu.vector_store %arg3[%swap3A_13, %swap3A_14], %div3A_10 {strides = array<i32>} : memref<2048x8xf32, #tpu.memory_space<vmem>>, vector<2048x8xf32>,
    %iota3A = tpu.iota {dimensions = array<i32: 1>} : vector<2048x8xi32>
    %reduce_max3A_16 = arith.constant dense<0xFF800000> : vector<2048xf32>
    %reduce_max3A_17 = vector.multi_reduction <maximumf>, %div3A_10, %reduce_max3A_16 [1] : vector<2048x8xf32> to vector<2048xf32>
    %broadcast_in_dim3A_18 = vector.shape_cast %reduce_max3A_17 : vector<2048xf32> to vector<2048x1xf32>
    %eq3A = vector.broadcast %broadcast_in_dim3A_18 : vector<2048x1xf32> to vector<2048x8xf32>
    %eq3A_19 = arith.cmpf oeq, %div3A_10, %eq3A : vector<2048x8xf32>
    %jit3A = arith.constant 8 : i32
    %broadcast_in_dim3A_20 = vector.broadcast %jit3A : i32 to vector<2048x8xi32>
    %select_n3A = arith.select %eq3A_19, %iota3A, %broadcast_in_dim3A_20 : vector<2048x8xi1>, vector<2048x8xi32>
    %reduce_min3A = arith.constant dense<2147483647> : vector<2048xi32>
    %reduce_min3A_21 = vector.multi_reduction <minsi>, %select_n3A, %reduce_min3A [1] : vector<2048x8xi32> to vector<2048xi32>
    %broadcast_in_dim3A_22 = vector.shape_cast %reduce_min3A_21 : vector<2048xi32> to vector<2048x1xi32>
    %eq3A_23 = vector.broadcast %broadcast_in_dim3A_22 : vector<2048x1xi32> to vector<2048x8xi32>
    %eq3A_24 = arith.cmpi eq, %iota3A, %eq3A_23 : vector<2048x8xi32>
    %jit3A_25 = arith.constant 0xFF800000 : f32
    %broadcast_in_dim3A_26 = vector.broadcast %jit3A_25 : f32 to vector<2048x8xf32>
    %select_n3A_27 = arith.select %eq3A_24, %broadcast_in_dim3A_26, %div3A_10 : vector<2048x8xi1>, vector<2048x8xf32>
    %reduce_max3A_28 = arith.constant dense<0xFF800000> : vector<2048xf32>
    %reduce_max3A_29 = vector.multi_reduction <maximumf>, %select_n3A_27, %reduce_max3A_28 [1] : vector<2048x8xf32> to vector<2048xf32>
    %broadcast_in_dim3A_30 = vector.shape_cast %reduce_max3A_29 : vector<2048xf32> to vector<2048x1xf32>
    %eq3A_31 = vector.broadcast %broadcast_in_dim3A_30 : vector<2048x1xf32> to vector<2048x8xf32>
    %eq3A_32 = arith.cmpf oeq, %select_n3A_27, %eq3A_31 : vector<2048x8xf32>
    %jit3A_33 = arith.constant 8 : i32
    %broadcast_in_dim3A_34 = vector.broadcast %jit3A_33 : i32 to vector<2048x8xi32>
    %select_n3A_35 = arith.select %eq3A_32, %iota3A, %broadcast_in_dim3A_34 : vector<2048x8xi1>, vector<2048x8xi32>
    %reduce_min3A_36 = arith.constant dense<2147483647> : vector<2048xi32>
    %reduce_min3A_37 = vector.multi_reduction <minsi>, %select_n3A_35, %reduce_min3A_36 [1] : vector<2048x8xi32> to vector<2048xi32>
    %broadcast_in_dim3A_38 = vector.shape_cast %reduce_min3A_37 : vector<2048xi32> to vector<2048x1xi32>
    %swap3A_39 = arith.constant 0 : index
    %swap3A_40 = arith.constant 0 : index
    %swap3A_41 = vector.load %arg4[%swap3A_39, %swap3A_40] : memref<2048x2xf32, #tpu.memory_space<vmem>>, vector<2048x1xf32>
    tpu.vector_store %arg4[%swap3A_39, %swap3A_40], %broadcast_in_dim3A_18 {strides = array<i32>} : memref<2048x2xf32, #tpu.memory_space<vmem>>, vector<2048x1xf32>,
    %swap3A_42 = arith.constant 0 : index
    %swap3A_43 = arith.constant 1 : index
    %swap3A_44 = vector.load %arg4[%swap3A_42, %swap3A_43] : memref<2048x2xf32, #tpu.memory_space<vmem>>, vector<2048x1xf32>
    tpu.vector_store %arg4[%swap3A_42, %swap3A_43], %broadcast_in_dim3A_30 {strides = array<i32>} : memref<2048x2xf32, #tpu.memory_space<vmem>>, vector<2048x1xf32>,
    %swap3A_45 = arith.constant 0 : index
    %swap3A_46 = arith.constant 0 : index
    %swap3A_47 = vector.load %arg5[%swap3A_45, %swap3A_46] : memref<2048x2xi32, #tpu.memory_space<vmem>>, vector<2048x1xi32>
    tpu.vector_store %arg5[%swap3A_45, %swap3A_46], %broadcast_in_dim3A_22 {strides = array<i32>} : memref<2048x2xi32, #tpu.memory_space<vmem>>, vector<2048x1xi32>,
    %swap3A_48 = arith.constant 0 : index
    %swap3A_49 = arith.constant 1 : index
    %swap3A_50 = vector.load %arg5[%swap3A_48, %swap3A_49] : memref<2048x2xi32, #tpu.memory_space<vmem>>, vector<2048x1xi32>
    tpu.vector_store %arg5[%swap3A_48, %swap3A_49], %broadcast_in_dim3A_38 {strides = array<i32>} : memref<2048x2xi32, #tpu.memory_space<vmem>>, vector<2048x1xi32>,
    %eq3A_51 = vector.broadcast %broadcast_in_dim3A_22 : vector<2048x1xi32> to vector<2048x8xi32>
    %eq3A_52 = arith.cmpi eq, %iota3A, %eq3A_51 : vector<2048x8xi32>
    %eq3A_53 = vector.broadcast %broadcast_in_dim3A_38 : vector<2048x1xi32> to vector<2048x8xi32>
    %eq3A_54 = arith.cmpi eq, %iota3A, %eq3A_53 : vector<2048x8xi32>
    %convert_element_type3A = arith.extui %eq3A_52 : vector<2048x8xi1> to vector<2048x8xi32>
    %convert_element_type3A_55 = arith.extui %eq3A_54 : vector<2048x8xi1> to vector<2048x8xi32>
    %add3A = arith.addi %convert_element_type3A, %convert_element_type3A_55 : vector<2048x8xi32>
    %broadcast_in_dim3A_56 = arith.constant 0 : i32
    %broadcast_in_dim3A_57 = vector.broadcast %broadcast_in_dim3A_56 : i32 to vector<1x8xi32>
    %slice3A = vector.extract_strided_slice %add3A {offsets = [0, 0], sizes = [2047, 8], strides = [1, 1]} : vector<2048x8xi32> to vector<2047x8xi32>
    %concatenate3A = tpu.concatenate %broadcast_in_dim3A_57, %slice3A in 0 : vector<1x8xi32>, vector<2047x8xi32> -> vector<2048x8xi32>
    %add3A_58 = arith.addi %add3A, %concatenate3A : vector<2048x8xi32>
    %broadcast_in_dim3A_59 = arith.constant 0 : i32
    %broadcast_in_dim3A_60 = vector.broadcast %broadcast_in_dim3A_59 : i32 to vector<2x8xi32>
    %slice3A_61 = vector.extract_strided_slice %add3A_58 {offsets = [0, 0], sizes = [2046, 8], strides = [1, 1]} : vector<2048x8xi32> to vector<2046x8xi32>
    %concatenate3A_62 = tpu.concatenate %broadcast_in_dim3A_60, %slice3A_61 in 0 : vector<2x8xi32>, vector<2046x8xi32> -> vector<2048x8xi32>
    %add3A_63 = arith.addi %add3A_58, %concatenate3A_62 : vector<2048x8xi32>
    %broadcast_in_dim3A_64 = arith.constant 0 : i32
    %broadcast_in_dim3A_65 = vector.broadcast %broadcast_in_dim3A_64 : i32 to vector<4x8xi32>
    %slice3A_66 = vector.extract_strided_slice %add3A_63 {offsets = [0, 0], sizes = [2044, 8], strides = [1, 1]} : vector<2048x8xi32> to vector<2044x8xi32>
    %concatenate3A_67 = tpu.concatenate %broadcast_in_dim3A_65, %slice3A_66 in 0 : vector<4x8xi32>, vector<2044x8xi32> -> vector<2048x8xi32>
    %add3A_68 = arith.addi %add3A_63, %concatenate3A_67 : vector<2048x8xi32>
    %broadcast_in_dim3A_69 = arith.constant 0 : i32
    %broadcast_in_dim3A_70 = vector.broadcast %broadcast_in_dim3A_69 : i32 to vector<8x8xi32>
    %slice3A_71 = vector.extract_strided_slice %add3A_68 {offsets = [0, 0], sizes = [2040, 8], strides = [1, 1]} : vector<2048x8xi32> to vector<2040x8xi32>
    %concatenate3A_72 = tpu.concatenate %broadcast_in_dim3A_70, %slice3A_71 in 0 : vector<8x8xi32>, vector<2040x8xi32> -> vector<2048x8xi32>
    %add3A_73 = arith.addi %add3A_68, %concatenate3A_72 : vector<2048x8xi32>
    %broadcast_in_dim3A_74 = arith.constant 0 : i32
    %broadcast_in_dim3A_75 = vector.broadcast %broadcast_in_dim3A_74 : i32 to vector<16x8xi32>
    %slice3A_76 = vector.extract_strided_slice %add3A_73 {offsets = [0, 0], sizes = [2032, 8], strides = [1, 1]} : vector<2048x8xi32> to vector<2032x8xi32>
    %concatenate3A_77 = tpu.concatenate %broadcast_in_dim3A_75, %slice3A_76 in 0 : vector<16x8xi32>, vector<2032x8xi32> -> vector<2048x8xi32>
    %add3A_78 = arith.addi %add3A_73, %concatenate3A_77 : vector<2048x8xi32>
    %broadcast_in_dim3A_79 = arith.constant 0 : i32
    %broadcast_in_dim3A_80 = vector.broadcast %broadcast_in_dim3A_79 : i32 to vector<32x8xi32>
    %slice3A_81 = vector.extract_strided_slice %add3A_78 {offsets = [0, 0], sizes = [2016, 8], strides = [1, 1]} : vector<2048x8xi32> to vector<2016x8xi32>
    %concatenate3A_82 = tpu.concatenate %broadcast_in_dim3A_80, %slice3A_81 in 0 : vector<32x8xi32>, vector<2016x8xi32> -> vector<2048x8xi32>
    %add3A_83 = arith.addi %add3A_78, %concatenate3A_82 : vector<2048x8xi32>
    %broadcast_in_dim3A_84 = arith.constant 0 : i32
    %broadcast_in_dim3A_85 = vector.broadcast %broadcast_in_dim3A_84 : i32 to vector<64x8xi32>
    %slice3A_86 = vector.extract_strided_slice %add3A_83 {offsets = [0, 0], sizes = [1984, 8], strides = [1, 1]} : vector<2048x8xi32> to vector<1984x8xi32>
    %concatenate3A_87 = tpu.concatenate %broadcast_in_dim3A_85, %slice3A_86 in 0 : vector<64x8xi32>, vector<1984x8xi32> -> vector<2048x8xi32>
    %add3A_88 = arith.addi %add3A_83, %concatenate3A_87 : vector<2048x8xi32>
    %broadcast_in_dim3A_89 = arith.constant 0 : i32
    %broadcast_in_dim3A_90 = vector.broadcast %broadcast_in_dim3A_89 : i32 to vector<128x8xi32>
    %slice3A_91 = vector.extract_strided_slice %add3A_88 {offsets = [0, 0], sizes = [1920, 8], strides = [1, 1]} : vector<2048x8xi32> to vector<1920x8xi32>
    %concatenate3A_92 = tpu.concatenate %broadcast_in_dim3A_90, %slice3A_91 in 0 : vector<128x8xi32>, vector<1920x8xi32> -> vector<2048x8xi32>
    %add3A_93 = arith.addi %add3A_88, %concatenate3A_92 : vector<2048x8xi32>
    %broadcast_in_dim3A_94 = arith.constant 0 : i32
    %broadcast_in_dim3A_95 = vector.broadcast %broadcast_in_dim3A_94 : i32 to vector<256x8xi32>
    %slice3A_96 = vector.extract_strided_slice %add3A_93 {offsets = [0, 0], sizes = [1792, 8], strides = [1, 1]} : vector<2048x8xi32> to vector<1792x8xi32>
    %concatenate3A_97 = tpu.concatenate %broadcast_in_dim3A_95, %slice3A_96 in 0 : vector<256x8xi32>, vector<1792x8xi32> -> vector<2048x8xi32>
    %add3A_98 = arith.addi %add3A_93, %concatenate3A_97 : vector<2048x8xi32>
    %broadcast_in_dim3A_99 = arith.constant 0 : i32
    %broadcast_in_dim3A_100 = vector.broadcast %broadcast_in_dim3A_99 : i32 to vector<512x8xi32>
    %slice3A_101 = vector.extract_strided_slice %add3A_98 {offsets = [0, 0], sizes = [1536, 8], strides = [1, 1]} : vector<2048x8xi32> to vector<1536x8xi32>
    %concatenate3A_102 = tpu.concatenate %broadcast_in_dim3A_100, %slice3A_101 in 0 : vector<512x8xi32>, vector<1536x8xi32> -> vector<2048x8xi32>
    %add3A_103 = arith.addi %add3A_98, %concatenate3A_102 : vector<2048x8xi32>
    %broadcast_in_dim3A_104 = arith.constant 0 : i32
    %broadcast_in_dim3A_105 = vector.broadcast %broadcast_in_dim3A_104 : i32 to vector<1024x8xi32>
    %slice3A_106 = vector.extract_strided_slice %add3A_103 {offsets = [0, 0], sizes = [1024, 8], strides = [1, 1]} : vector<2048x8xi32> to vector<1024x8xi32>
    %concatenate3A_107 = tpu.concatenate %broadcast_in_dim3A_105, %slice3A_106 in 0 : vector<1024x8xi32>, vector<1024x8xi32> -> vector<2048x8xi32>
    %add3A_108 = arith.addi %add3A_103, %concatenate3A_107 : vector<2048x8xi32>
    %sub3A_109 = arith.subi %add3A_108, %add3A : vector<2048x8xi32>
    %slice3A_110 = vector.extract_strided_slice %add3A_108 {offsets = [2047, 0], sizes = [1, 8], strides = [1, 1]} : vector<2048x8xi32> to vector<1x8xi32>
    %add3A_111 = arith.constant 255 : i32
    %add3A_112 = vector.broadcast %add3A_111 : i32 to vector<1x8xi32>
    %add3A_113 = arith.addi %slice3A_110, %add3A_112 : vector<1x8xi32>
    %jit3A_114 = arith.constant 256 : i32
    %div3A_115 = vector.broadcast %jit3A_114 : i32 to vector<1x8xi32>
    %div3A_116 = arith.divsi %add3A_113, %div3A_115 : vector<1x8xi32>
    %sign3A = arith.constant 0 : i32
    %sign3A_117 = vector.broadcast %sign3A : i32 to vector<1x8xi32>
    %sign3A_118 = arith.cmpi sgt, %add3A_113, %sign3A_117 : vector<1x8xi32>
    %sign3A_119 = arith.extui %sign3A_118 : vector<1x8xi1> to vector<1x8xi32>
    %sign3A_120 = arith.constant 0 : i32
    %sign3A_121 = vector.broadcast %sign3A_120 : i32 to vector<1x8xi32>
    %sign3A_122 = arith.cmpi slt, %add3A_113, %sign3A_121 : vector<1x8xi32>
    %sign3A_123 = arith.extui %sign3A_122 : vector<1x8xi1> to vector<1x8xi32>
    %sign3A_124 = arith.subi %sign3A_119, %sign3A_123 : vector<1x8xi32>
    %sign3A_125 = arith.constant 0 : i32
    %sign3A_126 = arith.cmpi sgt, %jit3A_114, %sign3A_125 : i32
    %sign3A_127 = arith.extui %sign3A_126 : i1 to i32
    %sign3A_128 = arith.constant 0 : i32
    %sign3A_129 = arith.cmpi slt, %jit3A_114, %sign3A_128 : i32
    %sign3A_130 = arith.extui %sign3A_129 : i1 to i32
    %sign3A_131 = arith.subi %sign3A_127, %sign3A_130 : i32
    %ne3A = vector.broadcast %sign3A_131 : i32 to vector<1x8xi32>
    %ne3A_132 = arith.cmpi ne, %sign3A_124, %ne3A : vector<1x8xi32>
    %rem3A = vector.broadcast %jit3A_114 : i32 to vector<1x8xi32>
    %rem3A_133 = arith.remsi %add3A_113, %rem3A : vector<1x8xi32>
    %ne3A_134 = arith.constant 0 : i32
    %ne3A_135 = vector.broadcast %ne3A_134 : i32 to vector<1x8xi32>
    %ne3A_136 = arith.cmpi ne, %rem3A_133, %ne3A_135 : vector<1x8xi32>
    %and3A = arith.andi %ne3A_132, %ne3A_136 : vector<1x8xi1>
    %sub3A_137 = arith.constant 1 : i32
    %sub3A_138 = vector.broadcast %sub3A_137 : i32 to vector<1x8xi32>
    %sub3A_139 = arith.subi %div3A_116, %sub3A_138 : vector<1x8xi32>
    %select_n3A_140 = arith.select %and3A, %sub3A_139, %div3A_116 : vector<1x8xi1>, vector<1x8xi32>
    %mul3A = arith.constant 256 : i32
    %mul3A_141 = vector.broadcast %mul3A : i32 to vector<1x8xi32>
    %mul3A_142 = arith.muli %select_n3A_140, %mul3A_141 : vector<1x8xi32>
    %iota3A_143 = tpu.iota {dimensions = array<i32: 0>} : vector<8x8xi32>
    %iota3A_144 = tpu.iota {dimensions = array<i32: 1>} : vector<8x8xi32>
    %le3A = arith.cmpi sle, %iota3A_143, %iota3A_144 : vector<8x8xi32>
    %convert_element_type3A_145 = arith.sitofp %mul3A_142 : vector<1x8xi32> to vector<1x8xf32>
    %convert_element_type3A_146 = arith.extui %le3A : vector<8x8xi1> to vector<8x8xi32>
    %convert_element_type3A_147 = arith.sitofp %convert_element_type3A_146 : vector<8x8xi32> to vector<8x8xf32>
    %dot_general3A_148 = arith.constant dense<0.000000e+00> : vector<1x8xf32>
    %dot_general3A_149 = tpu.matmul %convert_element_type3A_145, %convert_element_type3A_147, %dot_general3A_148 {dimension_numbers = #tpu.dot_dimension_numbers<[1], [0], [0], [1], [0, 0, 1, 1], [], []>, transpose_lhs_hint = false} : vector<1x8xf32>, vector<8x8xf32>, vector<1x8xf32> -> vector<1x8xf32>
    %convert_element_type3A_150 = arith.fptosi %dot_general3A_149 : vector<1x8xf32> to vector<1x8xi32>
    %sub3A_151 = arith.subi %convert_element_type3A_150, %mul3A_142 : vector<1x8xi32>
    %add3A_152 = vector.broadcast %sub3A_151 : vector<1x8xi32> to vector<2048x8xi32>
    %add3A_153 = arith.addi %sub3A_109, %add3A_152 : vector<2048x8xi32>
    %jit3A_154 = arith.constant 0 : i32
    %broadcast_in_dim3A_155 = vector.broadcast %jit3A_154 : i32 to vector<2048x8xi32>
    %select_n3A_156 = arith.select %eq3A_52, %add3A_153, %broadcast_in_dim3A_155 : vector<2048x8xi1>, vector<2048x8xi32>
    %reduce_sum3A_157 = arith.constant dense<0> : vector<2048xi32>
    %reduce_sum3A_158 = vector.multi_reduction <add>, %select_n3A_156, %reduce_sum3A_157 [1] : vector<2048x8xi32> to vector<2048xi32>
    %broadcast_in_dim3A_159 = vector.shape_cast %reduce_sum3A_158 : vector<2048xi32> to vector<2048x1xi32>
    %swap3A_160 = arith.constant 0 : index
    %swap3A_161 = arith.constant 0 : index
    %swap3A_162 = vector.load %arg6[%swap3A_160, %swap3A_161] : memref<2048x2xi32, #tpu.memory_space<vmem>>, vector<2048x1xi32>
    tpu.vector_store %arg6[%swap3A_160, %swap3A_161], %broadcast_in_dim3A_159 {strides = array<i32>} : memref<2048x2xi32, #tpu.memory_space<vmem>>, vector<2048x1xi32>,
    %add3A_163 = vector.broadcast %sub3A_151 : vector<1x8xi32> to vector<2048x8xi32>
    %add3A_164 = arith.addi %sub3A_109, %add3A_163 : vector<2048x8xi32>
    %jit3A_165 = arith.constant 0 : i32
    %broadcast_in_dim3A_166 = vector.broadcast %jit3A_165 : i32 to vector<2048x8xi32>
    %select_n3A_167 = arith.select %eq3A_54, %add3A_164, %broadcast_in_dim3A_166 : vector<2048x8xi1>, vector<2048x8xi32>
    %reduce_sum3A_168 = arith.constant dense<0> : vector<2048xi32>
    %reduce_sum3A_169 = vector.multi_reduction <add>, %select_n3A_167, %reduce_sum3A_168 [1] : vector<2048x8xi32> to vector<2048xi32>
    %broadcast_in_dim3A_170 = vector.shape_cast %reduce_sum3A_169 : vector<2048xi32> to vector<2048x1xi32>
    %swap3A_171 = arith.constant 0 : index
    %swap3A_172 = arith.constant 1 : index
    %swap3A_173 = vector.load %arg6[%swap3A_171, %swap3A_172] : memref<2048x2xi32, #tpu.memory_space<vmem>>, vector<2048x1xi32>
    tpu.vector_store %arg6[%swap3A_171, %swap3A_172], %broadcast_in_dim3A_170 {strides = array<i32>} : memref<2048x2xi32, #tpu.memory_space<vmem>>, vector<2048x1xi32>,
    %iota3A_174 = tpu.iota {dimensions = array<i32: 0>} : vector<24x1xi32>
    %mul3A_175 = arith.constant 256 : i32
    %mul3A_176 = vector.broadcast %mul3A_175 : i32 to vector<24x1xi32>
    %mul3A_177 = arith.muli %iota3A_174, %mul3A_176 : vector<24x1xi32>
    %ge3A = vector.broadcast %mul3A_177 : vector<24x1xi32> to vector<24x8xi32>
    %ge3A_178 = vector.broadcast %convert_element_type3A_150 : vector<1x8xi32> to vector<24x8xi32>
    %ge3A_179 = arith.cmpi sge, %ge3A, %ge3A_178 : vector<24x8xi32>
    %convert_element_type3A_180 = arith.extui %ge3A_179 : vector<24x8xi1> to vector<24x8xi32>
    %reduce_sum3A_181 = arith.constant dense<0> : vector<24xi32>
    %reduce_sum3A_182 = vector.multi_reduction <add>, %convert_element_type3A_180, %reduce_sum3A_181 [1] : vector<24x8xi32> to vector<24xi32>
    %broadcast_in_dim3A_183 = vector.shape_cast %reduce_sum3A_182 : vector<24xi32> to vector<24x1xi32>
    %swap3A_184 = arith.constant 0 : index
    %swap3A_185 = arith.constant 0 : index
    %swap3A_186 = vector.load %arg7[%swap3A_184, %swap3A_185] : memref<24x1xi32, #tpu.memory_space<vmem>>, vector<24x1xi32>
    tpu.vector_store %arg7[%swap3A_184, %swap3A_185], %broadcast_in_dim3A_183 {strides = array<i32>} : memref<24x1xi32, #tpu.memory_space<vmem>>, vector<24x1xi32>,
    return
  }
}

module attributes {stable_mosaic.version = 14 : i64} {
  func.func @_ffn_body(%arg0: i32, %arg1: memref<24xi32, #tpu.memory_space<smem>>, %arg2: memref<24xi32, #tpu.memory_space<smem>>, %arg3: memref<24xi32, #tpu.memory_space<smem>>, %arg4: memref<24xi32, #tpu.memory_space<smem>>, %arg5: memref<256x768xf32, #tpu.memory_space<vmem>>, %arg6: memref<256x1xf32, #tpu.memory_space<vmem>>, %arg7: memref<8x768x3072xf32, #tpu.memory_space<any>>, %arg8: memref<8x768x3072xf32, #tpu.memory_space<any>>, %arg9: memref<8x3072x768xf32, #tpu.memory_space<any>>, %arg10: memref<256x768xf32, #tpu.memory_space<vmem>>, %arg11: memref<2x768x3072xf32, #tpu.memory_space<vmem>>, %arg12: memref<2x768x3072xf32, #tpu.memory_space<vmem>>, %arg13: memref<2x3072x768xf32, #tpu.memory_space<vmem>>, %arg14: memref<2x3x!tpu.dma_semaphore, #tpu.memory_space<semaphore_mem>>) attributes {dimension_semantics = [#tpu.dimension_semantics<arbitrary>], iteration_bounds = array<i64: 24>, scalar_prefetch = 4 : i64, scratch_operands = 4 : i64, tpu.core_type = #tpu.core_type<tc>, window_params = [{transform_indices = @transform_0, window_bounds = array<i64: 256, 768>}, {transform_indices = @transform_1, window_bounds = array<i64: 256, 1>}, {}, {}, {}, {transform_indices = @transform_5, window_bounds = array<i64: 256, 768>}]} {
    %get3A = arith.index_cast %arg0 : i32 to index
    %get3A_0 = memref.load %arg3[%get3A] : memref<24xi32, #tpu.memory_space<smem>>
    %eq3A = arith.constant 0 : i32
    %eq3A_1 = arith.cmpi eq, %arg0, %eq3A : i32
    %convert_element_type3A = arith.extui %eq3A_1 : i1 to i32
    %cond3A = arith.constant 0 : i32
    %cond3A_2 = arith.cmpi ne, %convert_element_type3A, %cond3A : i32
    scf.if %cond3A_2 {
      %get3A_20 = arith.constant 0 : index
      %get3A_21 = memref.load %arg1[%get3A_20] : memref<24xi32, #tpu.memory_space<smem>>
      %dma_start3A = arith.constant 0 : i32
      %dma_start3A_22 = arith.constant 0 : i32
      %dma_start3A_23 = arith.constant 0 : i32
      %dma_start3A_24 = tpu.memref_slice %arg14[%dma_start3A_22, %dma_start3A_23] : memref<2x3x!tpu.dma_semaphore, #tpu.memory_space<semaphore_mem>> -> memref<1x1x!tpu.dma_semaphore, #tpu.memory_space<semaphore_mem>>
      %dma_start3A_25 = tpu.memref_squeeze %dma_start3A_24 : memref<1x1x!tpu.dma_semaphore, #tpu.memory_space<semaphore_mem>> -> memref<!tpu.dma_semaphore, #tpu.memory_space<semaphore_mem>>
      %dma_start3A_26 = arith.constant 0 : i32
      %dma_start3A_27 = arith.constant 0 : i32
      %dma_start3A_28 = tpu.memref_slice %arg11[%dma_start3A, %dma_start3A_26, %dma_start3A_27] : memref<2x768x3072xf32, #tpu.memory_space<vmem>> -> memref<1x768x3072xf32, #tpu.memory_space<vmem>>
      %dma_start3A_29 = tpu.memref_squeeze %dma_start3A_28 : memref<1x768x3072xf32, #tpu.memory_space<vmem>> -> memref<768x3072xf32, #tpu.memory_space<vmem>>
      %dma_start3A_30 = arith.constant 0 : i32
      %dma_start3A_31 = arith.constant 0 : i32
      %dma_start3A_32 = tpu.memref_slice %arg7[%get3A_21, %dma_start3A_30, %dma_start3A_31] : memref<8x768x3072xf32, #tpu.memory_space<any>> -> memref<1x768x3072xf32, #tpu.memory_space<any>>
      %dma_start3A_33 = tpu.memref_squeeze %dma_start3A_32 : memref<1x768x3072xf32, #tpu.memory_space<any>> -> memref<768x3072xf32, #tpu.memory_space<any>>
      tpu.enqueue_dma source(%dma_start3A_33 : memref<768x3072xf32, #tpu.memory_space<any>>) target(%dma_start3A_29 : memref<768x3072xf32, #tpu.memory_space<vmem>>) target_semaphore(%dma_start3A_25 : memref<!tpu.dma_semaphore, #tpu.memory_space<semaphore_mem>>)
      %dma_start3A_34 = arith.constant 0 : i32
      %dma_start3A_35 = arith.constant 0 : i32
      %dma_start3A_36 = arith.constant 1 : i32
      %dma_start3A_37 = tpu.memref_slice %arg14[%dma_start3A_35, %dma_start3A_36] : memref<2x3x!tpu.dma_semaphore, #tpu.memory_space<semaphore_mem>> -> memref<1x1x!tpu.dma_semaphore, #tpu.memory_space<semaphore_mem>>
      %dma_start3A_38 = tpu.memref_squeeze %dma_start3A_37 : memref<1x1x!tpu.dma_semaphore, #tpu.memory_space<semaphore_mem>> -> memref<!tpu.dma_semaphore, #tpu.memory_space<semaphore_mem>>
      %dma_start3A_39 = arith.constant 0 : i32
      %dma_start3A_40 = arith.constant 0 : i32
      %dma_start3A_41 = tpu.memref_slice %arg12[%dma_start3A_34, %dma_start3A_39, %dma_start3A_40] : memref<2x768x3072xf32, #tpu.memory_space<vmem>> -> memref<1x768x3072xf32, #tpu.memory_space<vmem>>
      %dma_start3A_42 = tpu.memref_squeeze %dma_start3A_41 : memref<1x768x3072xf32, #tpu.memory_space<vmem>> -> memref<768x3072xf32, #tpu.memory_space<vmem>>
      %dma_start3A_43 = arith.constant 0 : i32
      %dma_start3A_44 = arith.constant 0 : i32
      %dma_start3A_45 = tpu.memref_slice %arg8[%get3A_21, %dma_start3A_43, %dma_start3A_44] : memref<8x768x3072xf32, #tpu.memory_space<any>> -> memref<1x768x3072xf32, #tpu.memory_space<any>>
      %dma_start3A_46 = tpu.memref_squeeze %dma_start3A_45 : memref<1x768x3072xf32, #tpu.memory_space<any>> -> memref<768x3072xf32, #tpu.memory_space<any>>
      tpu.enqueue_dma source(%dma_start3A_46 : memref<768x3072xf32, #tpu.memory_space<any>>) target(%dma_start3A_42 : memref<768x3072xf32, #tpu.memory_space<vmem>>) target_semaphore(%dma_start3A_38 : memref<!tpu.dma_semaphore, #tpu.memory_space<semaphore_mem>>)
      %dma_start3A_47 = arith.constant 0 : i32
      %dma_start3A_48 = arith.constant 0 : i32
      %dma_start3A_49 = arith.constant 2 : i32
      %dma_start3A_50 = tpu.memref_slice %arg14[%dma_start3A_48, %dma_start3A_49] : memref<2x3x!tpu.dma_semaphore, #tpu.memory_space<semaphore_mem>> -> memref<1x1x!tpu.dma_semaphore, #tpu.memory_space<semaphore_mem>>
      %dma_start3A_51 = tpu.memref_squeeze %dma_start3A_50 : memref<1x1x!tpu.dma_semaphore, #tpu.memory_space<semaphore_mem>> -> memref<!tpu.dma_semaphore, #tpu.memory_space<semaphore_mem>>
      %dma_start3A_52 = arith.constant 0 : i32
      %dma_start3A_53 = arith.constant 0 : i32
      %dma_start3A_54 = tpu.memref_slice %arg13[%dma_start3A_47, %dma_start3A_52, %dma_start3A_53] : memref<2x3072x768xf32, #tpu.memory_space<vmem>> -> memref<1x3072x768xf32, #tpu.memory_space<vmem>>
      %dma_start3A_55 = tpu.memref_squeeze %dma_start3A_54 : memref<1x3072x768xf32, #tpu.memory_space<vmem>> -> memref<3072x768xf32, #tpu.memory_space<vmem>>
      %dma_start3A_56 = arith.constant 0 : i32
      %dma_start3A_57 = arith.constant 0 : i32
      %dma_start3A_58 = tpu.memref_slice %arg9[%get3A_21, %dma_start3A_56, %dma_start3A_57] : memref<8x3072x768xf32, #tpu.memory_space<any>> -> memref<1x3072x768xf32, #tpu.memory_space<any>>
      %dma_start3A_59 = tpu.memref_squeeze %dma_start3A_58 : memref<1x3072x768xf32, #tpu.memory_space<any>> -> memref<3072x768xf32, #tpu.memory_space<any>>
      tpu.enqueue_dma source(%dma_start3A_59 : memref<3072x768xf32, #tpu.memory_space<any>>) target(%dma_start3A_55 : memref<3072x768xf32, #tpu.memory_space<vmem>>) target_semaphore(%dma_start3A_51 : memref<!tpu.dma_semaphore, #tpu.memory_space<semaphore_mem>>)
    } else {
    }
    %get3A_3 = arith.index_cast %arg0 : i32 to index
    %get3A_4 = memref.load %arg2[%get3A_3] : memref<24xi32, #tpu.memory_space<smem>>
    %eq3A_5 = arith.constant 1 : i32
    %eq3A_6 = arith.cmpi eq, %get3A_4, %eq3A_5 : i32
    %get3A_7 = arith.index_cast %arg0 : i32 to index
    %get3A_8 = memref.load %arg1[%get3A_7] : memref<24xi32, #tpu.memory_space<smem>>
    %lt3A = arith.constant 8 : i32
    %lt3A_9 = arith.cmpi slt, %get3A_8, %lt3A : i32
    %and3A = arith.andi %eq3A_6, %lt3A_9 : i1
    %convert_element_type3A_10 = arith.extui %and3A : i1 to i32
    %cond3A_11 = arith.constant 0 : i32
    %cond3A_12 = arith.cmpi ne, %convert_element_type3A_10, %cond3A_11 : i32
    scf.if %cond3A_12 {
      %get3A_20 = arith.index_cast %arg0 : i32 to index
      %get3A_21 = memref.load %arg4[%get3A_20] : memref<24xi32, #tpu.memory_space<smem>>
      %ge3A = arith.constant 0 : i32
      %ge3A_22 = arith.cmpi sge, %get3A_21, %ge3A : i32
      %convert_element_type3A_23 = arith.extui %ge3A_22 : i1 to i32
      %cond3A_24 = arith.constant 0 : i32
      %cond3A_25 = arith.cmpi ne, %convert_element_type3A_23, %cond3A_24 : i32
      scf.if %cond3A_25 {
        %get3A_60 = arith.index_cast %arg0 : i32 to index
        %get3A_61 = memref.load %arg4[%get3A_60] : memref<24xi32, #tpu.memory_space<smem>>
        %sub3A = arith.constant 1 : i32
        %sub3A_62 = arith.subi %sub3A, %get3A_0 : i32
        %dma_start3A = arith.constant 0 : i32
        %dma_start3A_63 = tpu.memref_slice %arg14[%sub3A_62, %dma_start3A] : memref<2x3x!tpu.dma_semaphore, #tpu.memory_space<semaphore_mem>> -> memref<1x1x!tpu.dma_semaphore, #tpu.memory_space<semaphore_mem>>
        %dma_start3A_64 = tpu.memref_squeeze %dma_start3A_63 : memref<1x1x!tpu.dma_semaphore, #tpu.memory_space<semaphore_mem>> -> memref<!tpu.dma_semaphore, #tpu.memory_space<semaphore_mem>>
        %dma_start3A_65 = arith.constant 0 : i32
        %dma_start3A_66 = arith.constant 0 : i32
        %dma_start3A_67 = tpu.memref_slice %arg11[%sub3A_62, %dma_start3A_65, %dma_start3A_66] : memref<2x768x3072xf32, #tpu.memory_space<vmem>> -> memref<1x768x3072xf32, #tpu.memory_space<vmem>>
        %dma_start3A_68 = tpu.memref_squeeze %dma_start3A_67 : memref<1x768x3072xf32, #tpu.memory_space<vmem>> -> memref<768x3072xf32, #tpu.memory_space<vmem>>
        %dma_start3A_69 = arith.constant 0 : i32
        %dma_start3A_70 = arith.constant 0 : i32
        %dma_start3A_71 = tpu.memref_slice %arg7[%get3A_61, %dma_start3A_69, %dma_start3A_70] : memref<8x768x3072xf32, #tpu.memory_space<any>> -> memref<1x768x3072xf32, #tpu.memory_space<any>>
        %dma_start3A_72 = tpu.memref_squeeze %dma_start3A_71 : memref<1x768x3072xf32, #tpu.memory_space<any>> -> memref<768x3072xf32, #tpu.memory_space<any>>
        tpu.enqueue_dma source(%dma_start3A_72 : memref<768x3072xf32, #tpu.memory_space<any>>) target(%dma_start3A_68 : memref<768x3072xf32, #tpu.memory_space<vmem>>) target_semaphore(%dma_start3A_64 : memref<!tpu.dma_semaphore, #tpu.memory_space<semaphore_mem>>)
        %dma_start3A_73 = arith.constant 1 : i32
        %dma_start3A_74 = tpu.memref_slice %arg14[%sub3A_62, %dma_start3A_73] : memref<2x3x!tpu.dma_semaphore, #tpu.memory_space<semaphore_mem>> -> memref<1x1x!tpu.dma_semaphore, #tpu.memory_space<semaphore_mem>>
        %dma_start3A_75 = tpu.memref_squeeze %dma_start3A_74 : memref<1x1x!tpu.dma_semaphore, #tpu.memory_space<semaphore_mem>> -> memref<!tpu.dma_semaphore, #tpu.memory_space<semaphore_mem>>
        %dma_start3A_76 = arith.constant 0 : i32
        %dma_start3A_77 = arith.constant 0 : i32
        %dma_start3A_78 = tpu.memref_slice %arg12[%sub3A_62, %dma_start3A_76, %dma_start3A_77] : memref<2x768x3072xf32, #tpu.memory_space<vmem>> -> memref<1x768x3072xf32, #tpu.memory_space<vmem>>
        %dma_start3A_79 = tpu.memref_squeeze %dma_start3A_78 : memref<1x768x3072xf32, #tpu.memory_space<vmem>> -> memref<768x3072xf32, #tpu.memory_space<vmem>>
        %dma_start3A_80 = arith.constant 0 : i32
        %dma_start3A_81 = arith.constant 0 : i32
        %dma_start3A_82 = tpu.memref_slice %arg8[%get3A_61, %dma_start3A_80, %dma_start3A_81] : memref<8x768x3072xf32, #tpu.memory_space<any>> -> memref<1x768x3072xf32, #tpu.memory_space<any>>
        %dma_start3A_83 = tpu.memref_squeeze %dma_start3A_82 : memref<1x768x3072xf32, #tpu.memory_space<any>> -> memref<768x3072xf32, #tpu.memory_space<any>>
        tpu.enqueue_dma source(%dma_start3A_83 : memref<768x3072xf32, #tpu.memory_space<any>>) target(%dma_start3A_79 : memref<768x3072xf32, #tpu.memory_space<vmem>>) target_semaphore(%dma_start3A_75 : memref<!tpu.dma_semaphore, #tpu.memory_space<semaphore_mem>>)
        %dma_start3A_84 = arith.constant 2 : i32
        %dma_start3A_85 = tpu.memref_slice %arg14[%sub3A_62, %dma_start3A_84] : memref<2x3x!tpu.dma_semaphore, #tpu.memory_space<semaphore_mem>> -> memref<1x1x!tpu.dma_semaphore, #tpu.memory_space<semaphore_mem>>
        %dma_start3A_86 = tpu.memref_squeeze %dma_start3A_85 : memref<1x1x!tpu.dma_semaphore, #tpu.memory_space<semaphore_mem>> -> memref<!tpu.dma_semaphore, #tpu.memory_space<semaphore_mem>>
        %dma_start3A_87 = arith.constant 0 : i32
        %dma_start3A_88 = arith.constant 0 : i32
        %dma_start3A_89 = tpu.memref_slice %arg13[%sub3A_62, %dma_start3A_87, %dma_start3A_88] : memref<2x3072x768xf32, #tpu.memory_space<vmem>> -> memref<1x3072x768xf32, #tpu.memory_space<vmem>>
        %dma_start3A_90 = tpu.memref_squeeze %dma_start3A_89 : memref<1x3072x768xf32, #tpu.memory_space<vmem>> -> memref<3072x768xf32, #tpu.memory_space<vmem>>
        %dma_start3A_91 = arith.constant 0 : i32
        %dma_start3A_92 = arith.constant 0 : i32
        %dma_start3A_93 = tpu.memref_slice %arg9[%get3A_61, %dma_start3A_91, %dma_start3A_92] : memref<8x3072x768xf32, #tpu.memory_space<any>> -> memref<1x3072x768xf32, #tpu.memory_space<any>>
        %dma_start3A_94 = tpu.memref_squeeze %dma_start3A_93 : memref<1x3072x768xf32, #tpu.memory_space<any>> -> memref<3072x768xf32, #tpu.memory_space<any>>
        tpu.enqueue_dma source(%dma_start3A_94 : memref<3072x768xf32, #tpu.memory_space<any>>) target(%dma_start3A_90 : memref<3072x768xf32, #tpu.memory_space<vmem>>) target_semaphore(%dma_start3A_86 : memref<!tpu.dma_semaphore, #tpu.memory_space<semaphore_mem>>)
      } else {
      }
      %get3A_26 = arith.index_cast %arg0 : i32 to index
      %get3A_27 = memref.load %arg1[%get3A_26] : memref<24xi32, #tpu.memory_space<smem>>
      %dma_wait3A = arith.constant 0 : i32
      %dma_wait3A_28 = tpu.memref_slice %arg14[%get3A_0, %dma_wait3A] : memref<2x3x!tpu.dma_semaphore, #tpu.memory_space<semaphore_mem>> -> memref<1x1x!tpu.dma_semaphore, #tpu.memory_space<semaphore_mem>>
      %dma_wait3A_29 = tpu.memref_squeeze %dma_wait3A_28 : memref<1x1x!tpu.dma_semaphore, #tpu.memory_space<semaphore_mem>> -> memref<!tpu.dma_semaphore, #tpu.memory_space<semaphore_mem>>
      %dma_wait3A_30 = arith.constant 0 : i32
      %dma_wait3A_31 = arith.constant 0 : i32
      %dma_wait3A_32 = tpu.memref_slice %arg11[%get3A_0, %dma_wait3A_30, %dma_wait3A_31] : memref<2x768x3072xf32, #tpu.memory_space<vmem>> -> memref<1x768x3072xf32, #tpu.memory_space<vmem>>
      %dma_wait3A_33 = tpu.memref_squeeze %dma_wait3A_32 : memref<1x768x3072xf32, #tpu.memory_space<vmem>> -> memref<768x3072xf32, #tpu.memory_space<vmem>>
      %dma_wait3A_34 = arith.constant 0 : i32
      %dma_wait3A_35 = arith.constant 0 : i32
      %dma_wait3A_36 = tpu.memref_slice %arg7[%get3A_27, %dma_wait3A_34, %dma_wait3A_35] : memref<8x768x3072xf32, #tpu.memory_space<any>> -> memref<1x768x3072xf32, #tpu.memory_space<any>>
      %dma_wait3A_37 = tpu.memref_squeeze %dma_wait3A_36 : memref<1x768x3072xf32, #tpu.memory_space<any>> -> memref<768x3072xf32, #tpu.memory_space<any>>
      tpu.wait_dma2 semaphore(%dma_wait3A_29 : memref<!tpu.dma_semaphore, #tpu.memory_space<semaphore_mem>>) src(%dma_wait3A_37 : memref<768x3072xf32, #tpu.memory_space<any>>) dst(%dma_wait3A_33 : memref<768x3072xf32, #tpu.memory_space<vmem>>)
      %dma_wait3A_38 = arith.constant 1 : i32
      %dma_wait3A_39 = tpu.memref_slice %arg14[%get3A_0, %dma_wait3A_38] : memref<2x3x!tpu.dma_semaphore, #tpu.memory_space<semaphore_mem>> -> memref<1x1x!tpu.dma_semaphore, #tpu.memory_space<semaphore_mem>>
      %dma_wait3A_40 = tpu.memref_squeeze %dma_wait3A_39 : memref<1x1x!tpu.dma_semaphore, #tpu.memory_space<semaphore_mem>> -> memref<!tpu.dma_semaphore, #tpu.memory_space<semaphore_mem>>
      %dma_wait3A_41 = arith.constant 0 : i32
      %dma_wait3A_42 = arith.constant 0 : i32
      %dma_wait3A_43 = tpu.memref_slice %arg12[%get3A_0, %dma_wait3A_41, %dma_wait3A_42] : memref<2x768x3072xf32, #tpu.memory_space<vmem>> -> memref<1x768x3072xf32, #tpu.memory_space<vmem>>
      %dma_wait3A_44 = tpu.memref_squeeze %dma_wait3A_43 : memref<1x768x3072xf32, #tpu.memory_space<vmem>> -> memref<768x3072xf32, #tpu.memory_space<vmem>>
      %dma_wait3A_45 = arith.constant 0 : i32
      %dma_wait3A_46 = arith.constant 0 : i32
      %dma_wait3A_47 = tpu.memref_slice %arg8[%get3A_27, %dma_wait3A_45, %dma_wait3A_46] : memref<8x768x3072xf32, #tpu.memory_space<any>> -> memref<1x768x3072xf32, #tpu.memory_space<any>>
      %dma_wait3A_48 = tpu.memref_squeeze %dma_wait3A_47 : memref<1x768x3072xf32, #tpu.memory_space<any>> -> memref<768x3072xf32, #tpu.memory_space<any>>
      tpu.wait_dma2 semaphore(%dma_wait3A_40 : memref<!tpu.dma_semaphore, #tpu.memory_space<semaphore_mem>>) src(%dma_wait3A_48 : memref<768x3072xf32, #tpu.memory_space<any>>) dst(%dma_wait3A_44 : memref<768x3072xf32, #tpu.memory_space<vmem>>)
      %dma_wait3A_49 = arith.constant 2 : i32
      %dma_wait3A_50 = tpu.memref_slice %arg14[%get3A_0, %dma_wait3A_49] : memref<2x3x!tpu.dma_semaphore, #tpu.memory_space<semaphore_mem>> -> memref<1x1x!tpu.dma_semaphore, #tpu.memory_space<semaphore_mem>>
      %dma_wait3A_51 = tpu.memref_squeeze %dma_wait3A_50 : memref<1x1x!tpu.dma_semaphore, #tpu.memory_space<semaphore_mem>> -> memref<!tpu.dma_semaphore, #tpu.memory_space<semaphore_mem>>
      %dma_wait3A_52 = arith.constant 0 : i32
      %dma_wait3A_53 = arith.constant 0 : i32
      %dma_wait3A_54 = tpu.memref_slice %arg13[%get3A_0, %dma_wait3A_52, %dma_wait3A_53] : memref<2x3072x768xf32, #tpu.memory_space<vmem>> -> memref<1x3072x768xf32, #tpu.memory_space<vmem>>
      %dma_wait3A_55 = tpu.memref_squeeze %dma_wait3A_54 : memref<1x3072x768xf32, #tpu.memory_space<vmem>> -> memref<3072x768xf32, #tpu.memory_space<vmem>>
      %dma_wait3A_56 = arith.constant 0 : i32
      %dma_wait3A_57 = arith.constant 0 : i32
      %dma_wait3A_58 = tpu.memref_slice %arg9[%get3A_27, %dma_wait3A_56, %dma_wait3A_57] : memref<8x3072x768xf32, #tpu.memory_space<any>> -> memref<1x3072x768xf32, #tpu.memory_space<any>>
      %dma_wait3A_59 = tpu.memref_squeeze %dma_wait3A_58 : memref<1x3072x768xf32, #tpu.memory_space<any>> -> memref<3072x768xf32, #tpu.memory_space<any>>
      tpu.wait_dma2 semaphore(%dma_wait3A_51 : memref<!tpu.dma_semaphore, #tpu.memory_space<semaphore_mem>>) src(%dma_wait3A_59 : memref<3072x768xf32, #tpu.memory_space<any>>) dst(%dma_wait3A_55 : memref<3072x768xf32, #tpu.memory_space<vmem>>)
    } else {
    }
    %get3A_13 = arith.index_cast %arg0 : i32 to index
    %get3A_14 = memref.load %arg1[%get3A_13] : memref<24xi32, #tpu.memory_space<smem>>
    %lt3A_15 = arith.constant 8 : i32
    %lt3A_16 = arith.cmpi slt, %get3A_14, %lt3A_15 : i32
    %convert_element_type3A_17 = arith.extui %lt3A_16 : i1 to i32
    %cond3A_18 = arith.constant 0 : i32
    %cond3A_19 = arith.cmpi ne, %convert_element_type3A_17, %cond3A_18 : i32
    scf.if %cond3A_19 {
      %get3A_20 = arith.constant 0 : index
      %get3A_21 = arith.constant 0 : index
      %get3A_22 = vector.load %arg5[%get3A_20, %get3A_21] : memref<256x768xf32, #tpu.memory_space<vmem>>, vector<256x768xf32>
      %get3A_23 = arith.index_cast %get3A_0 : i32 to index
      %get3A_24 = arith.constant 0 : index
      %get3A_25 = arith.constant 0 : index
      %get3A_26 = vector.load %arg11[%get3A_23, %get3A_24, %get3A_25] : memref<2x768x3072xf32, #tpu.memory_space<vmem>>, vector<1x768x3072xf32>
      %get3A_27 = vector.shape_cast %get3A_26 : vector<1x768x3072xf32> to vector<768x3072xf32>
      %dot_general3A = arith.constant dense<0.000000e+00> : vector<256x3072xf32>
      %dot_general3A_28 = tpu.matmul %get3A_22, %get3A_27, %dot_general3A {dimension_numbers = #tpu.dot_dimension_numbers<[1], [0], [0], [1], [0, 0, 1, 1], [], []>, transpose_lhs_hint = false} : vector<256x768xf32>, vector<768x3072xf32>, vector<256x3072xf32> -> vector<256x3072xf32>
      %get3A_29 = arith.index_cast %get3A_0 : i32 to index
      %get3A_30 = arith.constant 0 : index
      %get3A_31 = arith.constant 0 : index
      %get3A_32 = vector.load %arg12[%get3A_29, %get3A_30, %get3A_31] : memref<2x768x3072xf32, #tpu.memory_space<vmem>>, vector<1x768x3072xf32>
      %get3A_33 = vector.shape_cast %get3A_32 : vector<1x768x3072xf32> to vector<768x3072xf32>
      %dot_general3A_34 = arith.constant dense<0.000000e+00> : vector<256x3072xf32>
      %dot_general3A_35 = tpu.matmul %get3A_22, %get3A_33, %dot_general3A_34 {dimension_numbers = #tpu.dot_dimension_numbers<[1], [0], [0], [1], [0, 0, 1, 1], [], []>, transpose_lhs_hint = false} : vector<256x768xf32>, vector<768x3072xf32>, vector<256x3072xf32> -> vector<256x3072xf32>
      %logistic3A = arith.negf %dot_general3A_28 : vector<256x3072xf32>
      %logistic3A_36 = math.exp %logistic3A : vector<256x3072xf32>
      %logistic3A_37 = arith.constant 1.000000e+00 : f32
      %logistic3A_38 = vector.broadcast %logistic3A_37 : f32 to vector<256x3072xf32>
      %logistic3A_39 = arith.addf %logistic3A_38, %logistic3A_36 : vector<256x3072xf32>
      %logistic3A_40 = arith.divf %logistic3A_38, %logistic3A_39 : vector<256x3072xf32>
      %mul3A = arith.mulf %dot_general3A_28, %logistic3A_40 : vector<256x3072xf32>
      %mul3A_41 = arith.mulf %mul3A, %dot_general3A_35 : vector<256x3072xf32>
      %get3A_42 = arith.index_cast %get3A_0 : i32 to index
      %get3A_43 = arith.constant 0 : index
      %get3A_44 = arith.constant 0 : index
      %get3A_45 = vector.load %arg13[%get3A_42, %get3A_43, %get3A_44] : memref<2x3072x768xf32, #tpu.memory_space<vmem>>, vector<1x3072x768xf32>
      %get3A_46 = vector.shape_cast %get3A_45 : vector<1x3072x768xf32> to vector<3072x768xf32>
      %dot_general3A_47 = arith.constant dense<0.000000e+00> : vector<256x768xf32>
      %dot_general3A_48 = tpu.matmul %mul3A_41, %get3A_46, %dot_general3A_47 {dimension_numbers = #tpu.dot_dimension_numbers<[1], [0], [0], [1], [0, 0, 1, 1], [], []>, transpose_lhs_hint = false} : vector<256x3072xf32>, vector<3072x768xf32>, vector<256x768xf32> -> vector<256x768xf32>
      %get3A_49 = arith.constant 0 : index
      %get3A_50 = arith.constant 0 : index
      %get3A_51 = vector.load %arg6[%get3A_49, %get3A_50] : memref<256x1xf32, #tpu.memory_space<vmem>>, vector<256x1xf32>
      %mul3A_52 = vector.broadcast %get3A_51 : vector<256x1xf32> to vector<256x768xf32>
      %mul3A_53 = arith.mulf %dot_general3A_48, %mul3A_52 : vector<256x768xf32>
      %swap3A = arith.constant 0 : index
      %swap3A_54 = arith.constant 0 : index
      %swap3A_55 = vector.load %arg10[%swap3A, %swap3A_54] : memref<256x768xf32, #tpu.memory_space<vmem>>, vector<256x768xf32>
      tpu.vector_store %arg10[%swap3A, %swap3A_54], %mul3A_53 {strides = array<i32>} : memref<256x768xf32, #tpu.memory_space<vmem>>, vector<256x768xf32>,
    } else {
    }
    return
  }
  func.func @transform_0(%arg0: i32, %arg1: memref<24xi32, #tpu.memory_space<smem>>, %arg2: memref<24xi32, #tpu.memory_space<smem>>, %arg3: memref<24xi32, #tpu.memory_space<smem>>, %arg4: memref<24xi32, #tpu.memory_space<smem>>) -> (i32, i32) {
    %c0_i32 = arith.constant 0 : i32
    %c0_i32_0 = arith.constant 0 : i32
    return %arg0, %c0_i32 : i32, i32
  }
  func.func @transform_1(%arg0: i32, %arg1: memref<24xi32, #tpu.memory_space<smem>>, %arg2: memref<24xi32, #tpu.memory_space<smem>>, %arg3: memref<24xi32, #tpu.memory_space<smem>>, %arg4: memref<24xi32, #tpu.memory_space<smem>>) -> (i32, i32) {
    %c0_i32 = arith.constant 0 : i32
    %c0_i32_0 = arith.constant 0 : i32
    return %arg0, %c0_i32 : i32, i32
  }
  func.func @transform_5(%arg0: i32, %arg1: memref<24xi32, #tpu.memory_space<smem>>, %arg2: memref<24xi32, #tpu.memory_space<smem>>, %arg3: memref<24xi32, #tpu.memory_space<smem>>, %arg4: memref<24xi32, #tpu.memory_space<smem>>) -> (i32, i32) {
    %c0_i32 = arith.constant 0 : i32
    %c0_i32_0 = arith.constant 0 : i32
    return %arg0, %c0_i32 : i32, i32
  }
}

</mosaic_0001>

<sc_bundles>
// kernel: kernel.6.cloned.1.call-start
scs
__scs_entry_jumppad:
0x0: {  	(pc) =	sbr.rel $0x88, $3  }
0x1: {  	(tag) =	ssettag $0x0;
	lr =	simm.s32 $0x1  }
0x2: {  	[smem:$0x3F9C] =	sst lr;
	_ =	strace $0xD0000000  }
0x3: {  	_ = 	snop  }
0x4: {  	_ = 	snop  }
0x5: {  	_ = 	snop  }
0x6: {  	_ = 	snop  }
0x7: {  	_ = 	snop  }
__scs_overlays_trampoline_lowered:
0x8: {  	[smem:$0x3FAB] =	sst s0  }
0x9: {  	[smem:$0x3FAC] =	sst s1  }
0xa: {  	[smem:$0x3FAD] =	sst s2  }
0xb: {  	[smem:$0x3FAE] =	sst s3  }
0xc: {  	[smem:$0x3FAF] =	sst s4  }
0xd: {  	[smem:$0x3FB0] =	sst s5  }
0xe: {  	[smem:$0x3FB1] =	sst s6  }
0xf: {  	[smem:$0x3FB2] =	sst s7  }
0x10: {  	[smem:$0x3FB3] =	sst s8  }
0x11: {  	[smem:$0x3FB4] =	sst s9;
	s0 =	simm.s32 @!p0 $0x0  }
0x12: {  	s1 =	sld [smem:$0x3F9A];
	s0 =	simm.s32 @p0 $0x1  }
0x13: {  	[smem:$0x3FB5] =	sst s0;
	s0 =	simm.s32 @!p1 $0x0  }
0x14: {  	s2 =	sld [smem:$0x3F99];
	s0 =	simm.s32 @p1 $0x1  }
0x15: {  	[smem:$0x3FB6] =	sst s0;
	s0 =	simm.s32 @!p2 $0x0  }
0x16: {  	s3 =	sld [smem:$0x3FDB];
	s0 =	simm.s32 @p2 $0x1  }
0x17: {  	s4 =	simm.s32 $0x1BF5;
	[smem:$0x3FB8] =	sst s0  }
0x18: {  	s0 =	sld [smem:$0x3F9B];
	_ =	swait.ge [sflag:s4], $0x0  }
0x19: {  	s7 =	sld [smem:$0x3F9C]  }
0x1a: {  	s8 =	sadd.s32 $0xFFFFE003, lr  }
0x1b: {  	s9 =	sadd.s32 $0xFFFFFEF7, lr;
	s5 =	simm.s32 $0xFFFFFFFF;
	p2 =	slt.u32 s8, $0xFFFFF086  }
0x1c: {  	p1 =	slt.u32 s9, $0xF7A;
	s5 =	simm.s32 @!p2 $0x0  }
0x1d: {  	s5 =	simm.s32 @p1 $0x1;
	p0 =	seq.s32 s7, s2  }
0x1e: {  	s7 =	smul.u32 @!p0 $0xF7A, s2;
	p2 =	seq.s32 @!p0 s5, $0x0  }
0x1f: {  	s9 =	smul.u32 $0xF7A, s1;
	s8 =	simm.s32 @!p0 $0x1BF5;
	p2 =	por !p2, p0  }
0x20: {  	[sflag:s8] =	ssyncset.s32 @!p0 $0xFFFFF086;
	s6 =	sadd.s32 @!p0 s3, s7;
	s7 =	simm.s32 @!p0 $0x108  }
0x21: {  	s3 =	sadd.s32 s3, s9;
	s6 =	sadd.s32 @!p0 $0x88, s6;
	s7 =	simm.s32 @p2 $0x1082  }
0x22: {  	[simem:s7], [sflag:s8] =	dma.local @!p0 [hbm:s6], $0xF7A  }
0x23: {  	s9 =	sor.u32 $0xD0000000, s2;
	s6 =	simm.s32 $0x108;
	_ =	swait.ge @!p0 [sflag:s8], $0x0  }
0x24: {  	s3 =	sadd.s32 $0x88, s3;
	s6 =	simm.s32 @!p1 $0x1082;
	[sflag:s4] =	ssyncset.s32 $0xFFFFF086  }
0x25: {  	[simem:s6], [sflag:s4] =	dma.local [hbm:s3], $0xF7A  }
0x26: {  	[smem:$0x3F9C] =	sst s1;
	(tag) =	ssettag s2;
	_ =	strace s9  }
0x27: {  	s1 =	sld [smem:$0x3FAC]  }
0x28: {  	s2 =	sld [smem:$0x3FAD]  }
0x29: {  	s4 =	sld [smem:$0x3FAF]  }
0x2a: {  	p0 =	seq.s32 s5, $0x0;
	s5 =	sld [smem:$0x3FB0]  }
0x2b: {  	s6 =	sld [smem:$0x3FB1]  }
0x2c: {  	s7 =	sld [smem:$0x3FB2]  }
0x2d: {  	s3 =	simm.s32 $0x108;
	s8 =	sld [smem:$0x3FB3]  }
0x2e: {  	s3 =	simm.s32 @!p0 $0x1082;
	s9 =	sld [smem:$0x3FB4]  }
0x2f: {  	lr =	sadd.s32 s0, s3;
	s0 =	sld [smem:$0x3FAB]  }
0x30: {  	s3 =	sld [smem:$0x3FAE]  }
0x31: {  	[smem:$0x3FB7] =	sst s10  }
0x32: {  	s10 =	sld [smem:$0x3FB5];
	_ =	sdelay $0x3  }
0x33: {  	p0 =	seq.s32 s10, $0x1;
	s10 =	sld [smem:$0x3FB7];
	_ =	sdelay $0x3  }
0x34: {  	[smem:$0x3FB7] =	sst s10  }
0x35: {  	s10 =	sld [smem:$0x3FB6];
	_ =	sdelay $0x3  }
0x36: {  	p1 =	seq.s32 s10, $0x1;
	s10 =	sld [smem:$0x3FB7];
	_ =	sdelay $0x3  }
0x37: {  	[smem:$0x3FB7] =	sst s10  }
0x38: {  	s10 =	sld [smem:$0x3FB8]  }
0x39: {  	_ = 	snop;
	(pc) =	sbr.ind lr, $3  }
0x3a: {  	_ = 	snop  }
0x3b: {  	_ = 	snop  }
0x3c: {  	p2 =	seq.s32 s10, $0x1;
	s10 =	sld [smem:$0x3FB7]  }
0x3d: {  	_ =	shalt  }
0x3e: {  	_ =	shalt  }
0x3f: {  	_ =	shalt  }
0x40: {  	_ =	shalt  }
0x41: {  	_ =	shalt  }
0x42: {  	_ =	shalt  }
0x43: {  	_ =	shalt  }
0x44: {  	_ =	shalt  }
0x45: {  	_ =	shalt  }
0x46: {  	_ =	shalt  }
0x47: {  	_ =	shalt  }
0x48: {  	_ =	shalt  }
0x49: {  	_ =	shalt  }
0x4a: {  	_ =	shalt  }
0x4b: {  	_ =	shalt  }
0x4c: {  	_ =	shalt  }
0x4d: {  	_ =	shalt  }
0x4e: {  	_ =	shalt  }
0x4f: {  	_ =	shalt  }
0x50: {  	_ =	shalt  }
0x51: {  	_ =	shalt  }
0x52: {  	_ =	shalt  }
0x53: {  	_ =	shalt  }
0x54: {  	_ =	shalt  }
0x55: {  	_ =	shalt  }
0x56: {  	_ =	shalt  }
0x57: {  	_ =	shalt  }
0x58: {  	_ =	shalt  }
0x59: {  	_ =	shalt  }
0x5a: {  	_ =	shalt  }
0x5b: {  	_ =	shalt  }
0x5c: {  	_ =	shalt  }
0x5d: {  	_ =	shalt  }
0x5e: {  	_ =	shalt  }
0x5f: {  	_ =	shalt  }
0x60: {  	_ =	shalt  }
0x61: {  	_ =	shalt  }
0x62: {  	_ =	shalt  }
0x63: {  	_ =	shalt  }
0x64: {  	_ =	shalt  }
0x65: {  	_ =	shalt  }
0x66: {  	_ =	shalt  }
0x67: {  	_ =	shalt  }
0x68: {  	_ =	shalt  }
0x69: {  	_ =	shalt  }
0x6a: {  	_ =	shalt  }
0x6b: {  	_ =	shalt  }
0x6c: {  	_ =	shalt  }
0x6d: {  	_ =	shalt  }
0x6e: {  	_ =	shalt  }
0x6f: {  	_ =	shalt  }
0x70: {  	_ =	shalt  }
0x71: {  	_ =	shalt  }
0x72: {  	_ =	shalt  }
0x73: {  	_ =	shalt  }
0x74: {  	_ =	shalt  }
0x75: {  	_ =	shalt  }
0x76: {  	_ =	shalt  }
0x77: {  	_ =	shalt  }
0x78: {  	_ =	shalt  }
0x79: {  	_ =	shalt  }
0x7a: {  	_ =	shalt  }
0x7b: {  	_ =	shalt  }
0x7c: {  	_ =	shalt  }
0x7d: {  	_ =	shalt  }
0x7e: {  	_ =	shalt  }
0x7f: {  	_ =	shalt  }
0x80: {  	_ =	shalt  }
0x81: {  	_ =	shalt  }
0x82: {  	_ =	shalt  }
0x83: {  	_ =	shalt  }
0x84: {  	_ =	shalt  }
0x85: {  	_ =	shalt  }
0x86: {  	_ =	shalt  }
0x87: {  	_ =	shalt  }
.Lfunc_end0:
.L_simem_size_0:
called_computation_lowered:
.L_overlay_start_0:
0x88: {  	s2 =	sld [smem:$0x3FD9]  }
0x89: {  	s3 =	sld [smem:$0x3FFE];
	_ =	sdelay $0x1  }
0x8a: {  	s1 =	srdreg.scid  }
0x8b: {  	s0 =	sand.u32 $0x1, s1  }
0x8c: {  	s14 =	sshll.u32 s0, $0xA;
	s2 =	sadd.s32 s3, s2  }
0x8d: {  	s2 =	sadd.s32 s2, s14  }
0x8e: {  	[smem:$0x3FC3] =	sst s2  }
0x8f: {  	_ = 	snop  }
0x90: {  	s2 =	sld [smem:$0x3FD0];
	_ =	sdelay $0x2  }
0x91: {  	s4 =	simm.s32 $0xA;
	s5 =	simm.s32 $0x10;
	s15 =	sld [smem:$0x3FC9]  }
0x92: {  	[smem:s5], [sflag:s4] =	dma.local [hbm:s2], $0x1  }
0x93: {  	_ =	swait.eq [sflag:s4], $0x1  }
0x94: {  	[sflag:s4] =	ssyncset.done $0x0  }
0x95: {  	s16 =	sld [smem:$0x12];
	[sflag:s4] =	ssyncadd.s32 $0xFFFFFFFF  }
0x96: {  	s17 =	sld [smem:$0x13];
	(tm) =	ssettm $0x1  }
0x97: {  	s18 =	sld [smem:$0x3FFB];
	_ =	sdelay $0x3  }
0x98: {  	_ =	strace s18  }
0x99: {  	s5 =	sld [smem:$0x3FFC];
	_ =	sdelay $0x3  }
0x9a: {  	_ =	strace s5  }
0x9b: {  	s5 =	sld [smem:$0x3FFD];
	_ =	sdelay $0x3  }
0x9c: {  	_ =	strace s5  }
0x9d: {  	_ =	strace $0x8FFFFFFF  }
0x9e: {  	s19 =	sld [smem:$0x3FDB];
	_ =	sdelay $0x1  }
0x9f: {  	s6 =	simm.s32 $_scs_section_size  }
0xa0: {  	s7 =	simm.s32 $_size__tile_overlayer_lowered;
	s8 =	simm.s32 $_tile_overlayer_lowered  }
0xa1: {  	s22 =	simm.s32 $0x1BFF;
	s21 =	sshll.u32 s8, $0x1;
	s5 =	sadd.s32 s6, s19  }
0xa2: {  	s9 =	simm.s32 $0x0;
	s20 =	sshll.u32 s7, $0x1;
	s7 =	sadd.s32 s21, s5  }
0xa3: {  	[timem:s9], [sflag:s22] =	dma.local [hbm:s7], s20  }
0xa4: {  	_ =	swait.ge [sflag:s22], s20  }
0xa5: {  	s6 =	ssub.s32 $0x0, s20;
	[sflag:s22] =	ssyncset.done $0x0  }
0xa6: {  	[sflag:s22] =	ssyncadd.s32 s6;
	_ =	sdelay $0x1  }
0xa7: {  	s23 =	simm.s32 $0x1B8B  }
0xa8: {  	_ =	swait.ge [sflag:s23], $0x1  }
0xa9: {  	[sflag:s23] =	ssyncset.done $0x0  }
0xaa: {  	s25 =	simm.s32 $0x1B8E;
	s24 =	sld [smem:$0x3FFE];
	[sflag:s23] =	ssyncadd.s32 $0xFFFFFFFF  }
0xab: {  	s26 =	simm.s32 $execute0_lowered;
	[smem:$0x3FD2] =	sst s25  }
0xac: {  	s7 =	sshll.u32 s26, $0x1;
	_ =	strace $0x80000046;
	[dreg:$0x1] =	wrdreg $0xFFFFFFFF  }
0xad: {  	s28 =	simm.s32 $_size_execute0_lowered;
	s5 =	sadd.s32 s5, s7;
	[dreg:$0x0] =	wrdreg $0x0  }
0xae: {  	s7 =	sshll.u32 s28, $0x1;
	[dreg:$0x2] =	wrdreg s5  }
0xaf: {  	[dreg:$0x3] =	wrdreg s7  }
0xb0: {  	[dreg:$0x4] =	wrdreg $0xC0  }
0xb1: {  	_ =	task [dreg:s9], $0x5FFFF  }
0xb2: {  	[dreg:$0x1] =	wrdreg $0xFFFFFFFF  }
0xb3: {  	[dreg:$0x0] =	wrdreg $0x60  }
0xb4: {  	[dreg:$0x2] =	wrdreg s24  }
0xb5: {  	[dreg:$0x3] =	wrdreg s17  }
0xb6: {  	[dreg:$0x4] =	wrdreg s15  }
0xb7: {  	[dreg:$0x5] =	wrdreg s16  }
0xb8: {  	[dreg:$0x6] =	wrdreg $0x9  }
0xb9: {  	_ =	task.clear_ibuf [dreg:s9], $0x7FFFF;
	_ =	strace $0x90000046  }
0xba: {  	s29 =	simm.s32 $0x9;
	_ =	strace $0x80000048  }
0xbb: {  	_ =	swait.ge [sflag:s29], $0x1  }
0xbc: {  	[sflag:s29] =	ssyncadd.s32 $0xFFFFFFFF  }
0xbd: {  	_ =	strace $0x90000048  }
0xbe: {  	_ =	sfence  }
0xbf: {  	s30 =	sld [smem:$0x0];
	_ =	sdelay $0x2  }
0xc0: {  	s31 =	sshll.u32 s1, $0xD;
	s1 =	sshrl.u32 s1, $0x2  }
0xc1: {  	s3 =	sand.u32 $0x4000, s31;
	s1 =	sadd.s32 s1, s30  }
0xc2: {  	s0 =	sor.u32 s3, s0;
	s1 =	sshll.u32 s1, $0x11  }
0xc3: {  	s0 =	sor.u32 s1, s0  }
0xc4: {  	s0 =	sadd.s32 $0x8F2B, s0  }
0xc5: {  	[sflag:s0] =	ssyncadd.remote.s32 $0x1  }
0xc6: {  	_ =	sfence.sel $0xFFFF  }
0xc7: {  	[dreg:$0x0] =	wrdreg $0xFFFFFFFF;
	(pc) =	sbr.abs _section_cstart, $3  }
0xc8: {  	[dreg:$0x1] =	wrdreg $0xFFFFFFFF  }
0xc9: {  	_ =	task.clear_ibuf [dreg:s9], $0x2FFFF;
	_ =	strace $0x9FFFFFFF  }
0xca: {  	(tm) =	ssettm $0x7FFFFFFF  }
0xcb: {  	_ =	shalt  }
tec
execute0_lowered:
.L_overlay_start_1:
0x0: {  	(tag) =	ssettag $0x1  }
0x1: {  	s0 =	rddreg [dreg:$0x0]  }
0x2: {  	s1 =	rddreg [dreg:$0x1]  }
0x3: {  	s2 =	srdreg.scid;
	s4 =	rddreg [dreg:$0x2]  }
0x4: {  	s3 =	stileid.u32;
	s13 =	simm.s32 $0x2;
	s14 =	simm.s32 $0x3  }
0x5: {  	s15 =	simm.s32 $0x4;
	s28 =	simm.s32 $0x3A00;
	s29 =	simm.s32 $0x4200  }
0x6: {  	s30 =	simm.s32 $0x4A00;
	s31 =	simm.s32 $0x5200;
	s17 =	simm.s32 $0x5A00  }
0x7: {  	s10 =	simm.s32 $0x7A00;
	s11 =	simm.s32 $0x8200;
	s16 =	simm.s32 $0x8A00  }
0x8: {  	s18 =	simm.s32 $0x9200;
	s19 =	simm.s32 $0x9A00;
	s20 =	simm.s32 $0xA200  }
0x9: {  	s12 =	simm.s32 $0xB200;
	s2 =	sand.u32 $0x1, s2;
	s5 =	sshll.u32 s3, $0x7  }
0xa: {  	s3 =	simm.s32 $0x0;
	s9 =	sadd.s32 $0x18600, s0;
	s6 =	sshll.u32 s2, $0x6  }
0xb: {  	[smem:$0x7FF] =	sst s3;
	s2 =	ssub.s32 $0x2, s2;
	s5 =	sor.u32 s6, s5  }
0xc: {  	_ =	strace $0x80000047;
	s26 =	sshrl.u32 s2, $0x1;
	s7 =	sshrl.u32 s5, $0x3  }
0xd: {  	s5 =	sshll.u32 s5, $0x1;
	s2 =	ssub.s32 s2, s26;
	s26 =	simm.s32 $0x3200  }
0xe: {  	s7 =	smul.u32 $0x300, s7;
	s8 =	sand.u32 $0xF00, s5;
	s5 =	sor.u32 s6, s5  }
0xf: {  	s8 =	sor.u32 s6, s8;
	s5 =	sshrl.u32 s5, $0x3;
	s6 =	sadd.s32 $0x18A00, s0  }
0x10: {  	s4 =	sadd.s32 s4, s7;
	s22 =	sshrl.u32 s8, $0x3;
	s5 =	sor.u32 $0x10, s5  }
0x11: {  	s7 =	smax.u32 s2, $0x1;
	[dreg:$0x5] =	wrdreg s4;
	s23 =	sadd.s32 s9, s22  }
0x12: {  	s8 =	simm.s32 $0xAA00;
	s24 =	sadd.s32 s9, s5;
	[dreg:$0x6] =	wrdreg s23  }
0x13: {  	v2 =	vlaneseq.u32;
	s25 =	sadd.s32 s1, s22;
	s1 =	sadd.s32 s1, s5;
	[dreg:$0x7] =	wrdreg s24  }
0x14: {  	vm0 =	vmmov $0xffff;
	v1 =	vshrl.u32 v2, $0x3;
	s4 =	sadd.s32 $0x18800, s0;
	s5 =	sadd.s32 $0x18900, s0;
	[dreg:$0x8] =	wrdreg s25  }
0x15: {  	v0 =	vand.u32 $0x7, v2;
	v2 =	vor.u32 $0x8, v2;
	v1 =	vmul.u32 $0x8, v1;
	s9 =	simm.s32 $0x7200;
	[dreg:$0x9] =	wrdreg s1;
	s1 =	simm.s32 $0x5  }
.LBB2_1:
0x16: {  	s21 =	rddreg [dreg:$0x5];
	s0 =	simm.s32 $0x200  }
0x17: {  	[tilespmem:s0], [sflag:$0x1] =	stream.linear.gather [hbm4b:s21+s3], $0xC000, $0x38;
	[tilespmem:$0xC200] =	vst v63  }
0x18: {  	s22 =	rddreg [dreg:$0x6]  }
0x19: {  	[tilespmem:s3], [sflag:$0x2] =	stream.linear.gather [hbm4b:s22+s3], $0x40, $0x38;
	[tilespmem:$0xC200] =	vst v63  }
0x1a: {  	s25 =	rddreg [dreg:$0x7];
	s23 =	simm.s32 $0x80  }
0x1b: {  	[tilespmem:s23], [sflag:$0x3] =	stream.linear.gather [hbm4b:s25+s3], $0x40, $0x38;
	[tilespmem:$0xC200] =	vst v63  }
0x1c: {  	s24 =	simm.s32 $0x100;
	s0 =	rddreg [dreg:$0x8]  }
0x1d: {  	[tilespmem:s24], [sflag:$0x4] =	stream.linear.gather [hbm4b:s0+s3], $0x40, $0x38;
	[tilespmem:$0xC200] =	vst v63  }
0x1e: {  	s22 =	simm.s32 $0x180;
	s25 =	rddreg [dreg:$0x9]  }
0x1f: {  	[tilespmem:s22], [sflag:$0x5] =	stream.linear.gather [hbm4b:s25+s3], $0x40, $0x38;
	[tilespmem:$0xC200] =	vst v63  }
0x20: {  	_ =	swait.ge [sflag:s13], $0x40  }
0x21: {  	[sflag:s13] =	ssyncset.done $0x0  }
0x22: {  	[sflag:s13] =	ssyncadd.s32 $0xFFFFFFC0  }
0x23: {  	_ =	swait.ge [sflag:s14], $0x40  }
0x24: {  	[sflag:s14] =	ssyncset.done $0x0  }
0x25: {  	[sflag:s14] =	ssyncadd.s32 $0xFFFFFFC0  }
0x26: {  	_ =	swait.ge [sflag:s15], $0x40  }
0x27: {  	[sflag:s15] =	ssyncset.done $0x0  }
0x28: {  	[sflag:s15] =	ssyncadd.s32 $0xFFFFFFC0  }
0x29: {  	_ =	swait.ge [sflag:s1], $0x40  }
0x2a: {  	[sflag:s1] =	ssyncset.done $0x0  }
0x2b: {  	[sflag:s1] =	ssyncadd.s32 $0xFFFFFFC0  }
0x2c: {  	s25 =	simm.s32 $0x40;
	s0 =	rddreg [dreg:$0x3]  }
0x2d: {  	[hbm4b:s0+s25] =	stream.indirect.scatter [tilespmem:s24], [sflag:$0x2], $0x1, s3, s25, $0xb8;
	[tilespmem:$0xC200] =	vst v63  }
0x2e: {  	_ = 	snop  }
0x2f: {  	[hbm4b:s0+s25] =	stream.indirect.scatter [tilespmem:s22], [sflag:$0x3], $0x1, s23, s25, $0xb8;
	[tilespmem:$0xC200] =	vst v63  }
0x30: {  	s25 =	simm.s32 $0x1  }
0x31: {  	_ =	swait.ge [sflag:s25], $0xC000  }
0x32: {  	[sflag:s25] =	ssyncset.done $0x0  }
0x33: {  	[sflag:s25] =	ssyncadd.s32 $0xFFFF4000  }
0x34: {  	v3 =	vld [tilespmem:$0x0];
	_ =	sdelay $0x4  }
0x35: {  	v4 =	vshrl.u32 v3, $0x3  }
0x36: {  	v4 =	vmul.u32 $0x30, v4  }
0x37: {  	v3 =	vand.u32 $0x7, v3  }
0x38: {  	v3 =	vor.u32 v3, v4  }
0x39: {  	v4 =	vperm.xlane v3, v0;
	_ =	sdelay $0x1  }
0x3a: {  	v4 =	vadd.s32 v1, v4;
	_ =	sdelay $0x3  }
0x3b: {  	s2 =	simm.s32 $0x200;
	v3 =	vperm.xlane v3, v2  }
0x3c: {  	[hbm4b:s4+s3] =	stream.indirect_vreg.scatter [tilespmem:s2], [sflag:$0x4], $0x80, v4, vm0, $0xb8;
	[tilespmem:$0xC200] =	vst v63  }
0x3d: {  	s21 =	simm.s32 $0xA00;
	v3 =	vadd.s32 v1, v3  }
0x3e: {  	[hbm4b:s5+s3] =	stream.indirect_vreg.scatter [tilespmem:s21], [sflag:$0x4], $0x80, v4, vm0, $0xb8;
	[tilespmem:$0xC200] =	vst v63  }
0x3f: {  	s22 =	simm.s32 $0x1200  }
0x40: {  	[hbm4b:s6+s3] =	stream.indirect_vreg.scatter [tilespmem:s22], [sflag:$0x4], $0x80, v4, vm0, $0xb8;
	[tilespmem:$0xC200] =	vst v63  }
0x41: {  	s23 =	simm.s32 $0x1A00  }
0x42: {  	[hbm4b:s4+s3] =	stream.indirect_vreg.scatter [tilespmem:s23], [sflag:$0x4], $0x80, v3, vm0, $0xb8;
	[tilespmem:$0xC200] =	vst v63  }
0x43: {  	s24 =	simm.s32 $0x2200  }
0x44: {  	[hbm4b:s5+s3] =	stream.indirect_vreg.scatter [tilespmem:s24], [sflag:$0x4], $0x80, v3, vm0, $0xb8;
	[tilespmem:$0xC200] =	vst v63  }
0x45: {  	s25 =	simm.s32 $0x2A00  }
0x46: {  	[hbm4b:s6+s3] =	stream.indirect_vreg.scatter [tilespmem:s25], [sflag:$0x4], $0x80, v3, vm0, $0xb8;
	[tilespmem:$0xC200] =	vst v63  }
0x47: {  	v3 =	vld [tilespmem:$0x10];
	_ =	sdelay $0x4  }
0x48: {  	v57 =	vshrl.u32 v3, $0x3  }
0x49: {  	v4 =	vmul.u32 $0x30, v57  }
0x4a: {  	v3 =	vand.u32 $0x7, v3  }
0x4b: {  	v3 =	vor.u32 v3, v4  }
0x4c: {  	v4 =	vperm.xlane v3, v0;
	_ =	sdelay $0x1  }
0x4d: {  	v4 =	vadd.s32 v1, v4;
	_ =	sdelay $0x3  }
0x4e: {  	v3 =	vperm.xlane v3, v2  }
0x4f: {  	[hbm4b:s4+s3] =	stream.indirect_vreg.scatter [tilespmem:s26], [sflag:$0x4], $0x80, v4, vm0, $0xb8;
	[tilespmem:$0xC200] =	vst v63  }
0x50: {  	v3 =	vadd.s32 v1, v3  }
0x51: {  	[hbm4b:s5+s3] =	stream.indirect_vreg.scatter [tilespmem:s28], [sflag:$0x4], $0x80, v4, vm0, $0xb8;
	[tilespmem:$0xC200] =	vst v63  }
0x52: {  	_ = 	snop  }
0x53: {  	[hbm4b:s6+s3] =	stream.indirect_vreg.scatter [tilespmem:s29], [sflag:$0x4], $0x80, v4, vm0, $0xb8;
	[tilespmem:$0xC200] =	vst v63  }
0x54: {  	_ = 	snop  }
0x55: {  	[hbm4b:s4+s3] =	stream.indirect_vreg.scatter [tilespmem:s30], [sflag:$0x4], $0x80, v3, vm0, $0xb8;
	[tilespmem:$0xC200] =	vst v63  }
0x56: {  	_ = 	snop  }
0x57: {  	[hbm4b:s5+s3] =	stream.indirect_vreg.scatter [tilespmem:s31], [sflag:$0x4], $0x80, v3, vm0, $0xb8;
	[tilespmem:$0xC200] =	vst v63  }
0x58: {  	_ = 	snop  }
0x59: {  	[hbm4b:s6+s3] =	stream.indirect_vreg.scatter [tilespmem:s17], [sflag:$0x4], $0x80, v3, vm0, $0xb8;
	[tilespmem:$0xC200] =	vst v63  }
0x5a: {  	v3 =	vld [tilespmem:$0x20];
	_ =	sdelay $0x4  }
0x5b: {  	v58 =	vshrl.u32 v3, $0x3  }
0x5c: {  	v4 =	vmul.u32 $0x30, v58  }
0x5d: {  	v3 =	vand.u32 $0x7, v3  }
0x5e: {  	v3 =	vor.u32 v3, v4  }
0x5f: {  	v4 =	vperm.xlane v3, v0;
	_ =	sdelay $0x1  }
0x60: {  	v4 =	vadd.s32 v1, v4;
	_ =	sdelay $0x3  }
0x61: {  	s2 =	simm.s32 $0x6200;
	v3 =	vperm.xlane v3, v2  }
0x62: {  	[hbm4b:s4+s3] =	stream.indirect_vreg.scatter [tilespmem:s2], [sflag:$0x4], $0x80, v4, vm0, $0xb8;
	[tilespmem:$0xC200] =	vst v63  }
0x63: {  	v3 =	vadd.s32 v1, v3;
	s2 =	simm.s32 $0x6A00  }
0x64: {  	[hbm4b:s5+s3] =	stream.indirect_vreg.scatter [tilespmem:s2], [sflag:$0x4], $0x80, v4, vm0, $0xb8;
	[tilespmem:$0xC200] =	vst v63  }
0x65: {  	_ = 	snop  }
0x66: {  	[hbm4b:s6+s3] =	stream.indirect_vreg.scatter [tilespmem:s9], [sflag:$0x4], $0x80, v4, vm0, $0xb8;
	[tilespmem:$0xC200] =	vst v63  }
0x67: {  	_ = 	snop  }
0x68: {  	[hbm4b:s4+s3] =	stream.indirect_vreg.scatter [tilespmem:s10], [sflag:$0x4], $0x80, v3, vm0, $0xb8;
	[tilespmem:$0xC200] =	vst v63  }
0x69: {  	_ = 	snop  }
0x6a: {  	[hbm4b:s5+s3] =	stream.indirect_vreg.scatter [tilespmem:s11], [sflag:$0x4], $0x80, v3, vm0, $0xb8;
	[tilespmem:$0xC200] =	vst v63  }
0x6b: {  	_ = 	snop  }
0x6c: {  	[hbm4b:s6+s3] =	stream.indirect_vreg.scatter [tilespmem:s16], [sflag:$0x4], $0x80, v3, vm0, $0xb8;
	[tilespmem:$0xC200] =	vst v63  }
0x6d: {  	v3 =	vld [tilespmem:$0x30];
	_ =	sdelay $0x4  }
0x6e: {  	v59 =	vshrl.u32 v3, $0x3  }
0x6f: {  	v4 =	vmul.u32 $0x30, v59  }
0x70: {  	v3 =	vand.u32 $0x7, v3  }
0x71: {  	v3 =	vor.u32 v3, v4  }
0x72: {  	v4 =	vperm.xlane v3, v0;
	_ =	sdelay $0x1  }
0x73: {  	v4 =	vadd.s32 v1, v4;
	_ =	sdelay $0x3  }
0x74: {  	v3 =	vperm.xlane v3, v2  }
0x75: {  	[hbm4b:s4+s3] =	stream.indirect_vreg.scatter [tilespmem:s18], [sflag:$0x4], $0x80, v4, vm0, $0xb8;
	[tilespmem:$0xC200] =	vst v63  }
0x76: {  	v3 =	vadd.s32 v1, v3  }
0x77: {  	[hbm4b:s5+s3] =	stream.indirect_vreg.scatter [tilespmem:s19], [sflag:$0x4], $0x80, v4, vm0, $0xb8;
	[tilespmem:$0xC200] =	vst v63  }
0x78: {  	_ = 	snop  }
0x79: {  	[hbm4b:s6+s3] =	stream.indirect_vreg.scatter [tilespmem:s20], [sflag:$0x4], $0x80, v4, vm0, $0xb8;
	[tilespmem:$0xC200] =	vst v63  }
0x7a: {  	_ = 	snop  }
0x7b: {  	[hbm4b:s4+s3] =	stream.indirect_vreg.scatter [tilespmem:s8], [sflag:$0x4], $0x80, v3, vm0, $0xb8;
	[tilespmem:$0xC200] =	vst v63  }
0x7c: {  	_ = 	snop  }
0x7d: {  	[hbm4b:s5+s3] =	stream.indirect_vreg.scatter [tilespmem:s12], [sflag:$0x4], $0x80, v3, vm0, $0xb8;
	[tilespmem:$0xC200] =	vst v63  }
0x7e: {  	s0 =	simm.s32 $0xBA00  }
0x7f: {  	[hbm4b:s6+s3] =	stream.indirect_vreg.scatter [tilespmem:s0], [sflag:$0x4], $0x80, v3, vm0, $0xb8;
	[tilespmem:$0xC200] =	vst v63  }
0x80: {  	v3 =	vld [tilespmem:$0x80];
	_ =	sdelay $0x4  }
0x81: {  	v60 =	vshrl.u32 v3, $0x3  }
0x82: {  	v4 =	vmul.u32 $0x30, v60  }
0x83: {  	v3 =	vand.u32 $0x7, v3  }
0x84: {  	v3 =	vor.u32 v3, v4  }
0x85: {  	v4 =	vperm.xlane v3, v0;
	_ =	sdelay $0x1  }
0x86: {  	v4 =	vadd.s32 v1, v4;
	_ =	sdelay $0x3  }
0x87: {  	s0 =	simm.s32 $0x200;
	v3 =	vperm.xlane v3, v2  }
0x88: {  	[hbm4b:s4+s3] =	stream.indirect_vreg.scatter [tilespmem:s0], [sflag:$0x5], $0x80, v4, vm0, $0xb8;
	[tilespmem:$0xC200] =	vst v63  }
0x89: {  	v3 =	vadd.s32 v1, v3  }
0x8a: {  	[hbm4b:s5+s3] =	stream.indirect_vreg.scatter [tilespmem:s21], [sflag:$0x5], $0x80, v4, vm0, $0xb8;
	[tilespmem:$0xC200] =	vst v63  }
0x8b: {  	_ = 	snop  }
0x8c: {  	[hbm4b:s6+s3] =	stream.indirect_vreg.scatter [tilespmem:s22], [sflag:$0x5], $0x80, v4, vm0, $0xb8;
	[tilespmem:$0xC200] =	vst v63  }
0x8d: {  	_ = 	snop  }
0x8e: {  	[hbm4b:s4+s3] =	stream.indirect_vreg.scatter [tilespmem:s23], [sflag:$0x5], $0x80, v3, vm0, $0xb8;
	[tilespmem:$0xC200] =	vst v63  }
0x8f: {  	_ = 	snop  }
0x90: {  	[hbm4b:s5+s3] =	stream.indirect_vreg.scatter [tilespmem:s24], [sflag:$0x5], $0x80, v3, vm0, $0xb8;
	[tilespmem:$0xC200] =	vst v63  }
0x91: {  	_ = 	snop  }
0x92: {  	[hbm4b:s6+s3] =	stream.indirect_vreg.scatter [tilespmem:s25], [sflag:$0x5], $0x80, v3, vm0, $0xb8;
	[tilespmem:$0xC200] =	vst v63  }
0x93: {  	v3 =	vld [tilespmem:$0x90];
	_ =	sdelay $0x4  }
0x94: {  	v61 =	vshrl.u32 v3, $0x3  }
0x95: {  	v4 =	vmul.u32 $0x30, v61  }
0x96: {  	v3 =	vand.u32 $0x7, v3  }
0x97: {  	v3 =	vor.u32 v3, v4  }
0x98: {  	v4 =	vperm.xlane v3, v0;
	_ =	sdelay $0x1  }
0x99: {  	v4 =	vadd.s32 v1, v4;
	_ =	sdelay $0x3  }
0x9a: {  	v3 =	vperm.xlane v3, v2  }
0x9b: {  	[hbm4b:s4+s3] =	stream.indirect_vreg.scatter [tilespmem:s26], [sflag:$0x5], $0x80, v4, vm0, $0xb8;
	[tilespmem:$0xC200] =	vst v63  }
0x9c: {  	v3 =	vadd.s32 v1, v3  }
0x9d: {  	[hbm4b:s5+s3] =	stream.indirect_vreg.scatter [tilespmem:s28], [sflag:$0x5], $0x80, v4, vm0, $0xb8;
	[tilespmem:$0xC200] =	vst v63  }
0x9e: {  	_ = 	snop  }
0x9f: {  	[hbm4b:s6+s3] =	stream.indirect_vreg.scatter [tilespmem:s29], [sflag:$0x5], $0x80, v4, vm0, $0xb8;
	[tilespmem:$0xC200] =	vst v63  }
0xa0: {  	_ = 	snop  }
0xa1: {  	[hbm4b:s4+s3] =	stream.indirect_vreg.scatter [tilespmem:s30], [sflag:$0x5], $0x80, v3, vm0, $0xb8;
	[tilespmem:$0xC200] =	vst v63  }
0xa2: {  	_ = 	snop  }
0xa3: {  	[hbm4b:s5+s3] =	stream.indirect_vreg.scatter [tilespmem:s31], [sflag:$0x5], $0x80, v3, vm0, $0xb8;
	[tilespmem:$0xC200] =	vst v63  }
0xa4: {  	_ = 	snop  }
0xa5: {  	[hbm4b:s6+s3] =	stream.indirect_vreg.scatter [tilespmem:s17], [sflag:$0x5], $0x80, v3, vm0, $0xb8;
	[tilespmem:$0xC200] =	vst v63  }
0xa6: {  	v3 =	vld [tilespmem:$0xA0];
	_ =	sdelay $0x4  }
0xa7: {  	v62 =	vshrl.u32 v3, $0x3  }
0xa8: {  	v4 =	vmul.u32 $0x30, v62  }
0xa9: {  	v3 =	vand.u32 $0x7, v3  }
0xaa: {  	v3 =	vor.u32 v3, v4  }
0xab: {  	v4 =	vperm.xlane v3, v0;
	_ =	sdelay $0x1  }
0xac: {  	v4 =	vadd.s32 v1, v4;
	_ =	sdelay $0x3  }
0xad: {  	s24 =	simm.s32 $0x6200;
	v3 =	vperm.xlane v3, v2  }
0xae: {  	[hbm4b:s4+s3] =	stream.indirect_vreg.scatter [tilespmem:s24], [sflag:$0x5], $0x80, v4, vm0, $0xb8;
	[tilespmem:$0xC200] =	vst v63  }
0xaf: {  	v3 =	vadd.s32 v1, v3  }
0xb0: {  	[hbm4b:s5+s3] =	stream.indirect_vreg.scatter [tilespmem:s2], [sflag:$0x5], $0x80, v4, vm0, $0xb8;
	[tilespmem:$0xC200] =	vst v63  }
0xb1: {  	_ = 	snop  }
0xb2: {  	[hbm4b:s6+s3] =	stream.indirect_vreg.scatter [tilespmem:s9], [sflag:$0x5], $0x80, v4, vm0, $0xb8;
	[tilespmem:$0xC200] =	vst v63  }
0xb3: {  	_ = 	snop  }
0xb4: {  	[hbm4b:s4+s3] =	stream.indirect_vreg.scatter [tilespmem:s10], [sflag:$0x5], $0x80, v3, vm0, $0xb8;
	[tilespmem:$0xC200] =	vst v63  }
0xb5: {  	_ = 	snop  }
0xb6: {  	[hbm4b:s5+s3] =	stream.indirect_vreg.scatter [tilespmem:s11], [sflag:$0x5], $0x80, v3, vm0, $0xb8;
	[tilespmem:$0xC200] =	vst v63  }
0xb7: {  	_ = 	snop  }
0xb8: {  	[hbm4b:s6+s3] =	stream.indirect_vreg.scatter [tilespmem:s16], [sflag:$0x5], $0x80, v3, vm0, $0xb8;
	[tilespmem:$0xC200] =	vst v63  }
0xb9: {  	v3 =	vld [tilespmem:$0xB0];
	_ =	sdelay $0x4  }
0xba: {  	v63 =	vshrl.u32 v3, $0x3  }
0xbb: {  	v4 =	vmul.u32 $0x30, v63  }
0xbc: {  	v3 =	vand.u32 $0x7, v3  }
0xbd: {  	v3 =	vor.u32 v3, v4  }
0xbe: {  	v4 =	vperm.xlane v3, v0;
	_ =	sdelay $0x1  }
0xbf: {  	v4 =	vadd.s32 v1, v4;
	_ =	sdelay $0x3  }
0xc0: {  	v3 =	vperm.xlane v3, v2  }
0xc1: {  	[hbm4b:s4+s3] =	stream.indirect_vreg.scatter [tilespmem:s18], [sflag:$0x5], $0x80, v4, vm0, $0xb8;
	[tilespmem:$0xC200] =	vst v63  }
0xc2: {  	v3 =	vadd.s32 v1, v3  }
0xc3: {  	[hbm4b:s5+s3] =	stream.indirect_vreg.scatter [tilespmem:s19], [sflag:$0x5], $0x80, v4, vm0, $0xb8;
	[tilespmem:$0xC200] =	vst v63  }
0xc4: {  	_ = 	snop  }
0xc5: {  	[hbm4b:s6+s3] =	stream.indirect_vreg.scatter [tilespmem:s20], [sflag:$0x5], $0x80, v4, vm0, $0xb8;
	[tilespmem:$0xC200] =	vst v63  }
0xc6: {  	_ = 	snop  }
0xc7: {  	[hbm4b:s4+s3] =	stream.indirect_vreg.scatter [tilespmem:s8], [sflag:$0x5], $0x80, v3, vm0, $0xb8;
	[tilespmem:$0xC200] =	vst v63  }
0xc8: {  	_ = 	snop  }
0xc9: {  	[hbm4b:s5+s3] =	stream.indirect_vreg.scatter [tilespmem:s12], [sflag:$0x5], $0x80, v3, vm0, $0xb8;
	[tilespmem:$0xC200] =	vst v63  }
0xca: {  	s25 =	simm.s32 $0xBA00  }
0xcb: {  	[hbm4b:s6+s3] =	stream.indirect_vreg.scatter [tilespmem:s25], [sflag:$0x5], $0x80, v3, vm0, $0xb8;
	[tilespmem:$0xC200] =	vst v63  }
0xcc: {  	_ =	swait.ge [sflag:s13], $0x40  }
0xcd: {  	[sflag:s13] =	ssyncset.done $0x0  }
0xce: {  	[sflag:s13] =	ssyncadd.s32 $0xFFFFFFC0  }
0xcf: {  	_ =	swait.ge [sflag:s14], $0x40  }
0xd0: {  	[sflag:s14] =	ssyncset.done $0x0  }
0xd1: {  	[sflag:s14] =	ssyncadd.s32 $0xFFFFFFC0  }
0xd2: {  	p0 =	sne.s32 s7, $0x1;
	_ =	swait.ge [sflag:s15], $0xC000  }
.Ltmp0:
0xd3: {  	[sflag:s15] =	ssyncset.done $0x0;
	(pc) =	sbr.rel @p0 .LBB2_1-.Ltmp0, $4  }
0xd4: {  	[sflag:s15] =	ssyncadd.s32 $0xFFFF4000  }
0xd5: {  	_ =	swait.ge [sflag:s1], $0xC000  }
0xd6: {  	[sflag:s1] =	ssyncset.done $0x0  }
0xd7: {  	s7 =	sadd.s32 $0xFFFFFFFF, s7;
	[sflag:s1] =	ssyncadd.s32 $0xFFFF4000  }
0xd8: {  	_ =	sfence.sel $0x180000  }
0xd9: {  	[bflag:$0x0] =	sbarrier.arrive $0xFFFF  }
0xda: {  	_ =	strace $0x90000047  }
0xdb: {  	s0 =	stileid.u32;
	[bflag:$0x2] =	sbarrier.arrive $0xFFFF  }
0xdc: {  	p0 =	sne.s32 s0, $0x0;
	s0 =	rddreg [dreg:$0x4]  }
0xdd: {  	s0 =	sadd.s32 @!p0 $0x100000, s0  }
0xde: {  	[sflag:s0] =	ssyncadd.tile.s32 @!p0 $0x1;
	_ =	shalt  }
.Lfunc_end2:
_tile_overlayer_lowered:
.L_overlay_start_2:
0xdf: {  	(tag) =	ssettag $0x2  }
0xe0: {  	s0 =	rddreg [dreg:$0x0];
	s2 =	stileid.u32  }
0xe1: {  	s1 =	rddreg [dreg:$0x1];
	p0 =	sne.s32 s2, $0x0  }
0xe2: {  	s3 =	rddreg [dreg:$0x2];
	[bflag:$0x3] =	sbarrier.arrive $0xFFFF;
	s2 =	simm.s32 @!p0 $0x1C06  }
0xe3: {  	[timem:s3], [sflag:s2] =	dma.local @!p0 [hbm:s0], s1  }
0xe4: {  	s0 =	simm.s32 @!p0 $0x6  }
0xe5: {  	_ =	swait.ge @!p0 [sflag:s0], s1  }
0xe6: {  	s1 =	ssub.s32 @!p0 $0x0, s1;
	[sflag:s0] =	ssyncset.done @!p0 $0x0  }
0xe7: {  	[sflag:s0] =	ssyncadd.s32 @!p0 s1  }
0xe8: {  	[bflag:$0x3] =	sbarrier.arrive $0xFFFF  }
0xe9: {  	_ =	shalt  }

// kernel: kernel.9.cloned.1.call-start
scs
__scs_entry_jumppad:
0x0: {  	(pc) =	sbr.rel $0x88, $3  }
0x1: {  	(tag) =	ssettag $0x0;
	lr =	simm.s32 $0x1  }
0x2: {  	[smem:$0x3F9C] =	sst lr;
	_ =	strace $0xD0000000  }
0x3: {  	_ = 	snop  }
0x4: {  	_ = 	snop  }
0x5: {  	_ = 	snop  }
0x6: {  	_ = 	snop  }
0x7: {  	_ = 	snop  }
__scs_overlays_trampoline_lowered:
0x8: {  	[smem:$0x3FAB] =	sst s0  }
0x9: {  	[smem:$0x3FAC] =	sst s1  }
0xa: {  	[smem:$0x3FAD] =	sst s2  }
0xb: {  	[smem:$0x3FAE] =	sst s3  }
0xc: {  	[smem:$0x3FAF] =	sst s4  }
0xd: {  	[smem:$0x3FB0] =	sst s5  }
0xe: {  	[smem:$0x3FB1] =	sst s6  }
0xf: {  	[smem:$0x3FB2] =	sst s7  }
0x10: {  	[smem:$0x3FB3] =	sst s8  }
0x11: {  	[smem:$0x3FB4] =	sst s9;
	s0 =	simm.s32 @!p0 $0x0  }
0x12: {  	s1 =	sld [smem:$0x3F9A];
	s0 =	simm.s32 @p0 $0x1  }
0x13: {  	[smem:$0x3FB5] =	sst s0;
	s0 =	simm.s32 @!p1 $0x0  }
0x14: {  	s2 =	sld [smem:$0x3F99];
	s0 =	simm.s32 @p1 $0x1  }
0x15: {  	[smem:$0x3FB6] =	sst s0;
	s0 =	simm.s32 @!p2 $0x0  }
0x16: {  	s3 =	sld [smem:$0x3FDB];
	s0 =	simm.s32 @p2 $0x1  }
0x17: {  	s4 =	simm.s32 $0x1BF5;
	[smem:$0x3FB8] =	sst s0  }
0x18: {  	s0 =	sld [smem:$0x3F9B];
	_ =	swait.ge [sflag:s4], $0x0  }
0x19: {  	s7 =	sld [smem:$0x3F9C]  }
0x1a: {  	s8 =	sadd.s32 $0xFFFFE003, lr  }
0x1b: {  	s9 =	sadd.s32 $0xFFFFFEF7, lr;
	s5 =	simm.s32 $0xFFFFFFFF;
	p2 =	slt.u32 s8, $0xFFFFF086  }
0x1c: {  	p1 =	slt.u32 s9, $0xF7A;
	s5 =	simm.s32 @!p2 $0x0  }
0x1d: {  	s5 =	simm.s32 @p1 $0x1;
	p0 =	seq.s32 s7, s2  }
0x1e: {  	s7 =	smul.u32 @!p0 $0xF7A, s2;
	p2 =	seq.s32 @!p0 s5, $0x0  }
0x1f: {  	s9 =	smul.u32 $0xF7A, s1;
	s8 =	simm.s32 @!p0 $0x1BF5;
	p2 =	por !p2, p0  }
0x20: {  	[sflag:s8] =	ssyncset.s32 @!p0 $0xFFFFF086;
	s6 =	sadd.s32 @!p0 s3, s7;
	s7 =	simm.s32 @!p0 $0x108  }
0x21: {  	s3 =	sadd.s32 s3, s9;
	s6 =	sadd.s32 @!p0 $0x88, s6;
	s7 =	simm.s32 @p2 $0x1082  }
0x22: {  	[simem:s7], [sflag:s8] =	dma.local @!p0 [hbm:s6], $0xF7A  }
0x23: {  	s9 =	sor.u32 $0xD0000000, s2;
	s6 =	simm.s32 $0x108;
	_ =	swait.ge @!p0 [sflag:s8], $0x0  }
0x24: {  	s3 =	sadd.s32 $0x88, s3;
	s6 =	simm.s32 @!p1 $0x1082;
	[sflag:s4] =	ssyncset.s32 $0xFFFFF086  }
0x25: {  	[simem:s6], [sflag:s4] =	dma.local [hbm:s3], $0xF7A  }
0x26: {  	[smem:$0x3F9C] =	sst s1;
	(tag) =	ssettag s2;
	_ =	strace s9  }
0x27: {  	s1 =	sld [smem:$0x3FAC]  }
0x28: {  	s2 =	sld [smem:$0x3FAD]  }
0x29: {  	s4 =	sld [smem:$0x3FAF]  }
0x2a: {  	p0 =	seq.s32 s5, $0x0;
	s5 =	sld [smem:$0x3FB0]  }
0x2b: {  	s6 =	sld [smem:$0x3FB1]  }
0x2c: {  	s7 =	sld [smem:$0x3FB2]  }
0x2d: {  	s3 =	simm.s32 $0x108;
	s8 =	sld [smem:$0x3FB3]  }
0x2e: {  	s3 =	simm.s32 @!p0 $0x1082;
	s9 =	sld [smem:$0x3FB4]  }
0x2f: {  	lr =	sadd.s32 s0, s3;
	s0 =	sld [smem:$0x3FAB]  }
0x30: {  	s3 =	sld [smem:$0x3FAE]  }
0x31: {  	[smem:$0x3FB7] =	sst s10  }
0x32: {  	s10 =	sld [smem:$0x3FB5];
	_ =	sdelay $0x3  }
0x33: {  	p0 =	seq.s32 s10, $0x1;
	s10 =	sld [smem:$0x3FB7];
	_ =	sdelay $0x3  }
0x34: {  	[smem:$0x3FB7] =	sst s10  }
0x35: {  	s10 =	sld [smem:$0x3FB6];
	_ =	sdelay $0x3  }
0x36: {  	p1 =	seq.s32 s10, $0x1;
	s10 =	sld [smem:$0x3FB7];
	_ =	sdelay $0x3  }
0x37: {  	[smem:$0x3FB7] =	sst s10  }
0x38: {  	s10 =	sld [smem:$0x3FB8]  }
0x39: {  	_ = 	snop;
	(pc) =	sbr.ind lr, $3  }
0x3a: {  	_ = 	snop  }
0x3b: {  	_ = 	snop  }
0x3c: {  	p2 =	seq.s32 s10, $0x1;
	s10 =	sld [smem:$0x3FB7]  }
0x3d: {  	_ =	shalt  }
0x3e: {  	_ =	shalt  }
0x3f: {  	_ =	shalt  }
0x40: {  	_ =	shalt  }
0x41: {  	_ =	shalt  }
0x42: {  	_ =	shalt  }
0x43: {  	_ =	shalt  }
0x44: {  	_ =	shalt  }
0x45: {  	_ =	shalt  }
0x46: {  	_ =	shalt  }
0x47: {  	_ =	shalt  }
0x48: {  	_ =	shalt  }
0x49: {  	_ =	shalt  }
0x4a: {  	_ =	shalt  }
0x4b: {  	_ =	shalt  }
0x4c: {  	_ =	shalt  }
0x4d: {  	_ =	shalt  }
0x4e: {  	_ =	shalt  }
0x4f: {  	_ =	shalt  }
0x50: {  	_ =	shalt  }
0x51: {  	_ =	shalt  }
0x52: {  	_ =	shalt  }
0x53: {  	_ =	shalt  }
0x54: {  	_ =	shalt  }
0x55: {  	_ =	shalt  }
0x56: {  	_ =	shalt  }
0x57: {  	_ =	shalt  }
0x58: {  	_ =	shalt  }
0x59: {  	_ =	shalt  }
0x5a: {  	_ =	shalt  }
0x5b: {  	_ =	shalt  }
0x5c: {  	_ =	shalt  }
0x5d: {  	_ =	shalt  }
0x5e: {  	_ =	shalt  }
0x5f: {  	_ =	shalt  }
0x60: {  	_ =	shalt  }
0x61: {  	_ =	shalt  }
0x62: {  	_ =	shalt  }
0x63: {  	_ =	shalt  }
0x64: {  	_ =	shalt  }
0x65: {  	_ =	shalt  }
0x66: {  	_ =	shalt  }
0x67: {  	_ =	shalt  }
0x68: {  	_ =	shalt  }
0x69: {  	_ =	shalt  }
0x6a: {  	_ =	shalt  }
0x6b: {  	_ =	shalt  }
0x6c: {  	_ =	shalt  }
0x6d: {  	_ =	shalt  }
0x6e: {  	_ =	shalt  }
0x6f: {  	_ =	shalt  }
0x70: {  	_ =	shalt  }
0x71: {  	_ =	shalt  }
0x72: {  	_ =	shalt  }
0x73: {  	_ =	shalt  }
0x74: {  	_ =	shalt  }
0x75: {  	_ =	shalt  }
0x76: {  	_ =	shalt  }
0x77: {  	_ =	shalt  }
0x78: {  	_ =	shalt  }
0x79: {  	_ =	shalt  }
0x7a: {  	_ =	shalt  }
0x7b: {  	_ =	shalt  }
0x7c: {  	_ =	shalt  }
0x7d: {  	_ =	shalt  }
0x7e: {  	_ =	shalt  }
0x7f: {  	_ =	shalt  }
0x80: {  	_ =	shalt  }
0x81: {  	_ =	shalt  }
0x82: {  	_ =	shalt  }
0x83: {  	_ =	shalt  }
0x84: {  	_ =	shalt  }
0x85: {  	_ =	shalt  }
0x86: {  	_ =	shalt  }
0x87: {  	_ =	shalt  }
.Lfunc_end0:
.L_simem_size_0:
called_computation.1_lowered:
.L_overlay_start_0:
0x88: {  	s2 =	sld [smem:$0x3FD9]  }
0x89: {  	s3 =	sld [smem:$0x3FFE];
	_ =	sdelay $0x1  }
0x8a: {  	s1 =	srdreg.scid  }
0x8b: {  	s0 =	sand.u32 $0x1, s1  }
0x8c: {  	s14 =	sshll.u32 s0, $0xA;
	s2 =	sadd.s32 s3, s2  }
0x8d: {  	s2 =	sadd.s32 s2, s14  }
0x8e: {  	[smem:$0x3FC3] =	sst s2  }
0x8f: {  	_ = 	snop  }
0x90: {  	s2 =	sld [smem:$0x3FD0];
	_ =	sdelay $0x2  }
0x91: {  	s15 =	simm.s32 $0xA;
	s4 =	simm.s32 $0x10  }
0x92: {  	[smem:s4], [sflag:s15] =	dma.local [hbm:s2], $0x1  }
0x93: {  	_ =	swait.eq [sflag:s15], $0x1  }
0x94: {  	[sflag:s15] =	ssyncset.done $0x0  }
0x95: {  	[sflag:s15] =	ssyncadd.s32 $0xFFFFFFFF  }
0x96: {  	s16 =	sld [smem:$0x10];
	(tm) =	ssettm $0x1  }
0x97: {  	s17 =	sld [smem:$0x3FFB];
	_ =	sdelay $0x3  }
0x98: {  	_ =	strace s17  }
0x99: {  	s3 =	sld [smem:$0x3FFC];
	_ =	sdelay $0x3  }
0x9a: {  	_ =	strace s3  }
0x9b: {  	s3 =	sld [smem:$0x3FFD];
	_ =	sdelay $0x3  }
0x9c: {  	_ =	strace s3  }
0x9d: {  	_ =	strace $0x8FFFFFFF  }
0x9e: {  	s18 =	sld [smem:$0x3FDB];
	_ =	sdelay $0x1  }
0x9f: {  	s19 =	simm.s32 $_scs_section_size  }
0xa0: {  	s5 =	simm.s32 $_size__tile_overlayer_lowered;
	s6 =	simm.s32 $_tile_overlayer_lowered  }
0xa1: {  	s22 =	simm.s32 $0x1BFF;
	s21 =	sshll.u32 s6, $0x1;
	s3 =	sadd.s32 s19, s18  }
0xa2: {  	s7 =	simm.s32 $0x0;
	s20 =	sshll.u32 s5, $0x1;
	s5 =	sadd.s32 s21, s3  }
0xa3: {  	[timem:s7], [sflag:s22] =	dma.local [hbm:s5], s20  }
0xa4: {  	_ =	swait.ge [sflag:s22], s20  }
0xa5: {  	s4 =	ssub.s32 $0x0, s20;
	[sflag:s22] =	ssyncset.done $0x0  }
0xa6: {  	[sflag:s22] =	ssyncadd.s32 s4;
	_ =	sdelay $0x1  }
0xa7: {  	s23 =	simm.s32 $0x1B8B  }
0xa8: {  	_ =	swait.ge [sflag:s23], $0x1  }
0xa9: {  	[sflag:s23] =	ssyncset.done $0x0  }
0xaa: {  	s25 =	simm.s32 $0x1B8E;
	s24 =	sld [smem:$0x3FFE];
	[sflag:s23] =	ssyncadd.s32 $0xFFFFFFFF  }
0xab: {  	s26 =	simm.s32 $execute0_lowered;
	[smem:$0x3FD2] =	sst s25  }
0xac: {  	s5 =	sshll.u32 s26, $0x1;
	_ =	strace $0x80000049;
	[dreg:$0x1] =	wrdreg $0xFFFFFFFF  }
0xad: {  	s28 =	simm.s32 $_size_execute0_lowered;
	s3 =	sadd.s32 s3, s5;
	[dreg:$0x0] =	wrdreg $0x0  }
0xae: {  	s5 =	sshll.u32 s28, $0x1;
	[dreg:$0x2] =	wrdreg s3  }
0xaf: {  	[dreg:$0x3] =	wrdreg s5  }
0xb0: {  	[dreg:$0x4] =	wrdreg $0xC0  }
0xb1: {  	_ =	task [dreg:s7], $0x5FFFF  }
0xb2: {  	[dreg:$0x1] =	wrdreg $0xFFFFFFFF  }
0xb3: {  	[dreg:$0x0] =	wrdreg $0x60  }
0xb4: {  	[dreg:$0x2] =	wrdreg s24  }
0xb5: {  	[dreg:$0x3] =	wrdreg s16  }
0xb6: {  	[dreg:$0x4] =	wrdreg $0x9  }
0xb7: {  	_ =	task.clear_ibuf [dreg:s7], $0x5FFFF;
	_ =	strace $0x90000049  }
0xb8: {  	s29 =	simm.s32 $0x9;
	_ =	strace $0x8000004B  }
0xb9: {  	_ =	swait.ge [sflag:s29], $0x1  }
0xba: {  	[sflag:s29] =	ssyncadd.s32 $0xFFFFFFFF  }
0xbb: {  	_ =	strace $0x9000004B  }
0xbc: {  	_ =	sfence  }
0xbd: {  	s30 =	sld [smem:$0x0];
	_ =	sdelay $0x2  }
0xbe: {  	s31 =	sshll.u32 s1, $0xD;
	s1 =	sshrl.u32 s1, $0x2  }
0xbf: {  	s3 =	sand.u32 $0x4000, s31;
	s1 =	sadd.s32 s1, s30  }
0xc0: {  	s0 =	sor.u32 s3, s0;
	s1 =	sshll.u32 s1, $0x11  }
0xc1: {  	s0 =	sor.u32 s1, s0  }
0xc2: {  	s0 =	sadd.s32 $0x8F2B, s0  }
0xc3: {  	[sflag:s0] =	ssyncadd.remote.s32 $0x1  }
0xc4: {  	_ =	sfence.sel $0xFFFF  }
0xc5: {  	[dreg:$0x0] =	wrdreg $0xFFFFFFFF;
	(pc) =	sbr.abs _section_cstart, $3  }
0xc6: {  	[dreg:$0x1] =	wrdreg $0xFFFFFFFF  }
0xc7: {  	_ =	task.clear_ibuf [dreg:s7], $0x2FFFF;
	_ =	strace $0x9FFFFFFF  }
0xc8: {  	(tm) =	ssettm $0x7FFFFFFF  }
0xc9: {  	_ =	shalt  }
tec
execute0_lowered:
.L_overlay_start_1:
0x0: {  	(tag) =	ssettag $0x1  }
0x1: {  	s0 =	rddreg [dreg:$0x0]  }
0x2: {  	s1 =	rddreg [dreg:$0x1];
	s3 =	srdreg.scid;
	s2 =	simm.s32 $0x0  }
0x3: {  	s5 =	stileid.u32;
	s12 =	simm.s32 $0x100;
	s28 =	simm.s32 $0x12100  }
0x4: {  	s29 =	simm.s32 $0x12900;
	s30 =	simm.s32 $0x13100;
	s31 =	simm.s32 $0x13900  }
0x5: {  	s11 =	simm.s32 $0x15100;
	s13 =	simm.s32 $0x15900;
	s14 =	simm.s32 $0x16100  }
0x6: {  	s15 =	simm.s32 $0x16900;
	s16 =	simm.s32 $0x17100;
	s17 =	simm.s32 $0x17900  }
0x7: {  	s18 =	simm.s32 $0x1;
	s19 =	simm.s32 $0x2;
	s20 =	simm.s32 $0x0  }
0x8: {  	s4 =	sand.u32 $0x1, s3;
	[smem:$0x7FF] =	sst s2;
	s5 =	sshll.u32 s5, $0x7  }
0x9: {  	s3 =	sadd.s32 $0xA8E00, s0;
	s7 =	sadd.s32 $0x18600, s0;
	s6 =	sshll.u32 s4, $0x6  }
0xa: {  	_ =	strace $0x8000004A;
	s4 =	ssub.s32 $0x2, s4;
	s5 =	sor.u32 s6, s5  }
0xb: {  	s9 =	sshrl.u32 s4, $0x1;
	s8 =	sshll.u32 s5, $0x1;
	s5 =	sshrl.u32 s5, $0x3  }
0xc: {  	s9 =	ssub.s32 s4, s9;
	s10 =	sand.u32 $0xF00, s8;
	s8 =	sor.u32 s6, s8  }
0xd: {  	s26 =	smul.u32 $0x300, s5;
	s6 =	sor.u32 s6, s10;
	s8 =	sshrl.u32 s8, $0x3  }
0xe: {  	s9 =	smax.u32 s9, $0x1;
	s6 =	sshrl.u32 s6, $0x3;
	s8 =	sor.u32 $0x10, s8  }
0xf: {  	v2 =	vlaneseq.u32;
	s10 =	simm.s32 $0x3;
	s4 =	sadd.s32 s7, s6;
	s5 =	sadd.s32 s7, s8  }
0x10: {  	vm0 =	vmmov $0xffff;
	v1 =	vshrl.u32 v2, $0x3;
	s6 =	sadd.s32 $0xA8F00, s0;
	s7 =	sadd.s32 $0xA9000, s0;
	s8 =	sadd.s32 s1, s26  }
0x11: {  	v0 =	vand.u32 $0x7, v2;
	v2 =	vor.u32 $0x8, v2;
	v1 =	vmul.u32 $0x8, v1;
	s26 =	simm.s32 $0x11900;
	s0 =	simm.s32 $0x14100;
	s1 =	simm.s32 $0x14900  }
.LBB2_1:
0x12: {  	[tilespmem:s2], [sflag:$0x3] =	stream.linear.gather [hbm4b:s4+s2], $0x40, $0x38;
	[tilespmem:$0x18100] =	vst v63  }
0x13: {  	_ =	swait.ge [sflag:s10], $0x40  }
0x14: {  	[sflag:s10] =	ssyncset.done $0x0  }
0x15: {  	s21 =	simm.s32 $0x80;
	[sflag:s10] =	ssyncadd.s32 $0xFFFFFFC0  }
0x16: {  	[tilespmem:s21], [sflag:$0x3] =	stream.linear.gather [hbm4b:s5+s2], $0x40, $0x38;
	[tilespmem:$0x18100] =	vst v63  }
0x17: {  	_ =	swait.ge [sflag:s10], $0x40  }
0x18: {  	[sflag:s10] =	ssyncset.done $0x0  }
0x19: {  	[sflag:s10] =	ssyncadd.s32 $0xFFFFFFC0  }
0x1a: {  	v3 =	vld [tilespmem:$0x0];
	_ =	sdelay $0x4  }
0x1b: {  	v4 =	vshrl.u32 v3, $0x3  }
0x1c: {  	v4 =	vmul.u32 $0x30, v4  }
0x1d: {  	v3 =	vand.u32 $0x7, v3  }
0x1e: {  	v3 =	vor.u32 v3, v4  }
0x1f: {  	v4 =	vperm.xlane v3, v0;
	_ =	sdelay $0x1  }
0x20: {  	v4 =	vadd.s32 v1, v4;
	_ =	sdelay $0x3  }
0x21: {  	v3 =	vperm.xlane v3, v2  }
0x22: {  	[tilespmem:s12], [sflag:$0x1] =	stream.indirect_vreg.gather [hbm4b:s3+s2], $0x80, v4, vm0, $0xb8;
	[tilespmem:$0x18100] =	vst v63  }
0x23: {  	s23 =	simm.s32 $0x900;
	v3 =	vadd.s32 v1, v3  }
0x24: {  	[tilespmem:s23], [sflag:$0x1] =	stream.indirect_vreg.gather [hbm4b:s6+s2], $0x80, v4, vm0, $0xb8;
	[tilespmem:$0x18100] =	vst v63  }
0x25: {  	s24 =	simm.s32 $0x1100  }
0x26: {  	[tilespmem:s24], [sflag:$0x1] =	stream.indirect_vreg.gather [hbm4b:s7+s2], $0x80, v4, vm0, $0xb8;
	[tilespmem:$0x18100] =	vst v63  }
0x27: {  	s25 =	simm.s32 $0x1900  }
0x28: {  	[tilespmem:s25], [sflag:$0x1] =	stream.indirect_vreg.gather [hbm4b:s3+s2], $0x80, v3, vm0, $0xb8;
	[tilespmem:$0x18100] =	vst v63  }
0x29: {  	s22 =	simm.s32 $0x2100  }
0x2a: {  	[tilespmem:s22], [sflag:$0x1] =	stream.indirect_vreg.gather [hbm4b:s6+s2], $0x80, v3, vm0, $0xb8;
	[tilespmem:$0x18100] =	vst v63  }
0x2b: {  	s23 =	simm.s32 $0x2900  }
0x2c: {  	[tilespmem:s23], [sflag:$0x1] =	stream.indirect_vreg.gather [hbm4b:s7+s2], $0x80, v3, vm0, $0xb8;
	[tilespmem:$0x18100] =	vst v63  }
0x2d: {  	v3 =	vld [tilespmem:$0x10];
	_ =	sdelay $0x4  }
0x2e: {  	v4 =	vshrl.u32 v3, $0x3  }
0x2f: {  	v4 =	vmul.u32 $0x30, v4  }
0x30: {  	v3 =	vand.u32 $0x7, v3  }
0x31: {  	v3 =	vor.u32 v3, v4  }
0x32: {  	v4 =	vperm.xlane v3, v0;
	_ =	sdelay $0x1  }
0x33: {  	v4 =	vadd.s32 v1, v4;
	_ =	sdelay $0x3  }
0x34: {  	s24 =	simm.s32 $0x3100;
	v3 =	vperm.xlane v3, v2  }
0x35: {  	[tilespmem:s24], [sflag:$0x1] =	stream.indirect_vreg.gather [hbm4b:s3+s2], $0x80, v4, vm0, $0xb8;
	[tilespmem:$0x18100] =	vst v63  }
0x36: {  	s25 =	simm.s32 $0x3900;
	v3 =	vadd.s32 v1, v3  }
0x37: {  	[tilespmem:s25], [sflag:$0x1] =	stream.indirect_vreg.gather [hbm4b:s6+s2], $0x80, v4, vm0, $0xb8;
	[tilespmem:$0x18100] =	vst v63  }
0x38: {  	s22 =	simm.s32 $0x4100  }
0x39: {  	[tilespmem:s22], [sflag:$0x1] =	stream.indirect_vreg.gather [hbm4b:s7+s2], $0x80, v4, vm0, $0xb8;
	[tilespmem:$0x18100] =	vst v63  }
0x3a: {  	s23 =	simm.s32 $0x4900  }
0x3b: {  	[tilespmem:s23], [sflag:$0x1] =	stream.indirect_vreg.gather [hbm4b:s3+s2], $0x80, v3, vm0, $0xb8;
	[tilespmem:$0x18100] =	vst v63  }
0x3c: {  	s24 =	simm.s32 $0x5100  }
0x3d: {  	[tilespmem:s24], [sflag:$0x1] =	stream.indirect_vreg.gather [hbm4b:s6+s2], $0x80, v3, vm0, $0xb8;
	[tilespmem:$0x18100] =	vst v63  }
0x3e: {  	s25 =	simm.s32 $0x5900  }
0x3f: {  	[tilespmem:s25], [sflag:$0x1] =	stream.indirect_vreg.gather [hbm4b:s7+s2], $0x80, v3, vm0, $0xb8;
	[tilespmem:$0x18100] =	vst v63  }
0x40: {  	v3 =	vld [tilespmem:$0x20];
	_ =	sdelay $0x4  }
0x41: {  	v4 =	vshrl.u32 v3, $0x3  }
0x42: {  	v4 =	vmul.u32 $0x30, v4  }
0x43: {  	v3 =	vand.u32 $0x7, v3  }
0x44: {  	v3 =	vor.u32 v3, v4  }
0x45: {  	v4 =	vperm.xlane v3, v0;
	_ =	sdelay $0x1  }
0x46: {  	v4 =	vadd.s32 v1, v4;
	_ =	sdelay $0x3  }
0x47: {  	s22 =	simm.s32 $0x6100;
	v3 =	vperm.xlane v3, v2  }
0x48: {  	[tilespmem:s22], [sflag:$0x1] =	stream.indirect_vreg.gather [hbm4b:s3+s2], $0x80, v4, vm0, $0xb8;
	[tilespmem:$0x18100] =	vst v63  }
0x49: {  	s23 =	simm.s32 $0x6900;
	v3 =	vadd.s32 v1, v3  }
0x4a: {  	[tilespmem:s23], [sflag:$0x1] =	stream.indirect_vreg.gather [hbm4b:s6+s2], $0x80, v4, vm0, $0xb8;
	[tilespmem:$0x18100] =	vst v63  }
0x4b: {  	s24 =	simm.s32 $0x7100  }
0x4c: {  	[tilespmem:s24], [sflag:$0x1] =	stream.indirect_vreg.gather [hbm4b:s7+s2], $0x80, v4, vm0, $0xb8;
	[tilespmem:$0x18100] =	vst v63  }
0x4d: {  	s25 =	simm.s32 $0x7900  }
0x4e: {  	[tilespmem:s25], [sflag:$0x1] =	stream.indirect_vreg.gather [hbm4b:s3+s2], $0x80, v3, vm0, $0xb8;
	[tilespmem:$0x18100] =	vst v63  }
0x4f: {  	s22 =	simm.s32 $0x8100  }
0x50: {  	[tilespmem:s22], [sflag:$0x1] =	stream.indirect_vreg.gather [hbm4b:s6+s2], $0x80, v3, vm0, $0xb8;
	[tilespmem:$0x18100] =	vst v63  }
0x51: {  	s23 =	simm.s32 $0x8900  }
0x52: {  	[tilespmem:s23], [sflag:$0x1] =	stream.indirect_vreg.gather [hbm4b:s7+s2], $0x80, v3, vm0, $0xb8;
	[tilespmem:$0x18100] =	vst v63  }
0x53: {  	v3 =	vld [tilespmem:$0x30];
	_ =	sdelay $0x4  }
0x54: {  	v4 =	vshrl.u32 v3, $0x3  }
0x55: {  	v4 =	vmul.u32 $0x30, v4  }
0x56: {  	v3 =	vand.u32 $0x7, v3  }
0x57: {  	v3 =	vor.u32 v3, v4  }
0x58: {  	v4 =	vperm.xlane v3, v0;
	_ =	sdelay $0x1  }
0x59: {  	v4 =	vadd.s32 v1, v4;
	_ =	sdelay $0x3  }
0x5a: {  	s24 =	simm.s32 $0x9100;
	v3 =	vperm.xlane v3, v2  }
0x5b: {  	[tilespmem:s24], [sflag:$0x1] =	stream.indirect_vreg.gather [hbm4b:s3+s2], $0x80, v4, vm0, $0xb8;
	[tilespmem:$0x18100] =	vst v63  }
0x5c: {  	s25 =	simm.s32 $0x9900;
	v3 =	vadd.s32 v1, v3  }
0x5d: {  	[tilespmem:s25], [sflag:$0x1] =	stream.indirect_vreg.gather [hbm4b:s6+s2], $0x80, v4, vm0, $0xb8;
	[tilespmem:$0x18100] =	vst v63  }
0x5e: {  	s22 =	simm.s32 $0xA100  }
0x5f: {  	[tilespmem:s22], [sflag:$0x1] =	stream.indirect_vreg.gather [hbm4b:s7+s2], $0x80, v4, vm0, $0xb8;
	[tilespmem:$0x18100] =	vst v63  }
0x60: {  	s23 =	simm.s32 $0xA900  }
0x61: {  	[tilespmem:s23], [sflag:$0x1] =	stream.indirect_vreg.gather [hbm4b:s3+s2], $0x80, v3, vm0, $0xb8;
	[tilespmem:$0x18100] =	vst v63  }
0x62: {  	s24 =	simm.s32 $0xB100  }
0x63: {  	[tilespmem:s24], [sflag:$0x1] =	stream.indirect_vreg.gather [hbm4b:s6+s2], $0x80, v3, vm0, $0xb8;
	[tilespmem:$0x18100] =	vst v63  }
0x64: {  	s25 =	simm.s32 $0xB900  }
0x65: {  	[tilespmem:s25], [sflag:$0x1] =	stream.indirect_vreg.gather [hbm4b:s7+s2], $0x80, v3, vm0, $0xb8;
	[tilespmem:$0x18100] =	vst v63  }
0x66: {  	v3 =	vld [tilespmem:$0x80];
	_ =	sdelay $0x4  }
0x67: {  	v4 =	vshrl.u32 v3, $0x3  }
0x68: {  	v4 =	vmul.u32 $0x30, v4  }
0x69: {  	v3 =	vand.u32 $0x7, v3  }
0x6a: {  	v3 =	vor.u32 v3, v4  }
0x6b: {  	v4 =	vperm.xlane v3, v0;
	_ =	sdelay $0x1  }
0x6c: {  	v4 =	vadd.s32 v1, v4;
	_ =	sdelay $0x3  }
0x6d: {  	s22 =	simm.s32 $0xC100;
	v3 =	vperm.xlane v3, v2  }
0x6e: {  	[tilespmem:s22], [sflag:$0x2] =	stream.indirect_vreg.gather [hbm4b:s3+s2], $0x80, v4, vm0, $0xb8;
	[tilespmem:$0x18100] =	vst v63  }
0x6f: {  	s23 =	simm.s32 $0xC900;
	v3 =	vadd.s32 v1, v3  }
0x70: {  	[tilespmem:s23], [sflag:$0x2] =	stream.indirect_vreg.gather [hbm4b:s6+s2], $0x80, v4, vm0, $0xb8;
	[tilespmem:$0x18100] =	vst v63  }
0x71: {  	s24 =	simm.s32 $0xD100  }
0x72: {  	[tilespmem:s24], [sflag:$0x2] =	stream.indirect_vreg.gather [hbm4b:s7+s2], $0x80, v4, vm0, $0xb8;
	[tilespmem:$0x18100] =	vst v63  }
0x73: {  	s25 =	simm.s32 $0xD900  }
0x74: {  	[tilespmem:s25], [sflag:$0x2] =	stream.indirect_vreg.gather [hbm4b:s3+s2], $0x80, v3, vm0, $0xb8;
	[tilespmem:$0x18100] =	vst v63  }
0x75: {  	s22 =	simm.s32 $0xE100  }
0x76: {  	[tilespmem:s22], [sflag:$0x2] =	stream.indirect_vreg.gather [hbm4b:s6+s2], $0x80, v3, vm0, $0xb8;
	[tilespmem:$0x18100] =	vst v63  }
0x77: {  	s23 =	simm.s32 $0xE900  }
0x78: {  	[tilespmem:s23], [sflag:$0x2] =	stream.indirect_vreg.gather [hbm4b:s7+s2], $0x80, v3, vm0, $0xb8;
	[tilespmem:$0x18100] =	vst v63  }
0x79: {  	v3 =	vld [tilespmem:$0x90];
	_ =	sdelay $0x4  }
0x7a: {  	v4 =	vshrl.u32 v3, $0x3  }
0x7b: {  	v4 =	vmul.u32 $0x30, v4  }
0x7c: {  	v3 =	vand.u32 $0x7, v3  }
0x7d: {  	v3 =	vor.u32 v3, v4  }
0x7e: {  	v4 =	vperm.xlane v3, v0;
	_ =	sdelay $0x1  }
0x7f: {  	v4 =	vadd.s32 v1, v4;
	_ =	sdelay $0x3  }
0x80: {  	s24 =	simm.s32 $0xF100;
	v3 =	vperm.xlane v3, v2  }
0x81: {  	[tilespmem:s24], [sflag:$0x2] =	stream.indirect_vreg.gather [hbm4b:s3+s2], $0x80, v4, vm0, $0xb8;
	[tilespmem:$0x18100] =	vst v63  }
0x82: {  	s25 =	simm.s32 $0xF900;
	v3 =	vadd.s32 v1, v3  }
0x83: {  	[tilespmem:s25], [sflag:$0x2] =	stream.indirect_vreg.gather [hbm4b:s6+s2], $0x80, v4, vm0, $0xb8;
	[tilespmem:$0x18100] =	vst v63  }
0x84: {  	s22 =	simm.s32 $0x10100  }
0x85: {  	[tilespmem:s22], [sflag:$0x2] =	stream.indirect_vreg.gather [hbm4b:s7+s2], $0x80, v4, vm0, $0xb8;
	[tilespmem:$0x18100] =	vst v63  }
0x86: {  	s23 =	simm.s32 $0x10900  }
0x87: {  	[tilespmem:s23], [sflag:$0x2] =	stream.indirect_vreg.gather [hbm4b:s3+s2], $0x80, v3, vm0, $0xb8;
	[tilespmem:$0x18100] =	vst v63  }
0x88: {  	s24 =	simm.s32 $0x11100  }
0x89: {  	[tilespmem:s24], [sflag:$0x2] =	stream.indirect_vreg.gather [hbm4b:s6+s2], $0x80, v3, vm0, $0xb8;
	[tilespmem:$0x18100] =	vst v63  }
0x8a: {  	_ = 	snop  }
0x8b: {  	[tilespmem:s26], [sflag:$0x2] =	stream.indirect_vreg.gather [hbm4b:s7+s2], $0x80, v3, vm0, $0xb8;
	[tilespmem:$0x18100] =	vst v63  }
0x8c: {  	v3 =	vld [tilespmem:$0xA0];
	_ =	sdelay $0x4  }
0x8d: {  	v4 =	vshrl.u32 v3, $0x3  }
0x8e: {  	v4 =	vmul.u32 $0x30, v4  }
0x8f: {  	v3 =	vand.u32 $0x7, v3  }
0x90: {  	v3 =	vor.u32 v3, v4  }
0x91: {  	v4 =	vperm.xlane v3, v0;
	_ =	sdelay $0x1  }
0x92: {  	v4 =	vadd.s32 v1, v4;
	_ =	sdelay $0x3  }
0x93: {  	v3 =	vperm.xlane v3, v2  }
0x94: {  	[tilespmem:s28], [sflag:$0x2] =	stream.indirect_vreg.gather [hbm4b:s3+s2], $0x80, v4, vm0, $0xb8;
	[tilespmem:$0x18100] =	vst v63  }
0x95: {  	v3 =	vadd.s32 v1, v3  }
0x96: {  	[tilespmem:s29], [sflag:$0x2] =	stream.indirect_vreg.gather [hbm4b:s6+s2], $0x80, v4, vm0, $0xb8;
	[tilespmem:$0x18100] =	vst v63  }
0x97: {  	_ = 	snop  }
0x98: {  	[tilespmem:s30], [sflag:$0x2] =	stream.indirect_vreg.gather [hbm4b:s7+s2], $0x80, v4, vm0, $0xb8;
	[tilespmem:$0x18100] =	vst v63  }
0x99: {  	_ = 	snop  }
0x9a: {  	[tilespmem:s31], [sflag:$0x2] =	stream.indirect_vreg.gather [hbm4b:s3+s2], $0x80, v3, vm0, $0xb8;
	[tilespmem:$0x18100] =	vst v63  }
0x9b: {  	_ = 	snop  }
0x9c: {  	[tilespmem:s0], [sflag:$0x2] =	stream.indirect_vreg.gather [hbm4b:s6+s2], $0x80, v3, vm0, $0xb8;
	[tilespmem:$0x18100] =	vst v63  }
0x9d: {  	_ = 	snop  }
0x9e: {  	[tilespmem:s1], [sflag:$0x2] =	stream.indirect_vreg.gather [hbm4b:s7+s2], $0x80, v3, vm0, $0xb8;
	[tilespmem:$0x18100] =	vst v63  }
0x9f: {  	v3 =	vld [tilespmem:$0xB0];
	_ =	sdelay $0x4  }
0xa0: {  	v4 =	vshrl.u32 v3, $0x3  }
0xa1: {  	v4 =	vmul.u32 $0x30, v4  }
0xa2: {  	v3 =	vand.u32 $0x7, v3  }
0xa3: {  	v3 =	vor.u32 v3, v4  }
0xa4: {  	v4 =	vperm.xlane v3, v0;
	_ =	sdelay $0x1  }
0xa5: {  	v4 =	vadd.s32 v1, v4;
	_ =	sdelay $0x3  }
0xa6: {  	v3 =	vperm.xlane v3, v2  }
0xa7: {  	[tilespmem:s11], [sflag:$0x2] =	stream.indirect_vreg.gather [hbm4b:s3+s2], $0x80, v4, vm0, $0xb8;
	[tilespmem:$0x18100] =	vst v63  }
0xa8: {  	v3 =	vadd.s32 v1, v3  }
0xa9: {  	[tilespmem:s13], [sflag:$0x2] =	stream.indirect_vreg.gather [hbm4b:s6+s2], $0x80, v4, vm0, $0xb8;
	[tilespmem:$0x18100] =	vst v63  }
0xaa: {  	_ = 	snop  }
0xab: {  	[tilespmem:s14], [sflag:$0x2] =	stream.indirect_vreg.gather [hbm4b:s7+s2], $0x80, v4, vm0, $0xb8;
	[tilespmem:$0x18100] =	vst v63  }
0xac: {  	_ = 	snop  }
0xad: {  	[tilespmem:s15], [sflag:$0x2] =	stream.indirect_vreg.gather [hbm4b:s3+s2], $0x80, v3, vm0, $0xb8;
	[tilespmem:$0x18100] =	vst v63  }
0xae: {  	_ = 	snop  }
0xaf: {  	[tilespmem:s16], [sflag:$0x2] =	stream.indirect_vreg.gather [hbm4b:s6+s2], $0x80, v3, vm0, $0xb8;
	[tilespmem:$0x18100] =	vst v63  }
0xb0: {  	_ = 	snop  }
0xb1: {  	[tilespmem:s17], [sflag:$0x2] =	stream.indirect_vreg.gather [hbm4b:s7+s2], $0x80, v3, vm0, $0xb8;
	[tilespmem:$0x18100] =	vst v63  }
0xb2: {  	_ =	swait.ge [sflag:s18], $0xC000  }
0xb3: {  	[sflag:s18] =	ssyncset.done $0x0  }
0xb4: {  	s25 =	simm.s32 $0x0;
	[sflag:s18] =	ssyncadd.s32 $0xFFFF4000  }
0xb5: {  	s21 =	smul.u32 $0x1800, s25;
	_ =	swait.ge [sflag:s19], $0xC000  }
0xb6: {  	s22 =	sand.u32 $0x380, s2;
	[sflag:s19] =	ssyncset.done $0x0  }
0xb7: {  	s21 =	sor.u32 s22, s21;
	[sflag:s19] =	ssyncadd.s32 $0xFFFF4000  }
0xb8: {  	v12 =	vld [tilespmem:s21+$0xC100]  }
0xb9: {  	v13 =	vld [tilespmem:s21+$0xC110]  }
0xba: {  	v14 =	vld [tilespmem:s21+$0xC120]  }
0xbb: {  	v15 =	vld [tilespmem:s21+$0xC130]  }
0xbc: {  	v16 =	vld [tilespmem:s21+$0xC140]  }
0xbd: {  	v17 =	vld [tilespmem:s21+$0xC150]  }
0xbe: {  	v18 =	vld [tilespmem:s21+$0xC160]  }
0xbf: {  	v19 =	vld [tilespmem:s21+$0xC170]  }
0xc0: {  	v20 =	vld [tilespmem:s21+$0xC500]  }
0xc1: {  	v21 =	vld [tilespmem:s21+$0xC510]  }
0xc2: {  	v22 =	vld [tilespmem:s21+$0xC520]  }
0xc3: {  	v23 =	vld [tilespmem:s21+$0xC530]  }
0xc4: {  	v24 =	vld [tilespmem:s21+$0xC540]  }
0xc5: {  	v25 =	vld [tilespmem:s21+$0xC550]  }
0xc6: {  	v26 =	vld [tilespmem:s21+$0xC560]  }
0xc7: {  	v27 =	vld [tilespmem:s21+$0xC570]  }
0xc8: {  	v28 =	vld [tilespmem:s21+$0xC900]  }
0xc9: {  	v29 =	vld [tilespmem:s21+$0xC910]  }
0xca: {  	v30 =	vld [tilespmem:s21+$0xC920]  }
0xcb: {  	v31 =	vld [tilespmem:s21+$0xC930]  }
0xcc: {  	v32 =	vld [tilespmem:s21+$0xC940]  }
0xcd: {  	v33 =	vld [tilespmem:s21+$0xC950]  }
0xce: {  	v34 =	vld [tilespmem:s21+$0xC960]  }
0xcf: {  	v35 =	vld [tilespmem:s21+$0xC970]  }
0xd0: {  	v36 =	vld [tilespmem:s21+$0xCD00]  }
0xd1: {  	v37 =	vld [tilespmem:s21+$0xCD10]  }
0xd2: {  	v38 =	vld [tilespmem:s21+$0xCD20]  }
0xd3: {  	v39 =	vld [tilespmem:s21+$0xCD30]  }
0xd4: {  	v40 =	vld [tilespmem:s21+$0xCD40]  }
0xd5: {  	v41 =	vld [tilespmem:s21+$0xCD50]  }
0xd6: {  	v42 =	vld [tilespmem:s21+$0xCD60]  }
0xd7: {  	v43 =	vld [tilespmem:s21+$0xCD70]  }
0xd8: {  	v44 =	vld [tilespmem:s21+$0xD100]  }
0xd9: {  	v45 =	vld [tilespmem:s21+$0xD110]  }
0xda: {  	v46 =	vld [tilespmem:s21+$0xD120]  }
0xdb: {  	v47 =	vld [tilespmem:s21+$0xD130]  }
0xdc: {  	v48 =	vld [tilespmem:s21+$0xD140]  }
0xdd: {  	v49 =	vld [tilespmem:s21+$0xD150]  }
0xde: {  	v50 =	vld [tilespmem:s21+$0xD160]  }
0xdf: {  	v11 =	vld [tilespmem:s21+$0xD170]  }
0xe0: {  	v10 =	vld [tilespmem:s21+$0xD500]  }
0xe1: {  	v9 =	vld [tilespmem:s21+$0xD510]  }
0xe2: {  	v8 =	vld [tilespmem:s21+$0xD520]  }
0xe3: {  	v7 =	vld [tilespmem:s21+$0xD530]  }
0xe4: {  	v6 =	vld [tilespmem:s21+$0xD540]  }
0xe5: {  	v51 =	vld [tilespmem:s21+$0x100]  }
0xe6: {  	v52 =	vld [tilespmem:s21+$0x110]  }
0xe7: {  	v53 =	vld [tilespmem:s21+$0x120]  }
0xe8: {  	v54 =	vld [tilespmem:s21+$0x130]  }
0xe9: {  	v55 =	vld [tilespmem:s21+$0x140]  }
0xea: {  	v62 =	vld [tilespmem:s21+$0x150];
	v12 =	vadd.f32 v12, v51  }
0xeb: {  	v63 =	vld [tilespmem:s21+$0x160];
	v13 =	vadd.f32 v13, v52  }
0xec: {  	[tilespmem:s21+$0x100] =	vst v12;
	v12 =	vadd.f32 v14, v53;
	v14 =	vld [tilespmem:s21+$0x170]  }
0xed: {  	[tilespmem:s21+$0x110] =	vst v13;
	v13 =	vadd.f32 v15, v54;
	v15 =	vld [tilespmem:s21+$0x500]  }
0xee: {  	[tilespmem:s21+$0x120] =	vst v12;
	v12 =	vadd.f32 v16, v55;
	v16 =	vld [tilespmem:s21+$0x510]  }
0xef: {  	[tilespmem:s21+$0x130] =	vst v13;
	v13 =	vadd.f32 v17, v62;
	v17 =	vld [tilespmem:s21+$0x520]  }
0xf0: {  	v5 =	vld [tilespmem:s21+$0xD550]  }
0xf1: {  	[tilespmem:s21+$0x140] =	vst v12;
	v12 =	vadd.f32 v18, v63;
	v18 =	vld [tilespmem:s21+$0x570]  }
0xf2: {  	[tilespmem:s21+$0x150] =	vst v13;
	v13 =	vadd.f32 v19, v14;
	v14 =	vld [tilespmem:s21+$0x530]  }
0xf3: {  	[tilespmem:s21+$0x160] =	vst v12;
	v12 =	vadd.f32 v20, v15;
	v15 =	vld [tilespmem:s21+$0x540]  }
0xf4: {  	[tilespmem:s21+$0x170] =	vst v13;
	v13 =	vadd.f32 v21, v16;
	v16 =	vadd.f32 v22, v17;
	v17 =	vld [tilespmem:s21+$0x560]  }
0xf5: {  	[tilespmem:s21+$0x500] =	vst v12;
	v12 =	vld [tilespmem:s21+$0x550]  }
0xf6: {  	[tilespmem:s21+$0x510] =	vst v13;
	v13 =	vld [tilespmem:s21+$0x900];
	v18 =	vadd.f32 v27, v18  }
0xf7: {  	[tilespmem:s21+$0x520] =	vst v16;
	v16 =	vld [tilespmem:s21+$0x910];
	v14 =	vadd.f32 v23, v14  }
0xf8: {  	v4 =	vld [tilespmem:s21+$0xD560];
	v15 =	vadd.f32 v24, v15;
	[tilespmem:s21+$0x570] =	vst v18  }
0xf9: {  	[tilespmem:s21+$0x530] =	vst v14;
	v14 =	vld [tilespmem:s21+$0x920];
	v17 =	vadd.f32 v26, v17  }
0xfa: {  	v12 =	vadd.f32 v25, v12;
	[tilespmem:s21+$0x540] =	vst v15;
	v15 =	vld [tilespmem:s21+$0x930]  }
0xfb: {  	v18 =	vld [tilespmem:s21+$0x970];
	[tilespmem:s21+$0x560] =	vst v17;
	v13 =	vadd.f32 v28, v13  }
0xfc: {  	v16 =	vadd.f32 v29, v16;
	[tilespmem:s21+$0x550] =	vst v12;
	v12 =	vld [tilespmem:s21+$0x940]  }
0xfd: {  	v17 =	vld [tilespmem:s21+$0x950];
	[tilespmem:s21+$0x900] =	vst v13  }
0xfe: {  	[tilespmem:s21+$0x910] =	vst v16;
	v16 =	vld [tilespmem:s21+$0x960];
	v13 =	vadd.f32 v30, v14  }
0xff: {  	v14 =	vld [tilespmem:s21+$0xD00];
	v15 =	vadd.f32 v31, v15  }
0x100: {  	[tilespmem:s21+$0x920] =	vst v13;
	v13 =	vld [tilespmem:s21+$0xD10]  }
0x101: {  	v12 =	vadd.f32 v32, v12;
	[tilespmem:s21+$0x930] =	vst v15;
	v15 =	vld [tilespmem:s21+$0xD20]  }
0x102: {  	v3 =	vld [tilespmem:s21+$0xD570];
	v17 =	vadd.f32 v33, v17  }
0x103: {  	v16 =	vadd.f32 v34, v16;
	[tilespmem:s21+$0x940] =	vst v12;
	v12 =	vld [tilespmem:s21+$0xD30]  }
0x104: {  	[tilespmem:s21+$0x950] =	vst v17;
	v17 =	vld [tilespmem:s21+$0xD40];
	v14 =	vadd.f32 v36, v14  }
0x105: {  	v18 =	vadd.f32 v35, v18;
	[tilespmem:s21+$0x960] =	vst v16;
	v16 =	vld [tilespmem:s21+$0xD50]  }
0x106: {  	v13 =	vadd.f32 v37, v13;
	[tilespmem:s21+$0xD00] =	vst v14;
	v14 =	vadd.f32 v38, v15;
	v15 =	vld [tilespmem:s21+$0xD60]  }
0x107: {  	[tilespmem:s21+$0x970] =	vst v18;
	v18 =	vld [tilespmem:s21+$0xD70]  }
0x108: {  	[tilespmem:s21+$0xD10] =	vst v13;
	v13 =	vld [tilespmem:s21+$0x1100];
	v12 =	vadd.f32 v39, v12  }
0x109: {  	v17 =	vadd.f32 v40, v17;
	[tilespmem:s21+$0xD20] =	vst v14;
	v14 =	vld [tilespmem:s21+$0x1110]  }
0x10a: {  	v16 =	vadd.f32 v41, v16;
	[tilespmem:s21+$0xD30] =	vst v12;
	v12 =	vld [tilespmem:s21+$0x1120]  }
0x10b: {  	[tilespmem:s21+$0xD40] =	vst v17;
	v17 =	vld [tilespmem:s21+$0x1130];
	v15 =	vadd.f32 v42, v15  }
0x10c: {  	v19 =	vld [tilespmem:s21+$0x1140];
	[tilespmem:s21+$0xD50] =	vst v16;
	v16 =	vadd.f32 v43, v18  }
0x10d: {  	v18 =	vld [tilespmem:s21+$0x1150];
	v13 =	vadd.f32 v44, v13;
	[tilespmem:s21+$0xD60] =	vst v15  }
0x10e: {  	v20 =	vld [tilespmem:s21+$0x1160];
	[tilespmem:s21+$0xD70] =	vst v16;
	v14 =	vadd.f32 v45, v14  }
0x10f: {  	v16 =	vld [tilespmem:s21+$0x1170];
	[tilespmem:s21+$0x1100] =	vst v13;
	v12 =	vadd.f32 v46, v12  }
0x110: {  	v15 =	vld [tilespmem:s21+$0x1500];
	v13 =	vadd.f32 v47, v17;
	[tilespmem:s21+$0x1110] =	vst v14  }
0x111: {  	v14 =	vld [tilespmem:s21+$0x1510];
	[tilespmem:s21+$0x1120] =	vst v12;
	v12 =	vadd.f32 v48, v19  }
0x112: {  	[tilespmem:s21+$0x1130] =	vst v13;
	v13 =	vld [tilespmem:s21+$0x1520];
	v18 =	vadd.f32 v49, v18  }
0x113: {  	s22 =	simm.s32 $0x1;
	s23 =	simm.s32 $0x0;
	v17 =	vadd.f32 v50, v20;
	[tilespmem:s21+$0x1140] =	vst v12;
	v12 =	vld [tilespmem:s21+$0x1530]  }
.LBB2_2:
0x114: {  	s24 =	sshrl.u32 s22, $0x3;
	p0 =	sne.s32 s22, $0x3F;
	[tilespmem:s21+$0x1150] =	vst v18;
	v11 =	vadd.f32 v11, v16;
	v16 =	vld [tilespmem:s21+$0x1540]  }
0x115: {  	s23 =	sadd.s32 $0x80, s23;
	s24 =	smul.u32 $0x1800, s24;
	[tilespmem:s21+$0x1160] =	vst v17;
	v10 =	vadd.f32 v10, v15;
	v15 =	vld [tilespmem:s21+$0x1550]  }
0x116: {  	s25 =	sand.u32 $0x380, s23;
	[tilespmem:s21+$0x1170] =	vst v11;
	v9 =	vadd.f32 v9, v14;
	v11 =	vld [tilespmem:s21+$0x1560]  }
0x117: {  	s24 =	sor.u32 s25, s24;
	[tilespmem:s21+$0x1500] =	vst v10;
	v8 =	vadd.f32 v8, v13;
	v10 =	vld [tilespmem:s21+$0x1570]  }
0x118: {  	v39 =	vld [tilespmem:s24+$0xC100];
	[tilespmem:s21+$0x1510] =	vst v9;
	v7 =	vadd.f32 v7, v12  }
0x119: {  	v40 =	vld [tilespmem:s24+$0xC110];
	[tilespmem:s21+$0x1520] =	vst v8;
	v6 =	vadd.f32 v6, v16  }
0x11a: {  	v41 =	vld [tilespmem:s24+$0xC120];
	[tilespmem:s21+$0x1530] =	vst v7;
	v5 =	vadd.f32 v5, v15  }
0x11b: {  	v42 =	vld [tilespmem:s24+$0xC130];
	[tilespmem:s21+$0x1540] =	vst v6;
	v4 =	vadd.f32 v4, v11  }
0x11c: {  	v43 =	vld [tilespmem:s24+$0xC140];
	[tilespmem:s21+$0x1550] =	vst v5;
	v3 =	vadd.f32 v3, v10  }
0x11d: {  	v44 =	vld [tilespmem:s24+$0xC150];
	[tilespmem:s21+$0x1560] =	vst v4  }
0x11e: {  	v45 =	vld [tilespmem:s24+$0xC160];
	[tilespmem:s21+$0x1570] =	vst v3;
	s21 =	smov.u32 s24  }
0x11f: {  	v46 =	vld [tilespmem:s21+$0xC170]  }
0x120: {  	v47 =	vld [tilespmem:s21+$0xC500]  }
0x121: {  	v48 =	vld [tilespmem:s21+$0xC510]  }
0x122: {  	v49 =	vld [tilespmem:s21+$0xC520]  }
0x123: {  	v50 =	vld [tilespmem:s21+$0xC530]  }
0x124: {  	v38 =	vld [tilespmem:s21+$0xC540]  }
0x125: {  	v37 =	vld [tilespmem:s21+$0xC550]  }
0x126: {  	v36 =	vld [tilespmem:s21+$0xC560]  }
0x127: {  	v35 =	vld [tilespmem:s21+$0xC570]  }
0x128: {  	v34 =	vld [tilespmem:s21+$0xC900]  }
0x129: {  	v33 =	vld [tilespmem:s21+$0xC910]  }
0x12a: {  	v32 =	vld [tilespmem:s21+$0xC920]  }
0x12b: {  	v31 =	vld [tilespmem:s21+$0xC930]  }
0x12c: {  	v30 =	vld [tilespmem:s21+$0xC940]  }
0x12d: {  	v29 =	vld [tilespmem:s21+$0xC950]  }
0x12e: {  	v28 =	vld [tilespmem:s21+$0xC960]  }
0x12f: {  	v27 =	vld [tilespmem:s21+$0xC970]  }
0x130: {  	v26 =	vld [tilespmem:s21+$0xCD00]  }
0x131: {  	v25 =	vld [tilespmem:s21+$0xCD10]  }
0x132: {  	v24 =	vld [tilespmem:s21+$0xCD20]  }
0x133: {  	v23 =	vld [tilespmem:s21+$0xCD30]  }
0x134: {  	v22 =	vld [tilespmem:s21+$0xCD40]  }
0x135: {  	v21 =	vld [tilespmem:s21+$0xCD50]  }
0x136: {  	v20 =	vld [tilespmem:s21+$0xCD60]  }
0x137: {  	v19 =	vld [tilespmem:s21+$0xCD70]  }
0x138: {  	v18 =	vld [tilespmem:s21+$0xD100]  }
0x139: {  	v17 =	vld [tilespmem:s21+$0xD110]  }
0x13a: {  	v16 =	vld [tilespmem:s21+$0xD120]  }
0x13b: {  	v15 =	vld [tilespmem:s21+$0xD130]  }
0x13c: {  	v14 =	vld [tilespmem:s21+$0xD140]  }
0x13d: {  	v13 =	vld [tilespmem:s21+$0xD150]  }
0x13e: {  	v12 =	vld [tilespmem:s21+$0xD160]  }
0x13f: {  	v11 =	vld [tilespmem:s21+$0xD170]  }
0x140: {  	v10 =	vld [tilespmem:s21+$0xD500]  }
0x141: {  	v9 =	vld [tilespmem:s21+$0xD510]  }
0x142: {  	v8 =	vld [tilespmem:s21+$0xD520]  }
0x143: {  	v7 =	vld [tilespmem:s21+$0xD530]  }
0x144: {  	v6 =	vld [tilespmem:s21+$0xD540]  }
0x145: {  	v5 =	vld [tilespmem:s21+$0xD550]  }
0x146: {  	v4 =	vld [tilespmem:s21+$0xD560]  }
0x147: {  	v3 =	vld [tilespmem:s21+$0xD570]  }
0x148: {  	v51 =	vld [tilespmem:s21+$0x100]  }
0x149: {  	v52 =	vld [tilespmem:s21+$0x110]  }
0x14a: {  	v53 =	vld [tilespmem:s21+$0x120]  }
0x14b: {  	v54 =	vld [tilespmem:s21+$0x130]  }
0x14c: {  	v55 =	vld [tilespmem:s21+$0x140]  }
0x14d: {  	v39 =	vadd.f32 v39, v51;
	v51 =	vld [tilespmem:s21+$0x150]  }
0x14e: {  	v40 =	vadd.f32 v40, v52;
	v52 =	vld [tilespmem:s21+$0x160]  }
0x14f: {  	[tilespmem:s21+$0x100] =	vst v39;
	v39 =	vadd.f32 v41, v53;
	v41 =	vld [tilespmem:s21+$0x170]  }
0x150: {  	[tilespmem:s21+$0x110] =	vst v40;
	v40 =	vadd.f32 v42, v54;
	v42 =	vld [tilespmem:s21+$0x500]  }
0x151: {  	[tilespmem:s21+$0x120] =	vst v39;
	v39 =	vadd.f32 v43, v55;
	v43 =	vld [tilespmem:s21+$0x510]  }
0x152: {  	[tilespmem:s21+$0x130] =	vst v40;
	v40 =	vadd.f32 v44, v51;
	v44 =	vld [tilespmem:s21+$0x520]  }
0x153: {  	[tilespmem:s21+$0x140] =	vst v39;
	v39 =	vadd.f32 v45, v52;
	v45 =	vld [tilespmem:s21+$0x530]  }
0x154: {  	[tilespmem:s21+$0x150] =	vst v40;
	v40 =	vadd.f32 v46, v41;
	v41 =	vld [tilespmem:s21+$0x540]  }
0x155: {  	[tilespmem:s21+$0x160] =	vst v39;
	v39 =	vadd.f32 v47, v42;
	v42 =	vld [tilespmem:s21+$0x550]  }
0x156: {  	[tilespmem:s21+$0x170] =	vst v40;
	v40 =	vadd.f32 v48, v43;
	v43 =	vld [tilespmem:s21+$0x560]  }
0x157: {  	[tilespmem:s21+$0x500] =	vst v39;
	v39 =	vadd.f32 v49, v44;
	v44 =	vld [tilespmem:s21+$0x570]  }
0x158: {  	[tilespmem:s21+$0x510] =	vst v40;
	v40 =	vadd.f32 v50, v45;
	v45 =	vld [tilespmem:s21+$0x900]  }
0x159: {  	[tilespmem:s21+$0x520] =	vst v39;
	v38 =	vadd.f32 v38, v41;
	v39 =	vld [tilespmem:s21+$0x910]  }
0x15a: {  	[tilespmem:s21+$0x530] =	vst v40;
	v37 =	vadd.f32 v37, v42;
	v40 =	vld [tilespmem:s21+$0x920]  }
0x15b: {  	[tilespmem:s21+$0x540] =	vst v38;
	v36 =	vadd.f32 v36, v43;
	v38 =	vld [tilespmem:s21+$0x930]  }
0x15c: {  	[tilespmem:s21+$0x550] =	vst v37;
	v35 =	vadd.f32 v35, v44;
	v37 =	vld [tilespmem:s21+$0x940]  }
0x15d: {  	[tilespmem:s21+$0x560] =	vst v36;
	v34 =	vadd.f32 v34, v45;
	v36 =	vld [tilespmem:s21+$0x950]  }
0x15e: {  	[tilespmem:s21+$0x570] =	vst v35;
	v33 =	vadd.f32 v33, v39;
	v35 =	vld [tilespmem:s21+$0x960]  }
0x15f: {  	[tilespmem:s21+$0x900] =	vst v34;
	v32 =	vadd.f32 v32, v40;
	v34 =	vld [tilespmem:s21+$0x970]  }
0x160: {  	[tilespmem:s21+$0x910] =	vst v33;
	v31 =	vadd.f32 v31, v38;
	v33 =	vld [tilespmem:s21+$0xD00]  }
0x161: {  	[tilespmem:s21+$0x920] =	vst v32;
	v30 =	vadd.f32 v30, v37;
	v32 =	vld [tilespmem:s21+$0xD10]  }
0x162: {  	[tilespmem:s21+$0x930] =	vst v31;
	v29 =	vadd.f32 v29, v36;
	v31 =	vld [tilespmem:s21+$0xD20]  }
0x163: {  	[tilespmem:s21+$0x940] =	vst v30;
	v28 =	vadd.f32 v28, v35;
	v30 =	vld [tilespmem:s21+$0xD30]  }
0x164: {  	[tilespmem:s21+$0x950] =	vst v29;
	v27 =	vadd.f32 v27, v34;
	v29 =	vld [tilespmem:s21+$0xD40]  }
0x165: {  	[tilespmem:s21+$0x960] =	vst v28;
	v26 =	vadd.f32 v26, v33;
	v28 =	vld [tilespmem:s21+$0xD50]  }
0x166: {  	[tilespmem:s21+$0x970] =	vst v27;
	v25 =	vadd.f32 v25, v32;
	v27 =	vld [tilespmem:s21+$0xD60]  }
0x167: {  	[tilespmem:s21+$0xD00] =	vst v26;
	v24 =	vadd.f32 v24, v31;
	v26 =	vld [tilespmem:s21+$0xD70]  }
0x168: {  	[tilespmem:s21+$0xD10] =	vst v25;
	v23 =	vadd.f32 v23, v30;
	v25 =	vld [tilespmem:s21+$0x1100]  }
0x169: {  	[tilespmem:s21+$0xD20] =	vst v24;
	v22 =	vadd.f32 v22, v29;
	v24 =	vld [tilespmem:s21+$0x1110]  }
0x16a: {  	[tilespmem:s21+$0xD30] =	vst v23;
	v21 =	vadd.f32 v21, v28;
	v23 =	vld [tilespmem:s21+$0x1120]  }
0x16b: {  	[tilespmem:s21+$0xD40] =	vst v22;
	v20 =	vadd.f32 v20, v27;
	v22 =	vld [tilespmem:s21+$0x1130]  }
0x16c: {  	[tilespmem:s21+$0xD50] =	vst v21;
	v19 =	vadd.f32 v19, v26;
	v21 =	vld [tilespmem:s21+$0x1140]  }
0x16d: {  	[tilespmem:s21+$0xD60] =	vst v20;
	v18 =	vadd.f32 v18, v25;
	v20 =	vld [tilespmem:s21+$0x1150]  }
0x16e: {  	[tilespmem:s21+$0xD70] =	vst v19;
	v17 =	vadd.f32 v17, v24;
	v19 =	vld [tilespmem:s21+$0x1160]  }
.Ltmp0:
0x16f: {  	[tilespmem:s21+$0x1100] =	vst v18;
	v18 =	vadd.f32 v16, v23;
	v16 =	vld [tilespmem:s21+$0x1170];
	(pc) =	sbr.rel @p0 .LBB2_2-.Ltmp0, $4  }
0x170: {  	[tilespmem:s21+$0x1110] =	vst v17;
	v17 =	vadd.f32 v15, v22;
	v15 =	vld [tilespmem:s21+$0x1500]  }
0x171: {  	[tilespmem:s21+$0x1120] =	vst v18;
	v21 =	vadd.f32 v14, v21;
	v14 =	vld [tilespmem:s21+$0x1510]  }
0x172: {  	[tilespmem:s21+$0x1130] =	vst v17;
	v18 =	vadd.f32 v13, v20;
	v13 =	vld [tilespmem:s21+$0x1520]  }
0x173: {  	s22 =	sadd.s32 $0x1, s22;
	[tilespmem:s21+$0x1140] =	vst v21;
	v17 =	vadd.f32 v12, v19;
	v12 =	vld [tilespmem:s21+$0x1530]  }
0x174: {  	[tilespmem:s21+$0x1150] =	vst v18;
	v60 =	vld [tilespmem:s21+$0x1540];
	v11 =	vadd.f32 v11, v16  }
0x175: {  	v61 =	vld [tilespmem:s21+$0x1550];
	[tilespmem:s21+$0x1160] =	vst v17;
	v10 =	vadd.f32 v10, v15  }
0x176: {  	v62 =	vld [tilespmem:s21+$0x1560];
	[tilespmem:s21+$0x1170] =	vst v11;
	v9 =	vadd.f32 v9, v14  }
0x177: {  	v63 =	vld [tilespmem:s21+$0x1570];
	[tilespmem:s21+$0x1500] =	vst v10;
	v8 =	vadd.f32 v8, v13  }
0x178: {  	[tilespmem:s21+$0x1510] =	vst v9;
	v7 =	vadd.f32 v7, v12  }
0x179: {  	[tilespmem:s21+$0x1520] =	vst v8;
	v6 =	vadd.f32 v6, v60  }
0x17a: {  	v5 =	vadd.f32 v5, v61;
	[tilespmem:s21+$0x1530] =	vst v7  }
0x17b: {  	v4 =	vadd.f32 v4, v62;
	[tilespmem:s21+$0x1540] =	vst v6  }
0x17c: {  	s20 =	sadd.s32 $0x1, s20;
	v3 =	vadd.f32 v3, v63;
	[tilespmem:s21+$0x1550] =	vst v5  }
0x17d: {  	p0 =	sne.s32 s20, s9;
	[tilespmem:s21+$0x1560] =	vst v4  }
.Ltmp1:
0x17e: {  	[tilespmem:s21+$0x1570] =	vst v3;
	(pc) =	sbr.rel @p0 .LBB2_1-.Ltmp1, $4  }
0x17f: {  	[hbm4b:s8+s2] =	stream.linear.scatter [tilespmem:s12], [sflag:$0x3], $0xC000, $0x38;
	[tilespmem:$0x18100] =	vst v63  }
0x180: {  	_ =	swait.ge [sflag:s10], $0xC000  }
0x181: {  	[sflag:s10] =	ssyncset.done $0x0  }
0x182: {  	[sflag:s10] =	ssyncadd.s32 $0xFFFF4000  }
0x183: {  	_ =	sfence.sel $0x180000  }
0x184: {  	[bflag:$0x0] =	sbarrier.arrive $0xFFFF  }
0x185: {  	_ =	strace $0x9000004A  }
0x186: {  	s0 =	stileid.u32;
	[bflag:$0x2] =	sbarrier.arrive $0xFFFF  }
0x187: {  	p0 =	sne.s32 s0, $0x0;
	s0 =	rddreg [dreg:$0x2]  }
0x188: {  	s0 =	sadd.s32 @!p0 $0x100000, s0  }
0x189: {  	[sflag:s0] =	ssyncadd.tile.s32 @!p0 $0x1;
	_ =	shalt  }
.Lfunc_end2:
_tile_overlayer_lowered:
.L_overlay_start_2:
0x18a: {  	(tag) =	ssettag $0x2  }
0x18b: {  	s0 =	rddreg [dreg:$0x0];
	s2 =	stileid.u32  }
0x18c: {  	s1 =	rddreg [dreg:$0x1];
	p0 =	sne.s32 s2, $0x0  }
0x18d: {  	s3 =	rddreg [dreg:$0x2];
	[bflag:$0x3] =	sbarrier.arrive $0xFFFF;
	s2 =	simm.s32 @!p0 $0x1C03  }
0x18e: {  	[timem:s3], [sflag:s2] =	dma.local @!p0 [hbm:s0], s1  }
0x18f: {  	s0 =	simm.s32 @!p0 $0x3  }
0x190: {  	_ =	swait.ge @!p0 [sflag:s0], s1  }
0x191: {  	s1 =	ssub.s32 @!p0 $0x0, s1;
	[sflag:s0] =	ssyncset.done @!p0 $0x0  }
0x192: {  	[sflag:s0] =	ssyncadd.s32 @!p0 s1  }
0x193: {  	[bflag:$0x3] =	sbarrier.arrive $0xFFFF  }
0x194: {  	_ =	shalt  }

</sc_bundles>
